<compile_context>
chip_gen: v7x
topology: tpu7x:2x2x1
jax: 0.10.2.dev20260603
libtpu: 0.0.44.dev20260713+nightly
codegen_flags: <defaults>
</compile_context>

<pallas_src>
import functools

import jax
import jax.numpy as jnp
from jax import lax
from jax.experimental import pallas as pl
from jax.experimental.pallas import tpu as pltpu
from jax.experimental.pallas import tpu_sc as plsc

VOCAB = 50760
TYPES = 7
D = 64
DP = 128
B, S = 4096, 200
N = B * S
EPS = 1e-12

NC, NS = 2, 16
NW = NC * NS
NPW = N // NW
CH = 128
NCHUNK = NPW // CH


_DNUMS = lax.GatherDimensionNumbers(
    offset_dims=(), collapsed_slice_dims=(0,), start_index_map=(0,))


def _permute(x, idx):
    return lax.gather(x, idx, dimension_numbers=_DNUMS, slice_sizes=(1,),
                      mode=lax.GatherScatterMode.PROMISE_IN_BOUNDS)


_mesh = plsc.VectorSubcoreMesh(core_axis_name="c", subcore_axis_name="s")


@functools.partial(
    pl.kernel,
    out_type=jax.ShapeDtypeStruct((N, D), jnp.float32),
    mesh=_mesh,
    compiler_params=pltpu.CompilerParams(use_tc_tiling_on_sc=True),
    scratch_types=[
        pltpu.VMEM((NCHUNK, CH), jnp.int32),
        pltpu.VMEM((NCHUNK, CH), jnp.int32),
        pltpu.VMEM_SHARED((TYPES, DP), jnp.float32),
        pltpu.VMEM((CH, DP), jnp.float32),
        pltpu.VMEM((CH, DP), jnp.float32),
        pltpu.VMEM((CH, D), jnp.float32),
        pltpu.VMEM((CH, D), jnp.float32),
        pltpu.VMEM((D,), jnp.float32),
        pltpu.VMEM((D,), jnp.float32),
        pltpu.SemaphoreType.DMA,
        pltpu.SemaphoreType.DMA,
        pltpu.SemaphoreType.DMA,
        pltpu.SemaphoreType.DMA,
        pltpu.SemaphoreType.DMA,
        pltpu.SemaphoreType.DMA,
    ],
)
def _emb_ln_kernel(ids_hbm, tids_hbm, table_hbm, ttab_hbm, gamma_hbm, beta_hbm,
                   out_hbm, idx_all, tidx_all, ttab_sh, rows0, rows1,
                   outb0, outb1, g_v, b_v, sg0, sg1, st0, st1, sw0, sw1):
    rows = (rows0, rows1)
    outs = (outb0, outb1)
    sg = (sg0, sg1)
    st = (st0, st1)
    sw = (sw0, sw1)

    sid = lax.axis_index("s")
    wid = sid * NC + lax.axis_index("c")
    base0 = wid * NPW
    pltpu.sync_copy(gamma_hbm, g_v)
    pltpu.sync_copy(beta_hbm, b_v)

    @pl.when(sid == 0)
    def _():
        pltpu.sync_copy(ttab_hbm, ttab_sh)

    pltpu.sync_copy(ids_hbm.at[wid], idx_all)
    pltpu.sync_copy(tids_hbm.at[wid], tidx_all)
    plsc.subcore_barrier()

    gs = [g_v[pl.ds(16 * j, 16)] for j in range(4)]
    bs = [b_v[pl.ds(16 * j, 16)] for j in range(4)]

    lanes = lax.iota(jnp.int32, 16)
    perms = [lax.reshape(lanes ^ k, (16, 1)) for k in (1, 2, 4, 8)]
    idx_lo = jnp.zeros((16, 1), jnp.int32)
    idx_hi = jnp.full((16, 1), 8, jnp.int32)
    lo_mask = lanes < 8
    c_inv_d = jnp.full((16,), 1.0 / D, jnp.float32)
    c_15 = jnp.full((16,), 1.5, jnp.float32)
    c_half = jnp.full((16,), 0.5, jnp.float32)
    c_eps = jnp.full((16,), EPS, jnp.float32)
    c_magic = jnp.full((16,), 0x5F3759DF, jnp.int32)

    def issue_g(c, b):
        pltpu.async_copy(table_hbm.at[idx_all.at[c]], rows[b], sg[b])

    def wait_g(b):
        pltpu.make_async_copy(table_hbm.at[idx_all.at[0]], rows[b], sg[b]).wait()

    def issue_tadd(c, b):
        pltpu.async_copy(ttab_sh.at[tidx_all.at[c]], rows[b], st[b], add=True)

    def wait_tadd(b):
        pltpu.make_async_copy(ttab_sh.at[tidx_all.at[0]], rows[b], st[b]).wait()

    def wait_wb(b):
        pltpu.make_async_copy(outs[b], out_hbm.at[pl.ds(0, CH)], sw[b]).wait()

    def compute(b):
        rv, ov = rows[b], outs[b]

        def pair_body(p, carry):
            i0 = p * 2
            i1 = i0 + 1
            xi = [rv[i0, pl.ds(16 * j, 16)] for j in range(4)]
            xk = [rv[i1, pl.ds(16 * j, 16)] for j in range(4)]
            si = (xi[0] + xi[1]) + (xi[2] + xi[3])
            sk = (xk[0] + xk[1]) + (xk[2] + xk[3])
            qi = (xi[0] * xi[0] + xi[1] * xi[1]) + (xi[2] * xi[2] + xi[3] * xi[3])
            qk = (xk[0] * xk[0] + xk[1] * xk[1]) + (xk[2] * xk[2] + xk[3] * xk[3])
            sm = jnp.where(lo_mask, si + _permute(si, perms[3]),
                           sk + _permute(sk, perms[3]))
            qm = jnp.where(lo_mask, qi + _permute(qi, perms[3]),
                           qk + _permute(qk, perms[3]))
            for perm in perms[:3]:
                sm = sm + _permute(sm, perm)
                qm = qm + _permute(qm, perm)
            mu = sm * c_inv_d
            var = qm * c_inv_d - mu * mu + c_eps
            hv = c_half * var
            y = lax.bitcast_convert_type(
                c_magic - (lax.bitcast_convert_type(var, jnp.int32) >> 1),
                jnp.float32)
            y = y * (c_15 - hv * y * y)
            y = y * (c_15 - hv * y * y)
            mu_i = _permute(mu, idx_lo)
            mu_k = _permute(mu, idx_hi)
            a_i = _permute(y, idx_lo)
            a_k = _permute(y, idx_hi)
            for j in range(4):
                ov[i0, pl.ds(16 * j, 16)] = (xi[j] - mu_i) * (a_i * gs[j]) + bs[j]
                ov[i1, pl.ds(16 * j, 16)] = (xk[j] - mu_k) * (a_k * gs[j]) + bs[j]
            return carry

        lax.fori_loop(0, CH // 2, pair_body, 0, unroll=1)

    def writeback(c, b):
        pltpu.async_copy(outs[b], out_hbm.at[pl.ds(base0 + c * CH, CH)], sw[b])

    def slot(c, b, do_wait_wb, pf_g, pf_t):
        wait_tadd(b)
        if do_wait_wb:
            wait_wb(b)
        compute(b)
        writeback(c, b)
        if pf_g:
            issue_g(c + 2, b)
        if pf_t:
            wait_g(1 - b)
            issue_tadd(c + 1, 1 - b)

    issue_g(0, 0)
    issue_g(1, 1)
    wait_g(0)
    issue_tadd(0, 0)

    slot(0, 0, False, True, True)
    slot(1, 1, False, True, True)

    def main_body(it, carry):
        c0 = it * 2
        slot(c0, 0, True, True, True)
        slot(c0 + 1, 1, True, True, True)
        return carry

    lax.fori_loop(1, NCHUNK // 2 - 1, main_body, 0)

    slot(NCHUNK - 2, 0, True, False, True)
    slot(NCHUNK - 1, 1, True, False, False)
    wait_wb(0)
    wait_wb(1)


def kernel(input_ids, type_ids, dpe_ids, times, input_table, type_table, gamma, beta):
    del dpe_ids, times
    table_p = jnp.pad(input_table, ((0, 0), (0, DP - D)))
    ttab_p = jnp.pad(type_table, ((0, 0), (0, DP - D)))
    ids = input_ids.reshape(NW, NCHUNK, CH)
    tids = type_ids.reshape(NW, NCHUNK, CH)
    out = _emb_ln_kernel(ids, tids, table_p, ttab_p, gamma, beta)
    return out.reshape(B, S, D)

# --- scband reference (transcript-rebuilt; emitter-appended) ---
"""Pipeline reference for scband-feat-emb-4793183502662 (READ-ONLY COPY).

The authoritative reference and input builder live on the scoring server;
editing this copy changes nothing except your own understanding.
"""

import jax, jax.numpy as jnp
import numpy as np

VOCAB = 50760   # mimiciii_eicu_mimiciv 'all_features' codebook
TYPES = 7
D = 64
B, S = 4096, 200
EPS = 1e-12


def setup_inputs(seed: int = 0) -> dict:
    key = jax.random.key(seed)
    k1, k2, k3, k4, k5 = jax.random.split(key, 5)
    input_ids = jax.random.randint(k1, (B, S), 0, VOCAB, dtype=jnp.int32)
    type_ids = jax.random.randint(k2, (B, S), 0, TYPES, dtype=jnp.int32)
    dpe_ids = jnp.zeros((B, S), dtype=jnp.int32)  # unused (emb_type != 'textbase')
    times = jax.random.normal(k3, (B, S), dtype=jnp.float32)  # unused (time_embed != 'encoder')
    # learned parameters; padding_idx=0 rows start as zeros, matching nn.Embedding(padding_idx=0)
    input_table = jax.random.normal(k4, (VOCAB, D), dtype=jnp.float32) * 0.02
    input_table = input_table.at[0].set(0.0)
    type_table = jax.random.normal(k5, (TYPES, D), dtype=jnp.float32) * 0.02
    type_table = type_table.at[0].set(0.0)
    gamma = jnp.ones((D,), dtype=jnp.float32)
    beta = jnp.zeros((D,), dtype=jnp.float32)
    return {
        "input_ids": input_ids,
        "type_ids": type_ids,
        "dpe_ids": dpe_ids,
        "times": times,
        "input_table": input_table,
        "type_table": type_table,
        "gamma": gamma,
        "beta": beta,
    }


def _layer_norm(x, gamma, beta):
    mu = jnp.mean(x, axis=-1, keepdims=True)
    var = jnp.mean(jnp.square(x - mu), axis=-1, keepdims=True)
    return (x - mu) / jnp.sqrt(var + EPS) * gamma + beta


def reference(input_ids, type_ids, dpe_ids, times, input_table, type_table, gamma, beta):
    # x = input_ids_embedding(input_ids)
    x = jnp.take(input_table, input_ids, axis=0)
    # x += type_ids_embedding(type_ids)   (type_token=True)
    x = x + jnp.take(type_table, type_ids, axis=0)
    # dpe embedding: None (emb_type != 'textbase')
    # time_embed != 'encoder' and structure == 'fl': no sinusoidal time pe, no reshape
    # pos_enc=False: no positional encoder
    x = _layer_norm(x, gamma, beta)
    return x

if __name__ == "__main__":
    import jax
    _d = setup_inputs()
    print(jax.jit(kernel)(*tuple(_d.values())))

</pallas_src>

<mosaic_0001>
#map = affine_map<(d0, d1) -> (0, 0, 0)>
#map1 = affine_map<(d0, d1) -> (0, 0)>
#map2 = affine_map<(d0, d1) -> (0)>
module attributes {stable_mosaic.version = 14 : i64} {
  func.func @_emb_ln_kernel(%arg0: i32, %arg1: i32, %arg2: memref<32x200x128xi32, #tpu.memory_space<hbm>>, %arg3: memref<32x200x128xi32, #tpu.memory_space<hbm>>, %arg4: memref<50760x128xf32, #tpu.memory_space<hbm>>, %arg5: memref<7x128xf32, #tpu.memory_space<hbm>>, %arg6: memref<64xf32, #tpu.memory_space<hbm>>, %arg7: memref<64xf32, #tpu.memory_space<hbm>>, %arg8: memref<819200x64xf32, #tpu.memory_space<hbm>>, %arg9: memref<200x128xi32, #tpu.memory_space<vmem>>, %arg10: memref<200x128xi32, #tpu.memory_space<vmem>>, %arg11: memref<7x128xf32, #tpu.memory_space<vmem_shared>>, %arg12: memref<128x128xf32, #tpu.memory_space<vmem>>, %arg13: memref<128x128xf32, #tpu.memory_space<vmem>>, %arg14: memref<128x64xf32, #tpu.memory_space<vmem>>, %arg15: memref<128x64xf32, #tpu.memory_space<vmem>>, %arg16: memref<64xf32, #tpu.memory_space<vmem>>, %arg17: memref<64xf32, #tpu.memory_space<vmem>>, %arg18: memref<!tpu.dma_semaphore, #tpu.memory_space<semaphore_mem>>, %arg19: memref<!tpu.dma_semaphore, #tpu.memory_space<semaphore_mem>>, %arg20: memref<!tpu.dma_semaphore, #tpu.memory_space<semaphore_mem>>, %arg21: memref<!tpu.dma_semaphore, #tpu.memory_space<semaphore_mem>>, %arg22: memref<!tpu.dma_semaphore, #tpu.memory_space<semaphore_mem>>, %arg23: memref<!tpu.dma_semaphore, #tpu.memory_space<semaphore_mem>>) attributes {dimension_semantics = [#tpu.dimension_semantics<core_parallel>, #tpu.dimension_semantics<subcore_parallel>], iteration_bounds = array<i64: 2, 16>, scalar_prefetch = 0 : i64, scratch_operands = 15 : i64, tpu.core_type = #tpu.core_type<sc_vector_subcore>, window_params = [{transform_indices = #map}, {transform_indices = #map}, {transform_indices = #map1}, {transform_indices = #map1}, {transform_indices = #map2}, {transform_indices = #map2}, {transform_indices = #map1}]} {
    %mul3A = arith.constant 2 : i32
    %mul3A_0 = arith.muli %arg1, %mul3A : i32
    %add3A = arith.addi %mul3A_0, %arg0 : i32
    %mul3A_1 = arith.constant 25600 : i32
    %mul3A_2 = arith.muli %add3A, %mul3A_1 : i32
    "tpu.region"() ({
      %run_scoped3A = tpu.sem_alloc : memref<!tpu.dma_semaphore, #tpu.memory_space<semaphore_mem>>
      tpu.enqueue_dma source(%arg6 : memref<64xf32, #tpu.memory_space<hbm>>) target(%arg16 : memref<64xf32, #tpu.memory_space<vmem>>) target_semaphore(%run_scoped3A : memref<!tpu.dma_semaphore, #tpu.memory_space<semaphore_mem>>)
      tpu.wait_dma2 semaphore(%run_scoped3A : memref<!tpu.dma_semaphore, #tpu.memory_space<semaphore_mem>>) src(%arg6 : memref<64xf32, #tpu.memory_space<hbm>>) dst(%arg16 : memref<64xf32, #tpu.memory_space<vmem>>)
      tpu.yield
    }) : () -> ()
    "tpu.region"() ({
      %run_scoped3A = tpu.sem_alloc : memref<!tpu.dma_semaphore, #tpu.memory_space<semaphore_mem>>
      tpu.enqueue_dma source(%arg7 : memref<64xf32, #tpu.memory_space<hbm>>) target(%arg17 : memref<64xf32, #tpu.memory_space<vmem>>) target_semaphore(%run_scoped3A : memref<!tpu.dma_semaphore, #tpu.memory_space<semaphore_mem>>)
      tpu.wait_dma2 semaphore(%run_scoped3A : memref<!tpu.dma_semaphore, #tpu.memory_space<semaphore_mem>>) src(%arg7 : memref<64xf32, #tpu.memory_space<hbm>>) dst(%arg17 : memref<64xf32, #tpu.memory_space<vmem>>)
      tpu.yield
    }) : () -> ()
    %eq3A = arith.constant 0 : i32
    %eq3A_3 = arith.cmpi eq, %arg1, %eq3A : i32
    %convert_element_type3A = arith.extui %eq3A_3 : i1 to i32
    %cond3A = arith.constant 0 : i32
    %cond3A_4 = arith.cmpi ne, %convert_element_type3A, %cond3A : i32
    scf.if %cond3A_4 {
      "tpu.region"() ({
        %run_scoped3A = tpu.sem_alloc : memref<!tpu.dma_semaphore, #tpu.memory_space<semaphore_mem>>
        tpu.enqueue_dma source(%arg5 : memref<7x128xf32, #tpu.memory_space<hbm>>) target(%arg11 : memref<7x128xf32, #tpu.memory_space<vmem_shared>>) target_semaphore(%run_scoped3A : memref<!tpu.dma_semaphore, #tpu.memory_space<semaphore_mem>>)
        tpu.wait_dma2 semaphore(%run_scoped3A : memref<!tpu.dma_semaphore, #tpu.memory_space<semaphore_mem>>) src(%arg5 : memref<7x128xf32, #tpu.memory_space<hbm>>) dst(%arg11 : memref<7x128xf32, #tpu.memory_space<vmem_shared>>)
        tpu.yield
      }) : () -> ()
    } else {
    }
    "tpu.region"() ({
      %run_scoped3A = tpu.sem_alloc : memref<!tpu.dma_semaphore, #tpu.memory_space<semaphore_mem>>
      %dma_start3A_244 = arith.constant 0 : i32
      %dma_start3A_245 = arith.constant 0 : i32
      %dma_start3A_246 = tpu.memref_slice %arg2[%add3A, %dma_start3A_244, %dma_start3A_245] : memref<32x200x128xi32, #tpu.memory_space<hbm>> -> memref<1x200x128xi32, #tpu.memory_space<hbm>>
      %dma_start3A_247 = tpu.memref_squeeze %dma_start3A_246 : memref<1x200x128xi32, #tpu.memory_space<hbm>> -> memref<200x128xi32, #tpu.memory_space<hbm>>
      %dma_start3A_248 = arith.constant 0 : i32
      %dma_start3A_249 = arith.constant 0 : i32
      %dma_start3A_250 = tpu.memref_slice %arg2[%add3A, %dma_start3A_248, %dma_start3A_249] : memref<32x200x128xi32, #tpu.memory_space<hbm>> -> memref<1x200x128xi32, #tpu.memory_space<hbm>>
      %dma_start3A_251 = tpu.memref_squeeze %dma_start3A_250 : memref<1x200x128xi32, #tpu.memory_space<hbm>> -> memref<200x128xi32, #tpu.memory_space<hbm>>
      tpu.enqueue_dma source(%dma_start3A_251 : memref<200x128xi32, #tpu.memory_space<hbm>>) target(%arg9 : memref<200x128xi32, #tpu.memory_space<vmem>>) target_semaphore(%run_scoped3A : memref<!tpu.dma_semaphore, #tpu.memory_space<semaphore_mem>>)
      %dma_wait3A_252 = arith.constant 0 : i32
      %dma_wait3A_253 = arith.constant 0 : i32
      %dma_wait3A_254 = tpu.memref_slice %arg2[%add3A, %dma_wait3A_252, %dma_wait3A_253] : memref<32x200x128xi32, #tpu.memory_space<hbm>> -> memref<1x200x128xi32, #tpu.memory_space<hbm>>
      %dma_wait3A_255 = tpu.memref_squeeze %dma_wait3A_254 : memref<1x200x128xi32, #tpu.memory_space<hbm>> -> memref<200x128xi32, #tpu.memory_space<hbm>>
      %dma_wait3A_256 = arith.constant 0 : i32
      %dma_wait3A_257 = arith.constant 0 : i32
      %dma_wait3A_258 = tpu.memref_slice %arg2[%add3A, %dma_wait3A_256, %dma_wait3A_257] : memref<32x200x128xi32, #tpu.memory_space<hbm>> -> memref<1x200x128xi32, #tpu.memory_space<hbm>>
      %dma_wait3A_259 = tpu.memref_squeeze %dma_wait3A_258 : memref<1x200x128xi32, #tpu.memory_space<hbm>> -> memref<200x128xi32, #tpu.memory_space<hbm>>
      tpu.wait_dma2 semaphore(%run_scoped3A : memref<!tpu.dma_semaphore, #tpu.memory_space<semaphore_mem>>) src(%dma_wait3A_259 : memref<200x128xi32, #tpu.memory_space<hbm>>) dst(%arg9 : memref<200x128xi32, #tpu.memory_space<vmem>>)
      tpu.yield
    }) : () -> ()
    "tpu.region"() ({
      %run_scoped3A = tpu.sem_alloc : memref<!tpu.dma_semaphore, #tpu.memory_space<semaphore_mem>>
      %dma_start3A_244 = arith.constant 0 : i32
      %dma_start3A_245 = arith.constant 0 : i32
      %dma_start3A_246 = tpu.memref_slice %arg3[%add3A, %dma_start3A_244, %dma_start3A_245] : memref<32x200x128xi32, #tpu.memory_space<hbm>> -> memref<1x200x128xi32, #tpu.memory_space<hbm>>
      %dma_start3A_247 = tpu.memref_squeeze %dma_start3A_246 : memref<1x200x128xi32, #tpu.memory_space<hbm>> -> memref<200x128xi32, #tpu.memory_space<hbm>>
      %dma_start3A_248 = arith.constant 0 : i32
      %dma_start3A_249 = arith.constant 0 : i32
      %dma_start3A_250 = tpu.memref_slice %arg3[%add3A, %dma_start3A_248, %dma_start3A_249] : memref<32x200x128xi32, #tpu.memory_space<hbm>> -> memref<1x200x128xi32, #tpu.memory_space<hbm>>
      %dma_start3A_251 = tpu.memref_squeeze %dma_start3A_250 : memref<1x200x128xi32, #tpu.memory_space<hbm>> -> memref<200x128xi32, #tpu.memory_space<hbm>>
      tpu.enqueue_dma source(%dma_start3A_251 : memref<200x128xi32, #tpu.memory_space<hbm>>) target(%arg10 : memref<200x128xi32, #tpu.memory_space<vmem>>) target_semaphore(%run_scoped3A : memref<!tpu.dma_semaphore, #tpu.memory_space<semaphore_mem>>)
      %dma_wait3A_252 = arith.constant 0 : i32
      %dma_wait3A_253 = arith.constant 0 : i32
      %dma_wait3A_254 = tpu.memref_slice %arg3[%add3A, %dma_wait3A_252, %dma_wait3A_253] : memref<32x200x128xi32, #tpu.memory_space<hbm>> -> memref<1x200x128xi32, #tpu.memory_space<hbm>>
      %dma_wait3A_255 = tpu.memref_squeeze %dma_wait3A_254 : memref<1x200x128xi32, #tpu.memory_space<hbm>> -> memref<200x128xi32, #tpu.memory_space<hbm>>
      %dma_wait3A_256 = arith.constant 0 : i32
      %dma_wait3A_257 = arith.constant 0 : i32
      %dma_wait3A_258 = tpu.memref_slice %arg3[%add3A, %dma_wait3A_256, %dma_wait3A_257] : memref<32x200x128xi32, #tpu.memory_space<hbm>> -> memref<1x200x128xi32, #tpu.memory_space<hbm>>
      %dma_wait3A_259 = tpu.memref_squeeze %dma_wait3A_258 : memref<1x200x128xi32, #tpu.memory_space<hbm>> -> memref<200x128xi32, #tpu.memory_space<hbm>>
      tpu.wait_dma2 semaphore(%run_scoped3A : memref<!tpu.dma_semaphore, #tpu.memory_space<semaphore_mem>>) src(%dma_wait3A_259 : memref<200x128xi32, #tpu.memory_space<hbm>>) dst(%arg10 : memref<200x128xi32, #tpu.memory_space<vmem>>)
      tpu.yield
    }) : () -> ()
    %barrier3A = arith.constant 0 : index
    tpu.barrier barrier_id(%barrier3A)
    %get3A = arith.constant 0 : index
    %get3A_5 = tpu.vector_load %arg16[%get3A] {strides = array<i32>} : memref<64xf32, #tpu.memory_space<vmem>>, vector<16xf32>,
    %get3A_6 = vector.shape_cast %get3A_5 : vector<16xf32> to vector<16xf32>
    %get3A_7 = arith.constant 16 : index
    %get3A_8 = tpu.vector_load %arg16[%get3A_7] {strides = array<i32>} : memref<64xf32, #tpu.memory_space<vmem>>, vector<16xf32>,
    %get3A_9 = vector.shape_cast %get3A_8 : vector<16xf32> to vector<16xf32>
    %get3A_10 = arith.constant 32 : index
    %get3A_11 = tpu.vector_load %arg16[%get3A_10] {strides = array<i32>} : memref<64xf32, #tpu.memory_space<vmem>>, vector<16xf32>,
    %get3A_12 = vector.shape_cast %get3A_11 : vector<16xf32> to vector<16xf32>
    %get3A_13 = arith.constant 48 : index
    %get3A_14 = tpu.vector_load %arg16[%get3A_13] {strides = array<i32>} : memref<64xf32, #tpu.memory_space<vmem>>, vector<16xf32>,
    %get3A_15 = vector.shape_cast %get3A_14 : vector<16xf32> to vector<16xf32>
    %get3A_16 = arith.constant 0 : index
    %get3A_17 = tpu.vector_load %arg17[%get3A_16] {strides = array<i32>} : memref<64xf32, #tpu.memory_space<vmem>>, vector<16xf32>,
    %get3A_18 = vector.shape_cast %get3A_17 : vector<16xf32> to vector<16xf32>
    %get3A_19 = arith.constant 16 : index
    %get3A_20 = tpu.vector_load %arg17[%get3A_19] {strides = array<i32>} : memref<64xf32, #tpu.memory_space<vmem>>, vector<16xf32>,
    %get3A_21 = vector.shape_cast %get3A_20 : vector<16xf32> to vector<16xf32>
    %get3A_22 = arith.constant 32 : index
    %get3A_23 = tpu.vector_load %arg17[%get3A_22] {strides = array<i32>} : memref<64xf32, #tpu.memory_space<vmem>>, vector<16xf32>,
    %get3A_24 = vector.shape_cast %get3A_23 : vector<16xf32> to vector<16xf32>
    %get3A_25 = arith.constant 48 : index
    %get3A_26 = tpu.vector_load %arg17[%get3A_25] {strides = array<i32>} : memref<64xf32, #tpu.memory_space<vmem>>, vector<16xf32>,
    %get3A_27 = vector.shape_cast %get3A_26 : vector<16xf32> to vector<16xf32>
    %iota3A = tpu.iota {dimensions = array<i32: 0>} : vector<16xi32>
    %xor3A = arith.constant 1 : i32
    %xor3A_28 = vector.broadcast %xor3A : i32 to vector<16xi32>
    %xor3A_29 = arith.xori %iota3A, %xor3A_28 : vector<16xi32>
    %reshape3A = vector.shape_cast %xor3A_29 : vector<16xi32> to vector<16x1xi32>
    %xor3A_30 = arith.constant 2 : i32
    %xor3A_31 = vector.broadcast %xor3A_30 : i32 to vector<16xi32>
    %xor3A_32 = arith.xori %iota3A, %xor3A_31 : vector<16xi32>
    %reshape3A_33 = vector.shape_cast %xor3A_32 : vector<16xi32> to vector<16x1xi32>
    %xor3A_34 = arith.constant 4 : i32
    %xor3A_35 = vector.broadcast %xor3A_34 : i32 to vector<16xi32>
    %xor3A_36 = arith.xori %iota3A, %xor3A_35 : vector<16xi32>
    %reshape3A_37 = vector.shape_cast %xor3A_36 : vector<16xi32> to vector<16x1xi32>
    %xor3A_38 = arith.constant 8 : i32
    %xor3A_39 = vector.broadcast %xor3A_38 : i32 to vector<16xi32>
    %xor3A_40 = arith.xori %iota3A, %xor3A_39 : vector<16xi32>
    %reshape3A_41 = vector.shape_cast %xor3A_40 : vector<16xi32> to vector<16x1xi32>
    %broadcast_in_dim3A = arith.constant 0 : i32
    %broadcast_in_dim3A_42 = vector.broadcast %broadcast_in_dim3A : i32 to vector<16x1xi32>
    %broadcast_in_dim3A_43 = arith.constant 8 : i32
    %broadcast_in_dim3A_44 = vector.broadcast %broadcast_in_dim3A_43 : i32 to vector<16x1xi32>
    %lt3A = arith.constant 8 : i32
    %lt3A_45 = vector.broadcast %lt3A : i32 to vector<16xi32>
    %lt3A_46 = arith.cmpi slt, %iota3A, %lt3A_45 : vector<16xi32>
    %broadcast_in_dim3A_47 = arith.constant 1.562500e-02 : f32
    %broadcast_in_dim3A_48 = vector.broadcast %broadcast_in_dim3A_47 : f32 to vector<16xf32>
    %broadcast_in_dim3A_49 = arith.constant 1.500000e+00 : f32
    %broadcast_in_dim3A_50 = vector.broadcast %broadcast_in_dim3A_49 : f32 to vector<16xf32>
    %broadcast_in_dim3A_51 = arith.constant 5.000000e-01 : f32
    %broadcast_in_dim3A_52 = vector.broadcast %broadcast_in_dim3A_51 : f32 to vector<16xf32>
    %broadcast_in_dim3A_53 = arith.constant 9.99999996E-13 : f32
    %broadcast_in_dim3A_54 = vector.broadcast %broadcast_in_dim3A_53 : f32 to vector<16xf32>
    %broadcast_in_dim3A_55 = arith.constant 1597463007 : i32
    %broadcast_in_dim3A_56 = vector.broadcast %broadcast_in_dim3A_55 : i32 to vector<16xi32>
    %dma_start3A = arith.constant 0 : i32
    %dma_start3A_57 = arith.constant 0 : i32
    %dma_start3A_58 = tpu.memref_slice %arg9[%dma_start3A, %dma_start3A_57] : memref<200x128xi32, #tpu.memory_space<vmem>> -> memref<1x128xi32, #tpu.memory_space<vmem>>
    %dma_start3A_59 = tpu.memref_squeeze %dma_start3A_58 : memref<1x128xi32, #tpu.memory_space<vmem>> -> memref<128xi32, #tpu.memory_space<vmem>>
    %dma_start3A_60 = arith.constant 0 : i32
    %dma_start3A_61 = arith.constant 0 : i32
    %dma_start3A_62 = tpu.memref_slice %arg4[%dma_start3A_60, %dma_start3A_61] : memref<50760x128xf32, #tpu.memory_space<hbm>> -> memref<50760x128xf32, #tpu.memory_space<hbm>>
    tpu.enqueue_indirect_dma source(%dma_start3A_62 : memref<50760x128xf32, #tpu.memory_space<hbm>>) target(%arg12 : memref<128x128xf32, #tpu.memory_space<vmem>>) offsets(%dma_start3A_59 : memref<128xi32, #tpu.memory_space<vmem>>) semaphore(%arg18 : memref<!tpu.dma_semaphore, #tpu.memory_space<semaphore_mem>>)
    %dma_start3A_63 = arith.constant 1 : i32
    %dma_start3A_64 = arith.constant 0 : i32
    %dma_start3A_65 = tpu.memref_slice %arg9[%dma_start3A_63, %dma_start3A_64] : memref<200x128xi32, #tpu.memory_space<vmem>> -> memref<1x128xi32, #tpu.memory_space<vmem>>
    %dma_start3A_66 = tpu.memref_squeeze %dma_start3A_65 : memref<1x128xi32, #tpu.memory_space<vmem>> -> memref<128xi32, #tpu.memory_space<vmem>>
    %dma_start3A_67 = arith.constant 0 : i32
    %dma_start3A_68 = arith.constant 0 : i32
    %dma_start3A_69 = tpu.memref_slice %arg4[%dma_start3A_67, %dma_start3A_68] : memref<50760x128xf32, #tpu.memory_space<hbm>> -> memref<50760x128xf32, #tpu.memory_space<hbm>>
    tpu.enqueue_indirect_dma source(%dma_start3A_69 : memref<50760x128xf32, #tpu.memory_space<hbm>>) target(%arg13 : memref<128x128xf32, #tpu.memory_space<vmem>>) offsets(%dma_start3A_66 : memref<128xi32, #tpu.memory_space<vmem>>) semaphore(%arg19 : memref<!tpu.dma_semaphore, #tpu.memory_space<semaphore_mem>>)
    %dma_wait3A = arith.constant 0 : i32
    %dma_wait3A_70 = arith.constant 0 : i32
    %dma_wait3A_71 = tpu.memref_slice %arg9[%dma_wait3A, %dma_wait3A_70] : memref<200x128xi32, #tpu.memory_space<vmem>> -> memref<1x128xi32, #tpu.memory_space<vmem>>
    %dma_wait3A_72 = tpu.memref_squeeze %dma_wait3A_71 : memref<1x128xi32, #tpu.memory_space<vmem>> -> memref<128xi32, #tpu.memory_space<vmem>>
    %dma_wait3A_73 = arith.constant 0 : i32
    %dma_wait3A_74 = arith.constant 0 : i32
    %dma_wait3A_75 = tpu.memref_slice %arg4[%dma_wait3A_73, %dma_wait3A_74] : memref<50760x128xf32, #tpu.memory_space<hbm>> -> memref<50760x128xf32, #tpu.memory_space<hbm>>
    tpu.wait_indirect_dma semaphore(%arg18 : memref<!tpu.dma_semaphore, #tpu.memory_space<semaphore_mem>>) src(%dma_wait3A_75 : memref<50760x128xf32, #tpu.memory_space<hbm>>) dst(%arg12 : memref<128x128xf32, #tpu.memory_space<vmem>>)
    %dma_start3A_76 = arith.constant 0 : i32
    %dma_start3A_77 = arith.constant 0 : i32
    %dma_start3A_78 = tpu.memref_slice %arg10[%dma_start3A_76, %dma_start3A_77] : memref<200x128xi32, #tpu.memory_space<vmem>> -> memref<1x128xi32, #tpu.memory_space<vmem>>
    %dma_start3A_79 = tpu.memref_squeeze %dma_start3A_78 : memref<1x128xi32, #tpu.memory_space<vmem>> -> memref<128xi32, #tpu.memory_space<vmem>>
    %dma_start3A_80 = arith.constant 0 : i32
    %dma_start3A_81 = arith.constant 0 : i32
    %dma_start3A_82 = tpu.memref_slice %arg11[%dma_start3A_80, %dma_start3A_81] : memref<7x128xf32, #tpu.memory_space<vmem_shared>> -> memref<7x128xf32, #tpu.memory_space<vmem_shared>>
    tpu.enqueue_indirect_dma source(%dma_start3A_82 : memref<7x128xf32, #tpu.memory_space<vmem_shared>>) target(%arg12 : memref<128x128xf32, #tpu.memory_space<vmem>>) offsets(%dma_start3A_79 : memref<128xi32, #tpu.memory_space<vmem>>) semaphore(%arg20 : memref<!tpu.dma_semaphore, #tpu.memory_space<semaphore_mem>>) {add = true}
    %dma_wait3A_83 = arith.constant 0 : i32
    %dma_wait3A_84 = arith.constant 0 : i32
    %dma_wait3A_85 = tpu.memref_slice %arg10[%dma_wait3A_83, %dma_wait3A_84] : memref<200x128xi32, #tpu.memory_space<vmem>> -> memref<1x128xi32, #tpu.memory_space<vmem>>
    %dma_wait3A_86 = tpu.memref_squeeze %dma_wait3A_85 : memref<1x128xi32, #tpu.memory_space<vmem>> -> memref<128xi32, #tpu.memory_space<vmem>>
    %dma_wait3A_87 = arith.constant 0 : i32
    %dma_wait3A_88 = arith.constant 0 : i32
    %dma_wait3A_89 = tpu.memref_slice %arg11[%dma_wait3A_87, %dma_wait3A_88] : memref<7x128xf32, #tpu.memory_space<vmem_shared>> -> memref<7x128xf32, #tpu.memory_space<vmem_shared>>
    tpu.wait_indirect_dma semaphore(%arg20 : memref<!tpu.dma_semaphore, #tpu.memory_space<semaphore_mem>>) src(%dma_wait3A_89 : memref<7x128xf32, #tpu.memory_space<vmem_shared>>) dst(%arg12 : memref<128x128xf32, #tpu.memory_space<vmem>>)
    %scan3A = arith.constant 0 : i32
    %scan3A_90 = arith.constant 0 : i32
    %scan3A_91 = arith.constant 64 : i32
    %scan3A_92 = arith.addi %scan3A_90, %scan3A_91 : i32
    %scan3A_93 = arith.constant 1 : i32
    scf.for %scan3A_244 = %scan3A_90 to %scan3A_92 step %scan3A_93  : i32 {
      %mul3A_245 = arith.constant 2 : i32
      %mul3A_246 = arith.muli %scan3A_244, %mul3A_245 : i32
      %add3A_247 = arith.constant 1 : i32
      %add3A_248 = arith.addi %mul3A_246, %add3A_247 : i32
      %get3A_249 = arith.index_cast %mul3A_246 : i32 to index
      %get3A_250 = arith.constant 0 : index
      %get3A_251 = tpu.vector_load %arg12[%get3A_249, %get3A_250] {strides = array<i32>} : memref<128x128xf32, #tpu.memory_space<vmem>>, vector<1x16xf32>,
      %get3A_252 = vector.shape_cast %get3A_251 : vector<1x16xf32> to vector<16xf32>
      %get3A_253 = arith.index_cast %mul3A_246 : i32 to index
      %get3A_254 = arith.constant 16 : index
      %get3A_255 = tpu.vector_load %arg12[%get3A_253, %get3A_254] {strides = array<i32>} : memref<128x128xf32, #tpu.memory_space<vmem>>, vector<1x16xf32>,
      %get3A_256 = vector.shape_cast %get3A_255 : vector<1x16xf32> to vector<16xf32>
      %get3A_257 = arith.index_cast %mul3A_246 : i32 to index
      %get3A_258 = arith.constant 32 : index
      %get3A_259 = tpu.vector_load %arg12[%get3A_257, %get3A_258] {strides = array<i32>} : memref<128x128xf32, #tpu.memory_space<vmem>>, vector<1x16xf32>,
      %get3A_260 = vector.shape_cast %get3A_259 : vector<1x16xf32> to vector<16xf32>
      %get3A_261 = arith.index_cast %mul3A_246 : i32 to index
      %get3A_262 = arith.constant 48 : index
      %get3A_263 = tpu.vector_load %arg12[%get3A_261, %get3A_262] {strides = array<i32>} : memref<128x128xf32, #tpu.memory_space<vmem>>, vector<1x16xf32>,
      %get3A_264 = vector.shape_cast %get3A_263 : vector<1x16xf32> to vector<16xf32>
      %get3A_265 = arith.index_cast %add3A_248 : i32 to index
      %get3A_266 = arith.constant 0 : index
      %get3A_267 = tpu.vector_load %arg12[%get3A_265, %get3A_266] {strides = array<i32>} : memref<128x128xf32, #tpu.memory_space<vmem>>, vector<1x16xf32>,
      %get3A_268 = vector.shape_cast %get3A_267 : vector<1x16xf32> to vector<16xf32>
      %get3A_269 = arith.index_cast %add3A_248 : i32 to index
      %get3A_270 = arith.constant 16 : index
      %get3A_271 = tpu.vector_load %arg12[%get3A_269, %get3A_270] {strides = array<i32>} : memref<128x128xf32, #tpu.memory_space<vmem>>, vector<1x16xf32>,
      %get3A_272 = vector.shape_cast %get3A_271 : vector<1x16xf32> to vector<16xf32>
      %get3A_273 = arith.index_cast %add3A_248 : i32 to index
      %get3A_274 = arith.constant 32 : index
      %get3A_275 = tpu.vector_load %arg12[%get3A_273, %get3A_274] {strides = array<i32>} : memref<128x128xf32, #tpu.memory_space<vmem>>, vector<1x16xf32>,
      %get3A_276 = vector.shape_cast %get3A_275 : vector<1x16xf32> to vector<16xf32>
      %get3A_277 = arith.index_cast %add3A_248 : i32 to index
      %get3A_278 = arith.constant 48 : index
      %get3A_279 = tpu.vector_load %arg12[%get3A_277, %get3A_278] {strides = array<i32>} : memref<128x128xf32, #tpu.memory_space<vmem>>, vector<1x16xf32>,
      %get3A_280 = vector.shape_cast %get3A_279 : vector<1x16xf32> to vector<16xf32>
      %add3A_281 = arith.addf %get3A_252, %get3A_256 : vector<16xf32>
      %add3A_282 = arith.addf %get3A_260, %get3A_264 : vector<16xf32>
      %add3A_283 = arith.addf %add3A_281, %add3A_282 : vector<16xf32>
      %add3A_284 = arith.addf %get3A_268, %get3A_272 : vector<16xf32>
      %add3A_285 = arith.addf %get3A_276, %get3A_280 : vector<16xf32>
      %add3A_286 = arith.addf %add3A_284, %add3A_285 : vector<16xf32>
      %mul3A_287 = arith.mulf %get3A_252, %get3A_252 : vector<16xf32>
      %mul3A_288 = arith.mulf %get3A_256, %get3A_256 : vector<16xf32>
      %add3A_289 = arith.addf %mul3A_287, %mul3A_288 : vector<16xf32>
      %mul3A_290 = arith.mulf %get3A_260, %get3A_260 : vector<16xf32>
      %mul3A_291 = arith.mulf %get3A_264, %get3A_264 : vector<16xf32>
      %add3A_292 = arith.addf %mul3A_290, %mul3A_291 : vector<16xf32>
      %add3A_293 = arith.addf %add3A_289, %add3A_292 : vector<16xf32>
      %mul3A_294 = arith.mulf %get3A_268, %get3A_268 : vector<16xf32>
      %mul3A_295 = arith.mulf %get3A_272, %get3A_272 : vector<16xf32>
      %add3A_296 = arith.addf %mul3A_294, %mul3A_295 : vector<16xf32>
      %mul3A_297 = arith.mulf %get3A_276, %get3A_276 : vector<16xf32>
      %mul3A_298 = arith.mulf %get3A_280, %get3A_280 : vector<16xf32>
      %add3A_299 = arith.addf %mul3A_297, %mul3A_298 : vector<16xf32>
      %add3A_300 = arith.addf %add3A_296, %add3A_299 : vector<16xf32>
      %gather3A = vector.shape_cast %reshape3A_41 : vector<16x1xi32> to vector<16xi32>
      %gather3A_301 = tpu.dynamic_gather %add3A_283[%gather3A] in [0] : vector<16xf32>, vector<16xi32> -> vector<16xf32>
      %add3A_302 = arith.addf %add3A_283, %gather3A_301 : vector<16xf32>
      %gather3A_303 = vector.shape_cast %reshape3A_41 : vector<16x1xi32> to vector<16xi32>
      %gather3A_304 = tpu.dynamic_gather %add3A_286[%gather3A_303] in [0] : vector<16xf32>, vector<16xi32> -> vector<16xf32>
      %add3A_305 = arith.addf %add3A_286, %gather3A_304 : vector<16xf32>
      %select_n3A = arith.select %lt3A_46, %add3A_302, %add3A_305 : vector<16xi1>, vector<16xf32>
      %gather3A_306 = vector.shape_cast %reshape3A_41 : vector<16x1xi32> to vector<16xi32>
      %gather3A_307 = tpu.dynamic_gather %add3A_293[%gather3A_306] in [0] : vector<16xf32>, vector<16xi32> -> vector<16xf32>
      %add3A_308 = arith.addf %add3A_293, %gather3A_307 : vector<16xf32>
      %gather3A_309 = vector.shape_cast %reshape3A_41 : vector<16x1xi32> to vector<16xi32>
      %gather3A_310 = tpu.dynamic_gather %add3A_300[%gather3A_309] in [0] : vector<16xf32>, vector<16xi32> -> vector<16xf32>
      %add3A_311 = arith.addf %add3A_300, %gather3A_310 : vector<16xf32>
      %select_n3A_312 = arith.select %lt3A_46, %add3A_308, %add3A_311 : vector<16xi1>, vector<16xf32>
      %gather3A_313 = vector.shape_cast %reshape3A : vector<16x1xi32> to vector<16xi32>
      %gather3A_314 = tpu.dynamic_gather %select_n3A[%gather3A_313] in [0] : vector<16xf32>, vector<16xi32> -> vector<16xf32>
      %add3A_315 = arith.addf %select_n3A, %gather3A_314 : vector<16xf32>
      %gather3A_316 = vector.shape_cast %reshape3A : vector<16x1xi32> to vector<16xi32>
      %gather3A_317 = tpu.dynamic_gather %select_n3A_312[%gather3A_316] in [0] : vector<16xf32>, vector<16xi32> -> vector<16xf32>
      %add3A_318 = arith.addf %select_n3A_312, %gather3A_317 : vector<16xf32>
      %gather3A_319 = vector.shape_cast %reshape3A_33 : vector<16x1xi32> to vector<16xi32>
      %gather3A_320 = tpu.dynamic_gather %add3A_315[%gather3A_319] in [0] : vector<16xf32>, vector<16xi32> -> vector<16xf32>
      %add3A_321 = arith.addf %add3A_315, %gather3A_320 : vector<16xf32>
      %gather3A_322 = vector.shape_cast %reshape3A_33 : vector<16x1xi32> to vector<16xi32>
      %gather3A_323 = tpu.dynamic_gather %add3A_318[%gather3A_322] in [0] : vector<16xf32>, vector<16xi32> -> vector<16xf32>
      %add3A_324 = arith.addf %add3A_318, %gather3A_323 : vector<16xf32>
      %gather3A_325 = vector.shape_cast %reshape3A_37 : vector<16x1xi32> to vector<16xi32>
      %gather3A_326 = tpu.dynamic_gather %add3A_321[%gather3A_325] in [0] : vector<16xf32>, vector<16xi32> -> vector<16xf32>
      %add3A_327 = arith.addf %add3A_321, %gather3A_326 : vector<16xf32>
      %gather3A_328 = vector.shape_cast %reshape3A_37 : vector<16x1xi32> to vector<16xi32>
      %gather3A_329 = tpu.dynamic_gather %add3A_324[%gather3A_328] in [0] : vector<16xf32>, vector<16xi32> -> vector<16xf32>
      %add3A_330 = arith.addf %add3A_324, %gather3A_329 : vector<16xf32>
      %mul3A_331 = arith.mulf %add3A_327, %broadcast_in_dim3A_48 : vector<16xf32>
      %mul3A_332 = arith.mulf %add3A_330, %broadcast_in_dim3A_48 : vector<16xf32>
      %mul3A_333 = arith.mulf %mul3A_331, %mul3A_331 : vector<16xf32>
      %sub3A = arith.subf %mul3A_332, %mul3A_333 : vector<16xf32>
      %add3A_334 = arith.addf %sub3A, %broadcast_in_dim3A_54 : vector<16xf32>
      %mul3A_335 = arith.mulf %broadcast_in_dim3A_52, %add3A_334 : vector<16xf32>
      %bitcast_convert_type3A = tpu.bitcast %add3A_334 : vector<16xf32> -> vector<16xi32>
      %shift_right_arithmetic3A = arith.constant 1 : i32
      %shift_right_arithmetic3A_336 = vector.broadcast %shift_right_arithmetic3A : i32 to vector<16xi32>
      %shift_right_arithmetic3A_337 = arith.shrsi %bitcast_convert_type3A, %shift_right_arithmetic3A_336 : vector<16xi32>
      %sub3A_338 = arith.subi %broadcast_in_dim3A_56, %shift_right_arithmetic3A_337 : vector<16xi32>
      %bitcast_convert_type3A_339 = tpu.bitcast %sub3A_338 : vector<16xi32> -> vector<16xf32>
      %mul3A_340 = arith.mulf %mul3A_335, %bitcast_convert_type3A_339 : vector<16xf32>
      %mul3A_341 = arith.mulf %mul3A_340, %bitcast_convert_type3A_339 : vector<16xf32>
      %sub3A_342 = arith.subf %broadcast_in_dim3A_50, %mul3A_341 : vector<16xf32>
      %mul3A_343 = arith.mulf %bitcast_convert_type3A_339, %sub3A_342 : vector<16xf32>
      %mul3A_344 = arith.mulf %mul3A_335, %mul3A_343 : vector<16xf32>
      %mul3A_345 = arith.mulf %mul3A_344, %mul3A_343 : vector<16xf32>
      %sub3A_346 = arith.subf %broadcast_in_dim3A_50, %mul3A_345 : vector<16xf32>
      %mul3A_347 = arith.mulf %mul3A_343, %sub3A_346 : vector<16xf32>
      %gather3A_348 = vector.shape_cast %broadcast_in_dim3A_42 : vector<16x1xi32> to vector<16xi32>
      %gather3A_349 = tpu.dynamic_gather %mul3A_331[%gather3A_348] in [0] : vector<16xf32>, vector<16xi32> -> vector<16xf32>
      %gather3A_350 = vector.shape_cast %broadcast_in_dim3A_44 : vector<16x1xi32> to vector<16xi32>
      %gather3A_351 = tpu.dynamic_gather %mul3A_331[%gather3A_350] in [0] : vector<16xf32>, vector<16xi32> -> vector<16xf32>
      %gather3A_352 = vector.shape_cast %broadcast_in_dim3A_42 : vector<16x1xi32> to vector<16xi32>
      %gather3A_353 = tpu.dynamic_gather %mul3A_347[%gather3A_352] in [0] : vector<16xf32>, vector<16xi32> -> vector<16xf32>
      %gather3A_354 = vector.shape_cast %broadcast_in_dim3A_44 : vector<16x1xi32> to vector<16xi32>
      %gather3A_355 = tpu.dynamic_gather %mul3A_347[%gather3A_354] in [0] : vector<16xf32>, vector<16xi32> -> vector<16xf32>
      %sub3A_356 = arith.subf %get3A_252, %gather3A_349 : vector<16xf32>
      %mul3A_357 = arith.mulf %gather3A_353, %get3A_6 : vector<16xf32>
      %mul3A_358 = arith.mulf %sub3A_356, %mul3A_357 : vector<16xf32>
      %add3A_359 = arith.addf %mul3A_358, %get3A_18 : vector<16xf32>
      %swap3A = arith.index_cast %mul3A_246 : i32 to index
      %swap3A_360 = arith.constant 0 : index
      %swap3A_361 = tpu.vector_load %arg14[%swap3A, %swap3A_360] {strides = array<i32>} : memref<128x64xf32, #tpu.memory_space<vmem>>, vector<1x16xf32>,
      %swap3A_362 = vector.shape_cast %swap3A_361 : vector<1x16xf32> to vector<16xf32>
      %swap3A_363 = vector.shape_cast %add3A_359 : vector<16xf32> to vector<1x16xf32>
      tpu.vector_store %arg14[%swap3A, %swap3A_360], %swap3A_363 {strides = array<i32>} : memref<128x64xf32, #tpu.memory_space<vmem>>, vector<1x16xf32>,
      %sub3A_364 = arith.subf %get3A_268, %gather3A_351 : vector<16xf32>
      %mul3A_365 = arith.mulf %gather3A_355, %get3A_6 : vector<16xf32>
      %mul3A_366 = arith.mulf %sub3A_364, %mul3A_365 : vector<16xf32>
      %add3A_367 = arith.addf %mul3A_366, %get3A_18 : vector<16xf32>
      %swap3A_368 = arith.index_cast %add3A_248 : i32 to index
      %swap3A_369 = arith.constant 0 : index
      %swap3A_370 = tpu.vector_load %arg14[%swap3A_368, %swap3A_369] {strides = array<i32>} : memref<128x64xf32, #tpu.memory_space<vmem>>, vector<1x16xf32>,
      %swap3A_371 = vector.shape_cast %swap3A_370 : vector<1x16xf32> to vector<16xf32>
      %swap3A_372 = vector.shape_cast %add3A_367 : vector<16xf32> to vector<1x16xf32>
      tpu.vector_store %arg14[%swap3A_368, %swap3A_369], %swap3A_372 {strides = array<i32>} : memref<128x64xf32, #tpu.memory_space<vmem>>, vector<1x16xf32>,
      %sub3A_373 = arith.subf %get3A_256, %gather3A_349 : vector<16xf32>
      %mul3A_374 = arith.mulf %gather3A_353, %get3A_9 : vector<16xf32>
      %mul3A_375 = arith.mulf %sub3A_373, %mul3A_374 : vector<16xf32>
      %add3A_376 = arith.addf %mul3A_375, %get3A_21 : vector<16xf32>
      %swap3A_377 = arith.index_cast %mul3A_246 : i32 to index
      %swap3A_378 = arith.constant 16 : index
      %swap3A_379 = tpu.vector_load %arg14[%swap3A_377, %swap3A_378] {strides = array<i32>} : memref<128x64xf32, #tpu.memory_space<vmem>>, vector<1x16xf32>,
      %swap3A_380 = vector.shape_cast %swap3A_379 : vector<1x16xf32> to vector<16xf32>
      %swap3A_381 = vector.shape_cast %add3A_376 : vector<16xf32> to vector<1x16xf32>
      tpu.vector_store %arg14[%swap3A_377, %swap3A_378], %swap3A_381 {strides = array<i32>} : memref<128x64xf32, #tpu.memory_space<vmem>>, vector<1x16xf32>,
      %sub3A_382 = arith.subf %get3A_272, %gather3A_351 : vector<16xf32>
      %mul3A_383 = arith.mulf %gather3A_355, %get3A_9 : vector<16xf32>
      %mul3A_384 = arith.mulf %sub3A_382, %mul3A_383 : vector<16xf32>
      %add3A_385 = arith.addf %mul3A_384, %get3A_21 : vector<16xf32>
      %swap3A_386 = arith.index_cast %add3A_248 : i32 to index
      %swap3A_387 = arith.constant 16 : index
      %swap3A_388 = tpu.vector_load %arg14[%swap3A_386, %swap3A_387] {strides = array<i32>} : memref<128x64xf32, #tpu.memory_space<vmem>>, vector<1x16xf32>,
      %swap3A_389 = vector.shape_cast %swap3A_388 : vector<1x16xf32> to vector<16xf32>
      %swap3A_390 = vector.shape_cast %add3A_385 : vector<16xf32> to vector<1x16xf32>
      tpu.vector_store %arg14[%swap3A_386, %swap3A_387], %swap3A_390 {strides = array<i32>} : memref<128x64xf32, #tpu.memory_space<vmem>>, vector<1x16xf32>,
      %sub3A_391 = arith.subf %get3A_260, %gather3A_349 : vector<16xf32>
      %mul3A_392 = arith.mulf %gather3A_353, %get3A_12 : vector<16xf32>
      %mul3A_393 = arith.mulf %sub3A_391, %mul3A_392 : vector<16xf32>
      %add3A_394 = arith.addf %mul3A_393, %get3A_24 : vector<16xf32>
      %swap3A_395 = arith.index_cast %mul3A_246 : i32 to index
      %swap3A_396 = arith.constant 32 : index
      %swap3A_397 = tpu.vector_load %arg14[%swap3A_395, %swap3A_396] {strides = array<i32>} : memref<128x64xf32, #tpu.memory_space<vmem>>, vector<1x16xf32>,
      %swap3A_398 = vector.shape_cast %swap3A_397 : vector<1x16xf32> to vector<16xf32>
      %swap3A_399 = vector.shape_cast %add3A_394 : vector<16xf32> to vector<1x16xf32>
      tpu.vector_store %arg14[%swap3A_395, %swap3A_396], %swap3A_399 {strides = array<i32>} : memref<128x64xf32, #tpu.memory_space<vmem>>, vector<1x16xf32>,
      %sub3A_400 = arith.subf %get3A_276, %gather3A_351 : vector<16xf32>
      %mul3A_401 = arith.mulf %gather3A_355, %get3A_12 : vector<16xf32>
      %mul3A_402 = arith.mulf %sub3A_400, %mul3A_401 : vector<16xf32>
      %add3A_403 = arith.addf %mul3A_402, %get3A_24 : vector<16xf32>
      %swap3A_404 = arith.index_cast %add3A_248 : i32 to index
      %swap3A_405 = arith.constant 32 : index
      %swap3A_406 = tpu.vector_load %arg14[%swap3A_404, %swap3A_405] {strides = array<i32>} : memref<128x64xf32, #tpu.memory_space<vmem>>, vector<1x16xf32>,
      %swap3A_407 = vector.shape_cast %swap3A_406 : vector<1x16xf32> to vector<16xf32>
      %swap3A_408 = vector.shape_cast %add3A_403 : vector<16xf32> to vector<1x16xf32>
      tpu.vector_store %arg14[%swap3A_404, %swap3A_405], %swap3A_408 {strides = array<i32>} : memref<128x64xf32, #tpu.memory_space<vmem>>, vector<1x16xf32>,
      %sub3A_409 = arith.subf %get3A_264, %gather3A_349 : vector<16xf32>
      %mul3A_410 = arith.mulf %gather3A_353, %get3A_15 : vector<16xf32>
      %mul3A_411 = arith.mulf %sub3A_409, %mul3A_410 : vector<16xf32>
      %add3A_412 = arith.addf %mul3A_411, %get3A_27 : vector<16xf32>
      %swap3A_413 = arith.index_cast %mul3A_246 : i32 to index
      %swap3A_414 = arith.constant 48 : index
      %swap3A_415 = tpu.vector_load %arg14[%swap3A_413, %swap3A_414] {strides = array<i32>} : memref<128x64xf32, #tpu.memory_space<vmem>>, vector<1x16xf32>,
      %swap3A_416 = vector.shape_cast %swap3A_415 : vector<1x16xf32> to vector<16xf32>
      %swap3A_417 = vector.shape_cast %add3A_412 : vector<16xf32> to vector<1x16xf32>
      tpu.vector_store %arg14[%swap3A_413, %swap3A_414], %swap3A_417 {strides = array<i32>} : memref<128x64xf32, #tpu.memory_space<vmem>>, vector<1x16xf32>,
      %sub3A_418 = arith.subf %get3A_280, %gather3A_351 : vector<16xf32>
      %mul3A_419 = arith.mulf %gather3A_355, %get3A_15 : vector<16xf32>
      %mul3A_420 = arith.mulf %sub3A_418, %mul3A_419 : vector<16xf32>
      %add3A_421 = arith.addf %mul3A_420, %get3A_27 : vector<16xf32>
      %swap3A_422 = arith.index_cast %add3A_248 : i32 to index
      %swap3A_423 = arith.constant 48 : index
      %swap3A_424 = tpu.vector_load %arg14[%swap3A_422, %swap3A_423] {strides = array<i32>} : memref<128x64xf32, #tpu.memory_space<vmem>>, vector<1x16xf32>,
      %swap3A_425 = vector.shape_cast %swap3A_424 : vector<1x16xf32> to vector<16xf32>
      %swap3A_426 = vector.shape_cast %add3A_421 : vector<16xf32> to vector<1x16xf32>
      tpu.vector_store %arg14[%swap3A_422, %swap3A_423], %swap3A_426 {strides = array<i32>} : memref<128x64xf32, #tpu.memory_space<vmem>>, vector<1x16xf32>,
    }
    %scan3A_94 = arith.constant 64 : i32
    %add3A_95 = arith.constant 0 : i32
    %add3A_96 = arith.addi %mul3A_2, %add3A_95 : i32
    %dma_start3A_97 = arith.constant 0 : i32
    %dma_start3A_98 = tpu.memref_slice %arg8[%add3A_96, %dma_start3A_97] : memref<819200x64xf32, #tpu.memory_space<hbm>> -> memref<128x64xf32, #tpu.memory_space<hbm>>
    %dma_start3A_99 = arith.constant 0 : i32
    %dma_start3A_100 = tpu.memref_slice %arg8[%add3A_96, %dma_start3A_99] : memref<819200x64xf32, #tpu.memory_space<hbm>> -> memref<128x64xf32, #tpu.memory_space<hbm>>
    tpu.enqueue_dma source(%arg14 : memref<128x64xf32, #tpu.memory_space<vmem>>) target(%dma_start3A_100 : memref<128x64xf32, #tpu.memory_space<hbm>>) target_semaphore(%arg22 : memref<!tpu.dma_semaphore, #tpu.memory_space<semaphore_mem>>)
    %dma_start3A_101 = arith.constant 2 : i32
    %dma_start3A_102 = arith.constant 0 : i32
    %dma_start3A_103 = tpu.memref_slice %arg9[%dma_start3A_101, %dma_start3A_102] : memref<200x128xi32, #tpu.memory_space<vmem>> -> memref<1x128xi32, #tpu.memory_space<vmem>>
    %dma_start3A_104 = tpu.memref_squeeze %dma_start3A_103 : memref<1x128xi32, #tpu.memory_space<vmem>> -> memref<128xi32, #tpu.memory_space<vmem>>
    %dma_start3A_105 = arith.constant 0 : i32
    %dma_start3A_106 = arith.constant 0 : i32
    %dma_start3A_107 = tpu.memref_slice %arg4[%dma_start3A_105, %dma_start3A_106] : memref<50760x128xf32, #tpu.memory_space<hbm>> -> memref<50760x128xf32, #tpu.memory_space<hbm>>
    tpu.enqueue_indirect_dma source(%dma_start3A_107 : memref<50760x128xf32, #tpu.memory_space<hbm>>) target(%arg12 : memref<128x128xf32, #tpu.memory_space<vmem>>) offsets(%dma_start3A_104 : memref<128xi32, #tpu.memory_space<vmem>>) semaphore(%arg18 : memref<!tpu.dma_semaphore, #tpu.memory_space<semaphore_mem>>)
    %dma_wait3A_108 = arith.constant 0 : i32
    %dma_wait3A_109 = arith.constant 0 : i32
    %dma_wait3A_110 = tpu.memref_slice %arg9[%dma_wait3A_108, %dma_wait3A_109] : memref<200x128xi32, #tpu.memory_space<vmem>> -> memref<1x128xi32, #tpu.memory_space<vmem>>
    %dma_wait3A_111 = tpu.memref_squeeze %dma_wait3A_110 : memref<1x128xi32, #tpu.memory_space<vmem>> -> memref<128xi32, #tpu.memory_space<vmem>>
    %dma_wait3A_112 = arith.constant 0 : i32
    %dma_wait3A_113 = arith.constant 0 : i32
    %dma_wait3A_114 = tpu.memref_slice %arg4[%dma_wait3A_112, %dma_wait3A_113] : memref<50760x128xf32, #tpu.memory_space<hbm>> -> memref<50760x128xf32, #tpu.memory_space<hbm>>
    tpu.wait_indirect_dma semaphore(%arg19 : memref<!tpu.dma_semaphore, #tpu.memory_space<semaphore_mem>>) src(%dma_wait3A_114 : memref<50760x128xf32, #tpu.memory_space<hbm>>) dst(%arg13 : memref<128x128xf32, #tpu.memory_space<vmem>>)
    %dma_start3A_115 = arith.constant 1 : i32
    %dma_start3A_116 = arith.constant 0 : i32
    %dma_start3A_117 = tpu.memref_slice %arg10[%dma_start3A_115, %dma_start3A_116] : memref<200x128xi32, #tpu.memory_space<vmem>> -> memref<1x128xi32, #tpu.memory_space<vmem>>
    %dma_start3A_118 = tpu.memref_squeeze %dma_start3A_117 : memref<1x128xi32, #tpu.memory_space<vmem>> -> memref<128xi32, #tpu.memory_space<vmem>>
    %dma_start3A_119 = arith.constant 0 : i32
    %dma_start3A_120 = arith.constant 0 : i32
    %dma_start3A_121 = tpu.memref_slice %arg11[%dma_start3A_119, %dma_start3A_120] : memref<7x128xf32, #tpu.memory_space<vmem_shared>> -> memref<7x128xf32, #tpu.memory_space<vmem_shared>>
    tpu.enqueue_indirect_dma source(%dma_start3A_121 : memref<7x128xf32, #tpu.memory_space<vmem_shared>>) target(%arg13 : memref<128x128xf32, #tpu.memory_space<vmem>>) offsets(%dma_start3A_118 : memref<128xi32, #tpu.memory_space<vmem>>) semaphore(%arg21 : memref<!tpu.dma_semaphore, #tpu.memory_space<semaphore_mem>>) {add = true}
    %dma_wait3A_122 = arith.constant 0 : i32
    %dma_wait3A_123 = arith.constant 0 : i32
    %dma_wait3A_124 = tpu.memref_slice %arg10[%dma_wait3A_122, %dma_wait3A_123] : memref<200x128xi32, #tpu.memory_space<vmem>> -> memref<1x128xi32, #tpu.memory_space<vmem>>
    %dma_wait3A_125 = tpu.memref_squeeze %dma_wait3A_124 : memref<1x128xi32, #tpu.memory_space<vmem>> -> memref<128xi32, #tpu.memory_space<vmem>>
    %dma_wait3A_126 = arith.constant 0 : i32
    %dma_wait3A_127 = arith.constant 0 : i32
    %dma_wait3A_128 = tpu.memref_slice %arg11[%dma_wait3A_126, %dma_wait3A_127] : memref<7x128xf32, #tpu.memory_space<vmem_shared>> -> memref<7x128xf32, #tpu.memory_space<vmem_shared>>
    tpu.wait_indirect_dma semaphore(%arg21 : memref<!tpu.dma_semaphore, #tpu.memory_space<semaphore_mem>>) src(%dma_wait3A_128 : memref<7x128xf32, #tpu.memory_space<vmem_shared>>) dst(%arg13 : memref<128x128xf32, #tpu.memory_space<vmem>>)
    %scan3A_129 = arith.constant 0 : i32
    %scan3A_130 = arith.constant 0 : i32
    %scan3A_131 = arith.constant 64 : i32
    %scan3A_132 = arith.addi %scan3A_130, %scan3A_131 : i32
    %scan3A_133 = arith.constant 1 : i32
    scf.for %scan3A_244 = %scan3A_130 to %scan3A_132 step %scan3A_133  : i32 {
      %mul3A_245 = arith.constant 2 : i32
      %mul3A_246 = arith.muli %scan3A_244, %mul3A_245 : i32
      %add3A_247 = arith.constant 1 : i32
      %add3A_248 = arith.addi %mul3A_246, %add3A_247 : i32
      %get3A_249 = arith.index_cast %mul3A_246 : i32 to index
      %get3A_250 = arith.constant 0 : index
      %get3A_251 = tpu.vector_load %arg13[%get3A_249, %get3A_250] {strides = array<i32>} : memref<128x128xf32, #tpu.memory_space<vmem>>, vector<1x16xf32>,
      %get3A_252 = vector.shape_cast %get3A_251 : vector<1x16xf32> to vector<16xf32>
      %get3A_253 = arith.index_cast %mul3A_246 : i32 to index
      %get3A_254 = arith.constant 16 : index
      %get3A_255 = tpu.vector_load %arg13[%get3A_253, %get3A_254] {strides = array<i32>} : memref<128x128xf32, #tpu.memory_space<vmem>>, vector<1x16xf32>,
      %get3A_256 = vector.shape_cast %get3A_255 : vector<1x16xf32> to vector<16xf32>
      %get3A_257 = arith.index_cast %mul3A_246 : i32 to index
      %get3A_258 = arith.constant 32 : index
      %get3A_259 = tpu.vector_load %arg13[%get3A_257, %get3A_258] {strides = array<i32>} : memref<128x128xf32, #tpu.memory_space<vmem>>, vector<1x16xf32>,
      %get3A_260 = vector.shape_cast %get3A_259 : vector<1x16xf32> to vector<16xf32>
      %get3A_261 = arith.index_cast %mul3A_246 : i32 to index
      %get3A_262 = arith.constant 48 : index
      %get3A_263 = tpu.vector_load %arg13[%get3A_261, %get3A_262] {strides = array<i32>} : memref<128x128xf32, #tpu.memory_space<vmem>>, vector<1x16xf32>,
      %get3A_264 = vector.shape_cast %get3A_263 : vector<1x16xf32> to vector<16xf32>
      %get3A_265 = arith.index_cast %add3A_248 : i32 to index
      %get3A_266 = arith.constant 0 : index
      %get3A_267 = tpu.vector_load %arg13[%get3A_265, %get3A_266] {strides = array<i32>} : memref<128x128xf32, #tpu.memory_space<vmem>>, vector<1x16xf32>,
      %get3A_268 = vector.shape_cast %get3A_267 : vector<1x16xf32> to vector<16xf32>
      %get3A_269 = arith.index_cast %add3A_248 : i32 to index
      %get3A_270 = arith.constant 16 : index
      %get3A_271 = tpu.vector_load %arg13[%get3A_269, %get3A_270] {strides = array<i32>} : memref<128x128xf32, #tpu.memory_space<vmem>>, vector<1x16xf32>,
      %get3A_272 = vector.shape_cast %get3A_271 : vector<1x16xf32> to vector<16xf32>
      %get3A_273 = arith.index_cast %add3A_248 : i32 to index
      %get3A_274 = arith.constant 32 : index
      %get3A_275 = tpu.vector_load %arg13[%get3A_273, %get3A_274] {strides = array<i32>} : memref<128x128xf32, #tpu.memory_space<vmem>>, vector<1x16xf32>,
      %get3A_276 = vector.shape_cast %get3A_275 : vector<1x16xf32> to vector<16xf32>
      %get3A_277 = arith.index_cast %add3A_248 : i32 to index
      %get3A_278 = arith.constant 48 : index
      %get3A_279 = tpu.vector_load %arg13[%get3A_277, %get3A_278] {strides = array<i32>} : memref<128x128xf32, #tpu.memory_space<vmem>>, vector<1x16xf32>,
      %get3A_280 = vector.shape_cast %get3A_279 : vector<1x16xf32> to vector<16xf32>
      %add3A_281 = arith.addf %get3A_252, %get3A_256 : vector<16xf32>
      %add3A_282 = arith.addf %get3A_260, %get3A_264 : vector<16xf32>
      %add3A_283 = arith.addf %add3A_281, %add3A_282 : vector<16xf32>
      %add3A_284 = arith.addf %get3A_268, %get3A_272 : vector<16xf32>
      %add3A_285 = arith.addf %get3A_276, %get3A_280 : vector<16xf32>
      %add3A_286 = arith.addf %add3A_284, %add3A_285 : vector<16xf32>
      %mul3A_287 = arith.mulf %get3A_252, %get3A_252 : vector<16xf32>
      %mul3A_288 = arith.mulf %get3A_256, %get3A_256 : vector<16xf32>
      %add3A_289 = arith.addf %mul3A_287, %mul3A_288 : vector<16xf32>
      %mul3A_290 = arith.mulf %get3A_260, %get3A_260 : vector<16xf32>
      %mul3A_291 = arith.mulf %get3A_264, %get3A_264 : vector<16xf32>
      %add3A_292 = arith.addf %mul3A_290, %mul3A_291 : vector<16xf32>
      %add3A_293 = arith.addf %add3A_289, %add3A_292 : vector<16xf32>
      %mul3A_294 = arith.mulf %get3A_268, %get3A_268 : vector<16xf32>
      %mul3A_295 = arith.mulf %get3A_272, %get3A_272 : vector<16xf32>
      %add3A_296 = arith.addf %mul3A_294, %mul3A_295 : vector<16xf32>
      %mul3A_297 = arith.mulf %get3A_276, %get3A_276 : vector<16xf32>
      %mul3A_298 = arith.mulf %get3A_280, %get3A_280 : vector<16xf32>
      %add3A_299 = arith.addf %mul3A_297, %mul3A_298 : vector<16xf32>
      %add3A_300 = arith.addf %add3A_296, %add3A_299 : vector<16xf32>
      %gather3A = vector.shape_cast %reshape3A_41 : vector<16x1xi32> to vector<16xi32>
      %gather3A_301 = tpu.dynamic_gather %add3A_283[%gather3A] in [0] : vector<16xf32>, vector<16xi32> -> vector<16xf32>
      %add3A_302 = arith.addf %add3A_283, %gather3A_301 : vector<16xf32>
      %gather3A_303 = vector.shape_cast %reshape3A_41 : vector<16x1xi32> to vector<16xi32>
      %gather3A_304 = tpu.dynamic_gather %add3A_286[%gather3A_303] in [0] : vector<16xf32>, vector<16xi32> -> vector<16xf32>
      %add3A_305 = arith.addf %add3A_286, %gather3A_304 : vector<16xf32>
      %select_n3A = arith.select %lt3A_46, %add3A_302, %add3A_305 : vector<16xi1>, vector<16xf32>
      %gather3A_306 = vector.shape_cast %reshape3A_41 : vector<16x1xi32> to vector<16xi32>
      %gather3A_307 = tpu.dynamic_gather %add3A_293[%gather3A_306] in [0] : vector<16xf32>, vector<16xi32> -> vector<16xf32>
      %add3A_308 = arith.addf %add3A_293, %gather3A_307 : vector<16xf32>
      %gather3A_309 = vector.shape_cast %reshape3A_41 : vector<16x1xi32> to vector<16xi32>
      %gather3A_310 = tpu.dynamic_gather %add3A_300[%gather3A_309] in [0] : vector<16xf32>, vector<16xi32> -> vector<16xf32>
      %add3A_311 = arith.addf %add3A_300, %gather3A_310 : vector<16xf32>
      %select_n3A_312 = arith.select %lt3A_46, %add3A_308, %add3A_311 : vector<16xi1>, vector<16xf32>
      %gather3A_313 = vector.shape_cast %reshape3A : vector<16x1xi32> to vector<16xi32>
      %gather3A_314 = tpu.dynamic_gather %select_n3A[%gather3A_313] in [0] : vector<16xf32>, vector<16xi32> -> vector<16xf32>
      %add3A_315 = arith.addf %select_n3A, %gather3A_314 : vector<16xf32>
      %gather3A_316 = vector.shape_cast %reshape3A : vector<16x1xi32> to vector<16xi32>
      %gather3A_317 = tpu.dynamic_gather %select_n3A_312[%gather3A_316] in [0] : vector<16xf32>, vector<16xi32> -> vector<16xf32>
      %add3A_318 = arith.addf %select_n3A_312, %gather3A_317 : vector<16xf32>
      %gather3A_319 = vector.shape_cast %reshape3A_33 : vector<16x1xi32> to vector<16xi32>
      %gather3A_320 = tpu.dynamic_gather %add3A_315[%gather3A_319] in [0] : vector<16xf32>, vector<16xi32> -> vector<16xf32>
      %add3A_321 = arith.addf %add3A_315, %gather3A_320 : vector<16xf32>
      %gather3A_322 = vector.shape_cast %reshape3A_33 : vector<16x1xi32> to vector<16xi32>
      %gather3A_323 = tpu.dynamic_gather %add3A_318[%gather3A_322] in [0] : vector<16xf32>, vector<16xi32> -> vector<16xf32>
      %add3A_324 = arith.addf %add3A_318, %gather3A_323 : vector<16xf32>
      %gather3A_325 = vector.shape_cast %reshape3A_37 : vector<16x1xi32> to vector<16xi32>
      %gather3A_326 = tpu.dynamic_gather %add3A_321[%gather3A_325] in [0] : vector<16xf32>, vector<16xi32> -> vector<16xf32>
      %add3A_327 = arith.addf %add3A_321, %gather3A_326 : vector<16xf32>
      %gather3A_328 = vector.shape_cast %reshape3A_37 : vector<16x1xi32> to vector<16xi32>
      %gather3A_329 = tpu.dynamic_gather %add3A_324[%gather3A_328] in [0] : vector<16xf32>, vector<16xi32> -> vector<16xf32>
      %add3A_330 = arith.addf %add3A_324, %gather3A_329 : vector<16xf32>
      %mul3A_331 = arith.mulf %add3A_327, %broadcast_in_dim3A_48 : vector<16xf32>
      %mul3A_332 = arith.mulf %add3A_330, %broadcast_in_dim3A_48 : vector<16xf32>
      %mul3A_333 = arith.mulf %mul3A_331, %mul3A_331 : vector<16xf32>
      %sub3A = arith.subf %mul3A_332, %mul3A_333 : vector<16xf32>
      %add3A_334 = arith.addf %sub3A, %broadcast_in_dim3A_54 : vector<16xf32>
      %mul3A_335 = arith.mulf %broadcast_in_dim3A_52, %add3A_334 : vector<16xf32>
      %bitcast_convert_type3A = tpu.bitcast %add3A_334 : vector<16xf32> -> vector<16xi32>
      %shift_right_arithmetic3A = arith.constant 1 : i32
      %shift_right_arithmetic3A_336 = vector.broadcast %shift_right_arithmetic3A : i32 to vector<16xi32>
      %shift_right_arithmetic3A_337 = arith.shrsi %bitcast_convert_type3A, %shift_right_arithmetic3A_336 : vector<16xi32>
      %sub3A_338 = arith.subi %broadcast_in_dim3A_56, %shift_right_arithmetic3A_337 : vector<16xi32>
      %bitcast_convert_type3A_339 = tpu.bitcast %sub3A_338 : vector<16xi32> -> vector<16xf32>
      %mul3A_340 = arith.mulf %mul3A_335, %bitcast_convert_type3A_339 : vector<16xf32>
      %mul3A_341 = arith.mulf %mul3A_340, %bitcast_convert_type3A_339 : vector<16xf32>
      %sub3A_342 = arith.subf %broadcast_in_dim3A_50, %mul3A_341 : vector<16xf32>
      %mul3A_343 = arith.mulf %bitcast_convert_type3A_339, %sub3A_342 : vector<16xf32>
      %mul3A_344 = arith.mulf %mul3A_335, %mul3A_343 : vector<16xf32>
      %mul3A_345 = arith.mulf %mul3A_344, %mul3A_343 : vector<16xf32>
      %sub3A_346 = arith.subf %broadcast_in_dim3A_50, %mul3A_345 : vector<16xf32>
      %mul3A_347 = arith.mulf %mul3A_343, %sub3A_346 : vector<16xf32>
      %gather3A_348 = vector.shape_cast %broadcast_in_dim3A_42 : vector<16x1xi32> to vector<16xi32>
      %gather3A_349 = tpu.dynamic_gather %mul3A_331[%gather3A_348] in [0] : vector<16xf32>, vector<16xi32> -> vector<16xf32>
      %gather3A_350 = vector.shape_cast %broadcast_in_dim3A_44 : vector<16x1xi32> to vector<16xi32>
      %gather3A_351 = tpu.dynamic_gather %mul3A_331[%gather3A_350] in [0] : vector<16xf32>, vector<16xi32> -> vector<16xf32>
      %gather3A_352 = vector.shape_cast %broadcast_in_dim3A_42 : vector<16x1xi32> to vector<16xi32>
      %gather3A_353 = tpu.dynamic_gather %mul3A_347[%gather3A_352] in [0] : vector<16xf32>, vector<16xi32> -> vector<16xf32>
      %gather3A_354 = vector.shape_cast %broadcast_in_dim3A_44 : vector<16x1xi32> to vector<16xi32>
      %gather3A_355 = tpu.dynamic_gather %mul3A_347[%gather3A_354] in [0] : vector<16xf32>, vector<16xi32> -> vector<16xf32>
      %sub3A_356 = arith.subf %get3A_252, %gather3A_349 : vector<16xf32>
      %mul3A_357 = arith.mulf %gather3A_353, %get3A_6 : vector<16xf32>
      %mul3A_358 = arith.mulf %sub3A_356, %mul3A_357 : vector<16xf32>
      %add3A_359 = arith.addf %mul3A_358, %get3A_18 : vector<16xf32>
      %swap3A = arith.index_cast %mul3A_246 : i32 to index
      %swap3A_360 = arith.constant 0 : index
      %swap3A_361 = tpu.vector_load %arg15[%swap3A, %swap3A_360] {strides = array<i32>} : memref<128x64xf32, #tpu.memory_space<vmem>>, vector<1x16xf32>,
      %swap3A_362 = vector.shape_cast %swap3A_361 : vector<1x16xf32> to vector<16xf32>
      %swap3A_363 = vector.shape_cast %add3A_359 : vector<16xf32> to vector<1x16xf32>
      tpu.vector_store %arg15[%swap3A, %swap3A_360], %swap3A_363 {strides = array<i32>} : memref<128x64xf32, #tpu.memory_space<vmem>>, vector<1x16xf32>,
      %sub3A_364 = arith.subf %get3A_268, %gather3A_351 : vector<16xf32>
      %mul3A_365 = arith.mulf %gather3A_355, %get3A_6 : vector<16xf32>
      %mul3A_366 = arith.mulf %sub3A_364, %mul3A_365 : vector<16xf32>
      %add3A_367 = arith.addf %mul3A_366, %get3A_18 : vector<16xf32>
      %swap3A_368 = arith.index_cast %add3A_248 : i32 to index
      %swap3A_369 = arith.constant 0 : index
      %swap3A_370 = tpu.vector_load %arg15[%swap3A_368, %swap3A_369] {strides = array<i32>} : memref<128x64xf32, #tpu.memory_space<vmem>>, vector<1x16xf32>,
      %swap3A_371 = vector.shape_cast %swap3A_370 : vector<1x16xf32> to vector<16xf32>
      %swap3A_372 = vector.shape_cast %add3A_367 : vector<16xf32> to vector<1x16xf32>
      tpu.vector_store %arg15[%swap3A_368, %swap3A_369], %swap3A_372 {strides = array<i32>} : memref<128x64xf32, #tpu.memory_space<vmem>>, vector<1x16xf32>,
      %sub3A_373 = arith.subf %get3A_256, %gather3A_349 : vector<16xf32>
      %mul3A_374 = arith.mulf %gather3A_353, %get3A_9 : vector<16xf32>
      %mul3A_375 = arith.mulf %sub3A_373, %mul3A_374 : vector<16xf32>
      %add3A_376 = arith.addf %mul3A_375, %get3A_21 : vector<16xf32>
      %swap3A_377 = arith.index_cast %mul3A_246 : i32 to index
      %swap3A_378 = arith.constant 16 : index
      %swap3A_379 = tpu.vector_load %arg15[%swap3A_377, %swap3A_378] {strides = array<i32>} : memref<128x64xf32, #tpu.memory_space<vmem>>, vector<1x16xf32>,
      %swap3A_380 = vector.shape_cast %swap3A_379 : vector<1x16xf32> to vector<16xf32>
      %swap3A_381 = vector.shape_cast %add3A_376 : vector<16xf32> to vector<1x16xf32>
      tpu.vector_store %arg15[%swap3A_377, %swap3A_378], %swap3A_381 {strides = array<i32>} : memref<128x64xf32, #tpu.memory_space<vmem>>, vector<1x16xf32>,
      %sub3A_382 = arith.subf %get3A_272, %gather3A_351 : vector<16xf32>
      %mul3A_383 = arith.mulf %gather3A_355, %get3A_9 : vector<16xf32>
      %mul3A_384 = arith.mulf %sub3A_382, %mul3A_383 : vector<16xf32>
      %add3A_385 = arith.addf %mul3A_384, %get3A_21 : vector<16xf32>
      %swap3A_386 = arith.index_cast %add3A_248 : i32 to index
      %swap3A_387 = arith.constant 16 : index
      %swap3A_388 = tpu.vector_load %arg15[%swap3A_386, %swap3A_387] {strides = array<i32>} : memref<128x64xf32, #tpu.memory_space<vmem>>, vector<1x16xf32>,
      %swap3A_389 = vector.shape_cast %swap3A_388 : vector<1x16xf32> to vector<16xf32>
      %swap3A_390 = vector.shape_cast %add3A_385 : vector<16xf32> to vector<1x16xf32>
      tpu.vector_store %arg15[%swap3A_386, %swap3A_387], %swap3A_390 {strides = array<i32>} : memref<128x64xf32, #tpu.memory_space<vmem>>, vector<1x16xf32>,
      %sub3A_391 = arith.subf %get3A_260, %gather3A_349 : vector<16xf32>
      %mul3A_392 = arith.mulf %gather3A_353, %get3A_12 : vector<16xf32>
      %mul3A_393 = arith.mulf %sub3A_391, %mul3A_392 : vector<16xf32>
      %add3A_394 = arith.addf %mul3A_393, %get3A_24 : vector<16xf32>
      %swap3A_395 = arith.index_cast %mul3A_246 : i32 to index
      %swap3A_396 = arith.constant 32 : index
      %swap3A_397 = tpu.vector_load %arg15[%swap3A_395, %swap3A_396] {strides = array<i32>} : memref<128x64xf32, #tpu.memory_space<vmem>>, vector<1x16xf32>,
      %swap3A_398 = vector.shape_cast %swap3A_397 : vector<1x16xf32> to vector<16xf32>
      %swap3A_399 = vector.shape_cast %add3A_394 : vector<16xf32> to vector<1x16xf32>
      tpu.vector_store %arg15[%swap3A_395, %swap3A_396], %swap3A_399 {strides = array<i32>} : memref<128x64xf32, #tpu.memory_space<vmem>>, vector<1x16xf32>,
      %sub3A_400 = arith.subf %get3A_276, %gather3A_351 : vector<16xf32>
      %mul3A_401 = arith.mulf %gather3A_355, %get3A_12 : vector<16xf32>
      %mul3A_402 = arith.mulf %sub3A_400, %mul3A_401 : vector<16xf32>
      %add3A_403 = arith.addf %mul3A_402, %get3A_24 : vector<16xf32>
      %swap3A_404 = arith.index_cast %add3A_248 : i32 to index
      %swap3A_405 = arith.constant 32 : index
      %swap3A_406 = tpu.vector_load %arg15[%swap3A_404, %swap3A_405] {strides = array<i32>} : memref<128x64xf32, #tpu.memory_space<vmem>>, vector<1x16xf32>,
      %swap3A_407 = vector.shape_cast %swap3A_406 : vector<1x16xf32> to vector<16xf32>
      %swap3A_408 = vector.shape_cast %add3A_403 : vector<16xf32> to vector<1x16xf32>
      tpu.vector_store %arg15[%swap3A_404, %swap3A_405], %swap3A_408 {strides = array<i32>} : memref<128x64xf32, #tpu.memory_space<vmem>>, vector<1x16xf32>,
      %sub3A_409 = arith.subf %get3A_264, %gather3A_349 : vector<16xf32>
      %mul3A_410 = arith.mulf %gather3A_353, %get3A_15 : vector<16xf32>
      %mul3A_411 = arith.mulf %sub3A_409, %mul3A_410 : vector<16xf32>
      %add3A_412 = arith.addf %mul3A_411, %get3A_27 : vector<16xf32>
      %swap3A_413 = arith.index_cast %mul3A_246 : i32 to index
      %swap3A_414 = arith.constant 48 : index
      %swap3A_415 = tpu.vector_load %arg15[%swap3A_413, %swap3A_414] {strides = array<i32>} : memref<128x64xf32, #tpu.memory_space<vmem>>, vector<1x16xf32>,
      %swap3A_416 = vector.shape_cast %swap3A_415 : vector<1x16xf32> to vector<16xf32>
      %swap3A_417 = vector.shape_cast %add3A_412 : vector<16xf32> to vector<1x16xf32>
      tpu.vector_store %arg15[%swap3A_413, %swap3A_414], %swap3A_417 {strides = array<i32>} : memref<128x64xf32, #tpu.memory_space<vmem>>, vector<1x16xf32>,
      %sub3A_418 = arith.subf %get3A_280, %gather3A_351 : vector<16xf32>
      %mul3A_419 = arith.mulf %gather3A_355, %get3A_15 : vector<16xf32>
      %mul3A_420 = arith.mulf %sub3A_418, %mul3A_419 : vector<16xf32>
      %add3A_421 = arith.addf %mul3A_420, %get3A_27 : vector<16xf32>
      %swap3A_422 = arith.index_cast %add3A_248 : i32 to index
      %swap3A_423 = arith.constant 48 : index
      %swap3A_424 = tpu.vector_load %arg15[%swap3A_422, %swap3A_423] {strides = array<i32>} : memref<128x64xf32, #tpu.memory_space<vmem>>, vector<1x16xf32>,
      %swap3A_425 = vector.shape_cast %swap3A_424 : vector<1x16xf32> to vector<16xf32>
      %swap3A_426 = vector.shape_cast %add3A_421 : vector<16xf32> to vector<1x16xf32>
      tpu.vector_store %arg15[%swap3A_422, %swap3A_423], %swap3A_426 {strides = array<i32>} : memref<128x64xf32, #tpu.memory_space<vmem>>, vector<1x16xf32>,
    }
    %scan3A_134 = arith.constant 64 : i32
    %add3A_135 = arith.constant 128 : i32
    %add3A_136 = arith.addi %mul3A_2, %add3A_135 : i32
    %dma_start3A_137 = arith.constant 0 : i32
    %dma_start3A_138 = tpu.memref_slice %arg8[%add3A_136, %dma_start3A_137] : memref<819200x64xf32, #tpu.memory_space<hbm>> -> memref<128x64xf32, #tpu.memory_space<hbm>>
    %dma_start3A_139 = arith.constant 0 : i32
    %dma_start3A_140 = tpu.memref_slice %arg8[%add3A_136, %dma_start3A_139] : memref<819200x64xf32, #tpu.memory_space<hbm>> -> memref<128x64xf32, #tpu.memory_space<hbm>>
    tpu.enqueue_dma source(%arg15 : memref<128x64xf32, #tpu.memory_space<vmem>>) target(%dma_start3A_140 : memref<128x64xf32, #tpu.memory_space<hbm>>) target_semaphore(%arg23 : memref<!tpu.dma_semaphore, #tpu.memory_space<semaphore_mem>>)
    %dma_start3A_141 = arith.constant 3 : i32
    %dma_start3A_142 = arith.constant 0 : i32
    %dma_start3A_143 = tpu.memref_slice %arg9[%dma_start3A_141, %dma_start3A_142] : memref<200x128xi32, #tpu.memory_space<vmem>> -> memref<1x128xi32, #tpu.memory_space<vmem>>
    %dma_start3A_144 = tpu.memref_squeeze %dma_start3A_143 : memref<1x128xi32, #tpu.memory_space<vmem>> -> memref<128xi32, #tpu.memory_space<vmem>>
    %dma_start3A_145 = arith.constant 0 : i32
    %dma_start3A_146 = arith.constant 0 : i32
    %dma_start3A_147 = tpu.memref_slice %arg4[%dma_start3A_145, %dma_start3A_146] : memref<50760x128xf32, #tpu.memory_space<hbm>> -> memref<50760x128xf32, #tpu.memory_space<hbm>>
    tpu.enqueue_indirect_dma source(%dma_start3A_147 : memref<50760x128xf32, #tpu.memory_space<hbm>>) target(%arg13 : memref<128x128xf32, #tpu.memory_space<vmem>>) offsets(%dma_start3A_144 : memref<128xi32, #tpu.memory_space<vmem>>) semaphore(%arg19 : memref<!tpu.dma_semaphore, #tpu.memory_space<semaphore_mem>>)
    %dma_wait3A_148 = arith.constant 0 : i32
    %dma_wait3A_149 = arith.constant 0 : i32
    %dma_wait3A_150 = tpu.memref_slice %arg9[%dma_wait3A_148, %dma_wait3A_149] : memref<200x128xi32, #tpu.memory_space<vmem>> -> memref<1x128xi32, #tpu.memory_space<vmem>>
    %dma_wait3A_151 = tpu.memref_squeeze %dma_wait3A_150 : memref<1x128xi32, #tpu.memory_space<vmem>> -> memref<128xi32, #tpu.memory_space<vmem>>
    %dma_wait3A_152 = arith.constant 0 : i32
    %dma_wait3A_153 = arith.constant 0 : i32
    %dma_wait3A_154 = tpu.memref_slice %arg4[%dma_wait3A_152, %dma_wait3A_153] : memref<50760x128xf32, #tpu.memory_space<hbm>> -> memref<50760x128xf32, #tpu.memory_space<hbm>>
    tpu.wait_indirect_dma semaphore(%arg18 : memref<!tpu.dma_semaphore, #tpu.memory_space<semaphore_mem>>) src(%dma_wait3A_154 : memref<50760x128xf32, #tpu.memory_space<hbm>>) dst(%arg12 : memref<128x128xf32, #tpu.memory_space<vmem>>)
    %dma_start3A_155 = arith.constant 2 : i32
    %dma_start3A_156 = arith.constant 0 : i32
    %dma_start3A_157 = tpu.memref_slice %arg10[%dma_start3A_155, %dma_start3A_156] : memref<200x128xi32, #tpu.memory_space<vmem>> -> memref<1x128xi32, #tpu.memory_space<vmem>>
    %dma_start3A_158 = tpu.memref_squeeze %dma_start3A_157 : memref<1x128xi32, #tpu.memory_space<vmem>> -> memref<128xi32, #tpu.memory_space<vmem>>
    %dma_start3A_159 = arith.constant 0 : i32
    %dma_start3A_160 = arith.constant 0 : i32
    %dma_start3A_161 = tpu.memref_slice %arg11[%dma_start3A_159, %dma_start3A_160] : memref<7x128xf32, #tpu.memory_space<vmem_shared>> -> memref<7x128xf32, #tpu.memory_space<vmem_shared>>
    tpu.enqueue_indirect_dma source(%dma_start3A_161 : memref<7x128xf32, #tpu.memory_space<vmem_shared>>) target(%arg12 : memref<128x128xf32, #tpu.memory_space<vmem>>) offsets(%dma_start3A_158 : memref<128xi32, #tpu.memory_space<vmem>>) semaphore(%arg20 : memref<!tpu.dma_semaphore, #tpu.memory_space<semaphore_mem>>) {add = true}
    %scan3A_162 = arith.constant 0 : i32
    %scan3A_163 = arith.constant 1 : i32
    %scan3A_164 = arith.constant 98 : i32
    %scan3A_165 = arith.addi %scan3A_163, %scan3A_164 : i32
    %scan3A_166 = arith.constant 1 : i32
    scf.for %scan3A_244 = %scan3A_163 to %scan3A_165 step %scan3A_166  : i32 {
      %mul3A_245 = arith.constant 2 : i32
      %mul3A_246 = arith.muli %scan3A_244, %mul3A_245 : i32
      %dma_wait3A_247 = arith.constant 0 : i32
      %dma_wait3A_248 = arith.constant 0 : i32
      %dma_wait3A_249 = tpu.memref_slice %arg10[%dma_wait3A_247, %dma_wait3A_248] : memref<200x128xi32, #tpu.memory_space<vmem>> -> memref<1x128xi32, #tpu.memory_space<vmem>>
      %dma_wait3A_250 = tpu.memref_squeeze %dma_wait3A_249 : memref<1x128xi32, #tpu.memory_space<vmem>> -> memref<128xi32, #tpu.memory_space<vmem>>
      %dma_wait3A_251 = arith.constant 0 : i32
      %dma_wait3A_252 = arith.constant 0 : i32
      %dma_wait3A_253 = tpu.memref_slice %arg11[%dma_wait3A_251, %dma_wait3A_252] : memref<7x128xf32, #tpu.memory_space<vmem_shared>> -> memref<7x128xf32, #tpu.memory_space<vmem_shared>>
      tpu.wait_indirect_dma semaphore(%arg20 : memref<!tpu.dma_semaphore, #tpu.memory_space<semaphore_mem>>) src(%dma_wait3A_253 : memref<7x128xf32, #tpu.memory_space<vmem_shared>>) dst(%arg12 : memref<128x128xf32, #tpu.memory_space<vmem>>)
      %dma_wait3A_254 = arith.constant 0 : i32
      %dma_wait3A_255 = arith.constant 0 : i32
      %dma_wait3A_256 = tpu.memref_slice %arg8[%dma_wait3A_254, %dma_wait3A_255] : memref<819200x64xf32, #tpu.memory_space<hbm>> -> memref<128x64xf32, #tpu.memory_space<hbm>>
      %dma_wait3A_257 = arith.constant 0 : i32
      %dma_wait3A_258 = arith.constant 0 : i32
      %dma_wait3A_259 = tpu.memref_slice %arg8[%dma_wait3A_257, %dma_wait3A_258] : memref<819200x64xf32, #tpu.memory_space<hbm>> -> memref<128x64xf32, #tpu.memory_space<hbm>>
      tpu.wait_dma2 semaphore(%arg22 : memref<!tpu.dma_semaphore, #tpu.memory_space<semaphore_mem>>) src(%arg14 : memref<128x64xf32, #tpu.memory_space<vmem>>) dst(%dma_wait3A_259 : memref<128x64xf32, #tpu.memory_space<hbm>>)
      %scan3A_260 = arith.constant 0 : i32
      %scan3A_261 = arith.constant 0 : i32
      %scan3A_262 = arith.constant 64 : i32
      %scan3A_263 = arith.addi %scan3A_261, %scan3A_262 : i32
      %scan3A_264 = arith.constant 1 : i32
      scf.for %scan3A_347 = %scan3A_261 to %scan3A_263 step %scan3A_264  : i32 {
        %mul3A_348 = arith.constant 2 : i32
        %mul3A_349 = arith.muli %scan3A_347, %mul3A_348 : i32
        %add3A_350 = arith.constant 1 : i32
        %add3A_351 = arith.addi %mul3A_349, %add3A_350 : i32
        %get3A_352 = arith.index_cast %mul3A_349 : i32 to index
        %get3A_353 = arith.constant 0 : index
        %get3A_354 = tpu.vector_load %arg12[%get3A_352, %get3A_353] {strides = array<i32>} : memref<128x128xf32, #tpu.memory_space<vmem>>, vector<1x16xf32>,
        %get3A_355 = vector.shape_cast %get3A_354 : vector<1x16xf32> to vector<16xf32>
        %get3A_356 = arith.index_cast %mul3A_349 : i32 to index
        %get3A_357 = arith.constant 16 : index
        %get3A_358 = tpu.vector_load %arg12[%get3A_356, %get3A_357] {strides = array<i32>} : memref<128x128xf32, #tpu.memory_space<vmem>>, vector<1x16xf32>,
        %get3A_359 = vector.shape_cast %get3A_358 : vector<1x16xf32> to vector<16xf32>
        %get3A_360 = arith.index_cast %mul3A_349 : i32 to index
        %get3A_361 = arith.constant 32 : index
        %get3A_362 = tpu.vector_load %arg12[%get3A_360, %get3A_361] {strides = array<i32>} : memref<128x128xf32, #tpu.memory_space<vmem>>, vector<1x16xf32>,
        %get3A_363 = vector.shape_cast %get3A_362 : vector<1x16xf32> to vector<16xf32>
        %get3A_364 = arith.index_cast %mul3A_349 : i32 to index
        %get3A_365 = arith.constant 48 : index
        %get3A_366 = tpu.vector_load %arg12[%get3A_364, %get3A_365] {strides = array<i32>} : memref<128x128xf32, #tpu.memory_space<vmem>>, vector<1x16xf32>,
        %get3A_367 = vector.shape_cast %get3A_366 : vector<1x16xf32> to vector<16xf32>
        %get3A_368 = arith.index_cast %add3A_351 : i32 to index
        %get3A_369 = arith.constant 0 : index
        %get3A_370 = tpu.vector_load %arg12[%get3A_368, %get3A_369] {strides = array<i32>} : memref<128x128xf32, #tpu.memory_space<vmem>>, vector<1x16xf32>,
        %get3A_371 = vector.shape_cast %get3A_370 : vector<1x16xf32> to vector<16xf32>
        %get3A_372 = arith.index_cast %add3A_351 : i32 to index
        %get3A_373 = arith.constant 16 : index
        %get3A_374 = tpu.vector_load %arg12[%get3A_372, %get3A_373] {strides = array<i32>} : memref<128x128xf32, #tpu.memory_space<vmem>>, vector<1x16xf32>,
        %get3A_375 = vector.shape_cast %get3A_374 : vector<1x16xf32> to vector<16xf32>
        %get3A_376 = arith.index_cast %add3A_351 : i32 to index
        %get3A_377 = arith.constant 32 : index
        %get3A_378 = tpu.vector_load %arg12[%get3A_376, %get3A_377] {strides = array<i32>} : memref<128x128xf32, #tpu.memory_space<vmem>>, vector<1x16xf32>,
        %get3A_379 = vector.shape_cast %get3A_378 : vector<1x16xf32> to vector<16xf32>
        %get3A_380 = arith.index_cast %add3A_351 : i32 to index
        %get3A_381 = arith.constant 48 : index
        %get3A_382 = tpu.vector_load %arg12[%get3A_380, %get3A_381] {strides = array<i32>} : memref<128x128xf32, #tpu.memory_space<vmem>>, vector<1x16xf32>,
        %get3A_383 = vector.shape_cast %get3A_382 : vector<1x16xf32> to vector<16xf32>
        %add3A_384 = arith.addf %get3A_355, %get3A_359 : vector<16xf32>
        %add3A_385 = arith.addf %get3A_363, %get3A_367 : vector<16xf32>
        %add3A_386 = arith.addf %add3A_384, %add3A_385 : vector<16xf32>
        %add3A_387 = arith.addf %get3A_371, %get3A_375 : vector<16xf32>
        %add3A_388 = arith.addf %get3A_379, %get3A_383 : vector<16xf32>
        %add3A_389 = arith.addf %add3A_387, %add3A_388 : vector<16xf32>
        %mul3A_390 = arith.mulf %get3A_355, %get3A_355 : vector<16xf32>
        %mul3A_391 = arith.mulf %get3A_359, %get3A_359 : vector<16xf32>
        %add3A_392 = arith.addf %mul3A_390, %mul3A_391 : vector<16xf32>
        %mul3A_393 = arith.mulf %get3A_363, %get3A_363 : vector<16xf32>
        %mul3A_394 = arith.mulf %get3A_367, %get3A_367 : vector<16xf32>
        %add3A_395 = arith.addf %mul3A_393, %mul3A_394 : vector<16xf32>
        %add3A_396 = arith.addf %add3A_392, %add3A_395 : vector<16xf32>
        %mul3A_397 = arith.mulf %get3A_371, %get3A_371 : vector<16xf32>
        %mul3A_398 = arith.mulf %get3A_375, %get3A_375 : vector<16xf32>
        %add3A_399 = arith.addf %mul3A_397, %mul3A_398 : vector<16xf32>
        %mul3A_400 = arith.mulf %get3A_379, %get3A_379 : vector<16xf32>
        %mul3A_401 = arith.mulf %get3A_383, %get3A_383 : vector<16xf32>
        %add3A_402 = arith.addf %mul3A_400, %mul3A_401 : vector<16xf32>
        %add3A_403 = arith.addf %add3A_399, %add3A_402 : vector<16xf32>
        %gather3A = vector.shape_cast %reshape3A_41 : vector<16x1xi32> to vector<16xi32>
        %gather3A_404 = tpu.dynamic_gather %add3A_386[%gather3A] in [0] : vector<16xf32>, vector<16xi32> -> vector<16xf32>
        %add3A_405 = arith.addf %add3A_386, %gather3A_404 : vector<16xf32>
        %gather3A_406 = vector.shape_cast %reshape3A_41 : vector<16x1xi32> to vector<16xi32>
        %gather3A_407 = tpu.dynamic_gather %add3A_389[%gather3A_406] in [0] : vector<16xf32>, vector<16xi32> -> vector<16xf32>
        %add3A_408 = arith.addf %add3A_389, %gather3A_407 : vector<16xf32>
        %select_n3A = arith.select %lt3A_46, %add3A_405, %add3A_408 : vector<16xi1>, vector<16xf32>
        %gather3A_409 = vector.shape_cast %reshape3A_41 : vector<16x1xi32> to vector<16xi32>
        %gather3A_410 = tpu.dynamic_gather %add3A_396[%gather3A_409] in [0] : vector<16xf32>, vector<16xi32> -> vector<16xf32>
        %add3A_411 = arith.addf %add3A_396, %gather3A_410 : vector<16xf32>
        %gather3A_412 = vector.shape_cast %reshape3A_41 : vector<16x1xi32> to vector<16xi32>
        %gather3A_413 = tpu.dynamic_gather %add3A_403[%gather3A_412] in [0] : vector<16xf32>, vector<16xi32> -> vector<16xf32>
        %add3A_414 = arith.addf %add3A_403, %gather3A_413 : vector<16xf32>
        %select_n3A_415 = arith.select %lt3A_46, %add3A_411, %add3A_414 : vector<16xi1>, vector<16xf32>
        %gather3A_416 = vector.shape_cast %reshape3A : vector<16x1xi32> to vector<16xi32>
        %gather3A_417 = tpu.dynamic_gather %select_n3A[%gather3A_416] in [0] : vector<16xf32>, vector<16xi32> -> vector<16xf32>
        %add3A_418 = arith.addf %select_n3A, %gather3A_417 : vector<16xf32>
        %gather3A_419 = vector.shape_cast %reshape3A : vector<16x1xi32> to vector<16xi32>
        %gather3A_420 = tpu.dynamic_gather %select_n3A_415[%gather3A_419] in [0] : vector<16xf32>, vector<16xi32> -> vector<16xf32>
        %add3A_421 = arith.addf %select_n3A_415, %gather3A_420 : vector<16xf32>
        %gather3A_422 = vector.shape_cast %reshape3A_33 : vector<16x1xi32> to vector<16xi32>
        %gather3A_423 = tpu.dynamic_gather %add3A_418[%gather3A_422] in [0] : vector<16xf32>, vector<16xi32> -> vector<16xf32>
        %add3A_424 = arith.addf %add3A_418, %gather3A_423 : vector<16xf32>
        %gather3A_425 = vector.shape_cast %reshape3A_33 : vector<16x1xi32> to vector<16xi32>
        %gather3A_426 = tpu.dynamic_gather %add3A_421[%gather3A_425] in [0] : vector<16xf32>, vector<16xi32> -> vector<16xf32>
        %add3A_427 = arith.addf %add3A_421, %gather3A_426 : vector<16xf32>
        %gather3A_428 = vector.shape_cast %reshape3A_37 : vector<16x1xi32> to vector<16xi32>
        %gather3A_429 = tpu.dynamic_gather %add3A_424[%gather3A_428] in [0] : vector<16xf32>, vector<16xi32> -> vector<16xf32>
        %add3A_430 = arith.addf %add3A_424, %gather3A_429 : vector<16xf32>
        %gather3A_431 = vector.shape_cast %reshape3A_37 : vector<16x1xi32> to vector<16xi32>
        %gather3A_432 = tpu.dynamic_gather %add3A_427[%gather3A_431] in [0] : vector<16xf32>, vector<16xi32> -> vector<16xf32>
        %add3A_433 = arith.addf %add3A_427, %gather3A_432 : vector<16xf32>
        %mul3A_434 = arith.mulf %add3A_430, %broadcast_in_dim3A_48 : vector<16xf32>
        %mul3A_435 = arith.mulf %add3A_433, %broadcast_in_dim3A_48 : vector<16xf32>
        %mul3A_436 = arith.mulf %mul3A_434, %mul3A_434 : vector<16xf32>
        %sub3A = arith.subf %mul3A_435, %mul3A_436 : vector<16xf32>
        %add3A_437 = arith.addf %sub3A, %broadcast_in_dim3A_54 : vector<16xf32>
        %mul3A_438 = arith.mulf %broadcast_in_dim3A_52, %add3A_437 : vector<16xf32>
        %bitcast_convert_type3A = tpu.bitcast %add3A_437 : vector<16xf32> -> vector<16xi32>
        %shift_right_arithmetic3A = arith.constant 1 : i32
        %shift_right_arithmetic3A_439 = vector.broadcast %shift_right_arithmetic3A : i32 to vector<16xi32>
        %shift_right_arithmetic3A_440 = arith.shrsi %bitcast_convert_type3A, %shift_right_arithmetic3A_439 : vector<16xi32>
        %sub3A_441 = arith.subi %broadcast_in_dim3A_56, %shift_right_arithmetic3A_440 : vector<16xi32>
        %bitcast_convert_type3A_442 = tpu.bitcast %sub3A_441 : vector<16xi32> -> vector<16xf32>
        %mul3A_443 = arith.mulf %mul3A_438, %bitcast_convert_type3A_442 : vector<16xf32>
        %mul3A_444 = arith.mulf %mul3A_443, %bitcast_convert_type3A_442 : vector<16xf32>
        %sub3A_445 = arith.subf %broadcast_in_dim3A_50, %mul3A_444 : vector<16xf32>
        %mul3A_446 = arith.mulf %bitcast_convert_type3A_442, %sub3A_445 : vector<16xf32>
        %mul3A_447 = arith.mulf %mul3A_438, %mul3A_446 : vector<16xf32>
        %mul3A_448 = arith.mulf %mul3A_447, %mul3A_446 : vector<16xf32>
        %sub3A_449 = arith.subf %broadcast_in_dim3A_50, %mul3A_448 : vector<16xf32>
        %mul3A_450 = arith.mulf %mul3A_446, %sub3A_449 : vector<16xf32>
        %gather3A_451 = vector.shape_cast %broadcast_in_dim3A_42 : vector<16x1xi32> to vector<16xi32>
        %gather3A_452 = tpu.dynamic_gather %mul3A_434[%gather3A_451] in [0] : vector<16xf32>, vector<16xi32> -> vector<16xf32>
        %gather3A_453 = vector.shape_cast %broadcast_in_dim3A_44 : vector<16x1xi32> to vector<16xi32>
        %gather3A_454 = tpu.dynamic_gather %mul3A_434[%gather3A_453] in [0] : vector<16xf32>, vector<16xi32> -> vector<16xf32>
        %gather3A_455 = vector.shape_cast %broadcast_in_dim3A_42 : vector<16x1xi32> to vector<16xi32>
        %gather3A_456 = tpu.dynamic_gather %mul3A_450[%gather3A_455] in [0] : vector<16xf32>, vector<16xi32> -> vector<16xf32>
        %gather3A_457 = vector.shape_cast %broadcast_in_dim3A_44 : vector<16x1xi32> to vector<16xi32>
        %gather3A_458 = tpu.dynamic_gather %mul3A_450[%gather3A_457] in [0] : vector<16xf32>, vector<16xi32> -> vector<16xf32>
        %sub3A_459 = arith.subf %get3A_355, %gather3A_452 : vector<16xf32>
        %mul3A_460 = arith.mulf %gather3A_456, %get3A_6 : vector<16xf32>
        %mul3A_461 = arith.mulf %sub3A_459, %mul3A_460 : vector<16xf32>
        %add3A_462 = arith.addf %mul3A_461, %get3A_18 : vector<16xf32>
        %swap3A = arith.index_cast %mul3A_349 : i32 to index
        %swap3A_463 = arith.constant 0 : index
        %swap3A_464 = tpu.vector_load %arg14[%swap3A, %swap3A_463] {strides = array<i32>} : memref<128x64xf32, #tpu.memory_space<vmem>>, vector<1x16xf32>,
        %swap3A_465 = vector.shape_cast %swap3A_464 : vector<1x16xf32> to vector<16xf32>
        %swap3A_466 = vector.shape_cast %add3A_462 : vector<16xf32> to vector<1x16xf32>
        tpu.vector_store %arg14[%swap3A, %swap3A_463], %swap3A_466 {strides = array<i32>} : memref<128x64xf32, #tpu.memory_space<vmem>>, vector<1x16xf32>,
        %sub3A_467 = arith.subf %get3A_371, %gather3A_454 : vector<16xf32>
        %mul3A_468 = arith.mulf %gather3A_458, %get3A_6 : vector<16xf32>
        %mul3A_469 = arith.mulf %sub3A_467, %mul3A_468 : vector<16xf32>
        %add3A_470 = arith.addf %mul3A_469, %get3A_18 : vector<16xf32>
        %swap3A_471 = arith.index_cast %add3A_351 : i32 to index
        %swap3A_472 = arith.constant 0 : index
        %swap3A_473 = tpu.vector_load %arg14[%swap3A_471, %swap3A_472] {strides = array<i32>} : memref<128x64xf32, #tpu.memory_space<vmem>>, vector<1x16xf32>,
        %swap3A_474 = vector.shape_cast %swap3A_473 : vector<1x16xf32> to vector<16xf32>
        %swap3A_475 = vector.shape_cast %add3A_470 : vector<16xf32> to vector<1x16xf32>
        tpu.vector_store %arg14[%swap3A_471, %swap3A_472], %swap3A_475 {strides = array<i32>} : memref<128x64xf32, #tpu.memory_space<vmem>>, vector<1x16xf32>,
        %sub3A_476 = arith.subf %get3A_359, %gather3A_452 : vector<16xf32>
        %mul3A_477 = arith.mulf %gather3A_456, %get3A_9 : vector<16xf32>
        %mul3A_478 = arith.mulf %sub3A_476, %mul3A_477 : vector<16xf32>
        %add3A_479 = arith.addf %mul3A_478, %get3A_21 : vector<16xf32>
        %swap3A_480 = arith.index_cast %mul3A_349 : i32 to index
        %swap3A_481 = arith.constant 16 : index
        %swap3A_482 = tpu.vector_load %arg14[%swap3A_480, %swap3A_481] {strides = array<i32>} : memref<128x64xf32, #tpu.memory_space<vmem>>, vector<1x16xf32>,
        %swap3A_483 = vector.shape_cast %swap3A_482 : vector<1x16xf32> to vector<16xf32>
        %swap3A_484 = vector.shape_cast %add3A_479 : vector<16xf32> to vector<1x16xf32>
        tpu.vector_store %arg14[%swap3A_480, %swap3A_481], %swap3A_484 {strides = array<i32>} : memref<128x64xf32, #tpu.memory_space<vmem>>, vector<1x16xf32>,
        %sub3A_485 = arith.subf %get3A_375, %gather3A_454 : vector<16xf32>
        %mul3A_486 = arith.mulf %gather3A_458, %get3A_9 : vector<16xf32>
        %mul3A_487 = arith.mulf %sub3A_485, %mul3A_486 : vector<16xf32>
        %add3A_488 = arith.addf %mul3A_487, %get3A_21 : vector<16xf32>
        %swap3A_489 = arith.index_cast %add3A_351 : i32 to index
        %swap3A_490 = arith.constant 16 : index
        %swap3A_491 = tpu.vector_load %arg14[%swap3A_489, %swap3A_490] {strides = array<i32>} : memref<128x64xf32, #tpu.memory_space<vmem>>, vector<1x16xf32>,
        %swap3A_492 = vector.shape_cast %swap3A_491 : vector<1x16xf32> to vector<16xf32>
        %swap3A_493 = vector.shape_cast %add3A_488 : vector<16xf32> to vector<1x16xf32>
        tpu.vector_store %arg14[%swap3A_489, %swap3A_490], %swap3A_493 {strides = array<i32>} : memref<128x64xf32, #tpu.memory_space<vmem>>, vector<1x16xf32>,
        %sub3A_494 = arith.subf %get3A_363, %gather3A_452 : vector<16xf32>
        %mul3A_495 = arith.mulf %gather3A_456, %get3A_12 : vector<16xf32>
        %mul3A_496 = arith.mulf %sub3A_494, %mul3A_495 : vector<16xf32>
        %add3A_497 = arith.addf %mul3A_496, %get3A_24 : vector<16xf32>
        %swap3A_498 = arith.index_cast %mul3A_349 : i32 to index
        %swap3A_499 = arith.constant 32 : index
        %swap3A_500 = tpu.vector_load %arg14[%swap3A_498, %swap3A_499] {strides = array<i32>} : memref<128x64xf32, #tpu.memory_space<vmem>>, vector<1x16xf32>,
        %swap3A_501 = vector.shape_cast %swap3A_500 : vector<1x16xf32> to vector<16xf32>
        %swap3A_502 = vector.shape_cast %add3A_497 : vector<16xf32> to vector<1x16xf32>
        tpu.vector_store %arg14[%swap3A_498, %swap3A_499], %swap3A_502 {strides = array<i32>} : memref<128x64xf32, #tpu.memory_space<vmem>>, vector<1x16xf32>,
        %sub3A_503 = arith.subf %get3A_379, %gather3A_454 : vector<16xf32>
        %mul3A_504 = arith.mulf %gather3A_458, %get3A_12 : vector<16xf32>
        %mul3A_505 = arith.mulf %sub3A_503, %mul3A_504 : vector<16xf32>
        %add3A_506 = arith.addf %mul3A_505, %get3A_24 : vector<16xf32>
        %swap3A_507 = arith.index_cast %add3A_351 : i32 to index
        %swap3A_508 = arith.constant 32 : index
        %swap3A_509 = tpu.vector_load %arg14[%swap3A_507, %swap3A_508] {strides = array<i32>} : memref<128x64xf32, #tpu.memory_space<vmem>>, vector<1x16xf32>,
        %swap3A_510 = vector.shape_cast %swap3A_509 : vector<1x16xf32> to vector<16xf32>
        %swap3A_511 = vector.shape_cast %add3A_506 : vector<16xf32> to vector<1x16xf32>
        tpu.vector_store %arg14[%swap3A_507, %swap3A_508], %swap3A_511 {strides = array<i32>} : memref<128x64xf32, #tpu.memory_space<vmem>>, vector<1x16xf32>,
        %sub3A_512 = arith.subf %get3A_367, %gather3A_452 : vector<16xf32>
        %mul3A_513 = arith.mulf %gather3A_456, %get3A_15 : vector<16xf32>
        %mul3A_514 = arith.mulf %sub3A_512, %mul3A_513 : vector<16xf32>
        %add3A_515 = arith.addf %mul3A_514, %get3A_27 : vector<16xf32>
        %swap3A_516 = arith.index_cast %mul3A_349 : i32 to index
        %swap3A_517 = arith.constant 48 : index
        %swap3A_518 = tpu.vector_load %arg14[%swap3A_516, %swap3A_517] {strides = array<i32>} : memref<128x64xf32, #tpu.memory_space<vmem>>, vector<1x16xf32>,
        %swap3A_519 = vector.shape_cast %swap3A_518 : vector<1x16xf32> to vector<16xf32>
        %swap3A_520 = vector.shape_cast %add3A_515 : vector<16xf32> to vector<1x16xf32>
        tpu.vector_store %arg14[%swap3A_516, %swap3A_517], %swap3A_520 {strides = array<i32>} : memref<128x64xf32, #tpu.memory_space<vmem>>, vector<1x16xf32>,
        %sub3A_521 = arith.subf %get3A_383, %gather3A_454 : vector<16xf32>
        %mul3A_522 = arith.mulf %gather3A_458, %get3A_15 : vector<16xf32>
        %mul3A_523 = arith.mulf %sub3A_521, %mul3A_522 : vector<16xf32>
        %add3A_524 = arith.addf %mul3A_523, %get3A_27 : vector<16xf32>
        %swap3A_525 = arith.index_cast %add3A_351 : i32 to index
        %swap3A_526 = arith.constant 48 : index
        %swap3A_527 = tpu.vector_load %arg14[%swap3A_525, %swap3A_526] {strides = array<i32>} : memref<128x64xf32, #tpu.memory_space<vmem>>, vector<1x16xf32>,
        %swap3A_528 = vector.shape_cast %swap3A_527 : vector<1x16xf32> to vector<16xf32>
        %swap3A_529 = vector.shape_cast %add3A_524 : vector<16xf32> to vector<1x16xf32>
        tpu.vector_store %arg14[%swap3A_525, %swap3A_526], %swap3A_529 {strides = array<i32>} : memref<128x64xf32, #tpu.memory_space<vmem>>, vector<1x16xf32>,
      }
      %scan3A_265 = arith.constant 64 : i32
      %mul3A_266 = arith.constant 128 : i32
      %mul3A_267 = arith.muli %mul3A_246, %mul3A_266 : i32
      %add3A_268 = arith.addi %mul3A_2, %mul3A_267 : i32
      %dma_start3A_269 = arith.constant 0 : i32
      %dma_start3A_270 = tpu.memref_slice %arg8[%add3A_268, %dma_start3A_269] : memref<819200x64xf32, #tpu.memory_space<hbm>> -> memref<128x64xf32, #tpu.memory_space<hbm>>
      %dma_start3A_271 = arith.constant 0 : i32
      %dma_start3A_272 = tpu.memref_slice %arg8[%add3A_268, %dma_start3A_271] : memref<819200x64xf32, #tpu.memory_space<hbm>> -> memref<128x64xf32, #tpu.memory_space<hbm>>
      tpu.enqueue_dma source(%arg14 : memref<128x64xf32, #tpu.memory_space<vmem>>) target(%dma_start3A_272 : memref<128x64xf32, #tpu.memory_space<hbm>>) target_semaphore(%arg22 : memref<!tpu.dma_semaphore, #tpu.memory_space<semaphore_mem>>)
      %add3A_273 = arith.constant 2 : i32
      %add3A_274 = arith.addi %mul3A_246, %add3A_273 : i32
      %dma_start3A_275 = arith.constant 0 : i32
      %dma_start3A_276 = tpu.memref_slice %arg9[%add3A_274, %dma_start3A_275] : memref<200x128xi32, #tpu.memory_space<vmem>> -> memref<1x128xi32, #tpu.memory_space<vmem>>
      %dma_start3A_277 = tpu.memref_squeeze %dma_start3A_276 : memref<1x128xi32, #tpu.memory_space<vmem>> -> memref<128xi32, #tpu.memory_space<vmem>>
      %dma_start3A_278 = arith.constant 0 : i32
      %dma_start3A_279 = arith.constant 0 : i32
      %dma_start3A_280 = tpu.memref_slice %arg4[%dma_start3A_278, %dma_start3A_279] : memref<50760x128xf32, #tpu.memory_space<hbm>> -> memref<50760x128xf32, #tpu.memory_space<hbm>>
      tpu.enqueue_indirect_dma source(%dma_start3A_280 : memref<50760x128xf32, #tpu.memory_space<hbm>>) target(%arg12 : memref<128x128xf32, #tpu.memory_space<vmem>>) offsets(%dma_start3A_277 : memref<128xi32, #tpu.memory_space<vmem>>) semaphore(%arg18 : memref<!tpu.dma_semaphore, #tpu.memory_space<semaphore_mem>>)
      %dma_wait3A_281 = arith.constant 0 : i32
      %dma_wait3A_282 = arith.constant 0 : i32
      %dma_wait3A_283 = tpu.memref_slice %arg9[%dma_wait3A_281, %dma_wait3A_282] : memref<200x128xi32, #tpu.memory_space<vmem>> -> memref<1x128xi32, #tpu.memory_space<vmem>>
      %dma_wait3A_284 = tpu.memref_squeeze %dma_wait3A_283 : memref<1x128xi32, #tpu.memory_space<vmem>> -> memref<128xi32, #tpu.memory_space<vmem>>
      %dma_wait3A_285 = arith.constant 0 : i32
      %dma_wait3A_286 = arith.constant 0 : i32
      %dma_wait3A_287 = tpu.memref_slice %arg4[%dma_wait3A_285, %dma_wait3A_286] : memref<50760x128xf32, #tpu.memory_space<hbm>> -> memref<50760x128xf32, #tpu.memory_space<hbm>>
      tpu.wait_indirect_dma semaphore(%arg19 : memref<!tpu.dma_semaphore, #tpu.memory_space<semaphore_mem>>) src(%dma_wait3A_287 : memref<50760x128xf32, #tpu.memory_space<hbm>>) dst(%arg13 : memref<128x128xf32, #tpu.memory_space<vmem>>)
      %add3A_288 = arith.constant 1 : i32
      %add3A_289 = arith.addi %mul3A_246, %add3A_288 : i32
      %dma_start3A_290 = arith.constant 0 : i32
      %dma_start3A_291 = tpu.memref_slice %arg10[%add3A_289, %dma_start3A_290] : memref<200x128xi32, #tpu.memory_space<vmem>> -> memref<1x128xi32, #tpu.memory_space<vmem>>
      %dma_start3A_292 = tpu.memref_squeeze %dma_start3A_291 : memref<1x128xi32, #tpu.memory_space<vmem>> -> memref<128xi32, #tpu.memory_space<vmem>>
      %dma_start3A_293 = arith.constant 0 : i32
      %dma_start3A_294 = arith.constant 0 : i32
      %dma_start3A_295 = tpu.memref_slice %arg11[%dma_start3A_293, %dma_start3A_294] : memref<7x128xf32, #tpu.memory_space<vmem_shared>> -> memref<7x128xf32, #tpu.memory_space<vmem_shared>>
      tpu.enqueue_indirect_dma source(%dma_start3A_295 : memref<7x128xf32, #tpu.memory_space<vmem_shared>>) target(%arg13 : memref<128x128xf32, #tpu.memory_space<vmem>>) offsets(%dma_start3A_292 : memref<128xi32, #tpu.memory_space<vmem>>) semaphore(%arg21 : memref<!tpu.dma_semaphore, #tpu.memory_space<semaphore_mem>>) {add = true}
      %add3A_296 = arith.constant 1 : i32
      %add3A_297 = arith.addi %mul3A_246, %add3A_296 : i32
      %dma_wait3A_298 = arith.constant 0 : i32
      %dma_wait3A_299 = arith.constant 0 : i32
      %dma_wait3A_300 = tpu.memref_slice %arg10[%dma_wait3A_298, %dma_wait3A_299] : memref<200x128xi32, #tpu.memory_space<vmem>> -> memref<1x128xi32, #tpu.memory_space<vmem>>
      %dma_wait3A_301 = tpu.memref_squeeze %dma_wait3A_300 : memref<1x128xi32, #tpu.memory_space<vmem>> -> memref<128xi32, #tpu.memory_space<vmem>>
      %dma_wait3A_302 = arith.constant 0 : i32
      %dma_wait3A_303 = arith.constant 0 : i32
      %dma_wait3A_304 = tpu.memref_slice %arg11[%dma_wait3A_302, %dma_wait3A_303] : memref<7x128xf32, #tpu.memory_space<vmem_shared>> -> memref<7x128xf32, #tpu.memory_space<vmem_shared>>
      tpu.wait_indirect_dma semaphore(%arg21 : memref<!tpu.dma_semaphore, #tpu.memory_space<semaphore_mem>>) src(%dma_wait3A_304 : memref<7x128xf32, #tpu.memory_space<vmem_shared>>) dst(%arg13 : memref<128x128xf32, #tpu.memory_space<vmem>>)
      %dma_wait3A_305 = arith.constant 0 : i32
      %dma_wait3A_306 = arith.constant 0 : i32
      %dma_wait3A_307 = tpu.memref_slice %arg8[%dma_wait3A_305, %dma_wait3A_306] : memref<819200x64xf32, #tpu.memory_space<hbm>> -> memref<128x64xf32, #tpu.memory_space<hbm>>
      %dma_wait3A_308 = arith.constant 0 : i32
      %dma_wait3A_309 = arith.constant 0 : i32
      %dma_wait3A_310 = tpu.memref_slice %arg8[%dma_wait3A_308, %dma_wait3A_309] : memref<819200x64xf32, #tpu.memory_space<hbm>> -> memref<128x64xf32, #tpu.memory_space<hbm>>
      tpu.wait_dma2 semaphore(%arg23 : memref<!tpu.dma_semaphore, #tpu.memory_space<semaphore_mem>>) src(%arg15 : memref<128x64xf32, #tpu.memory_space<vmem>>) dst(%dma_wait3A_310 : memref<128x64xf32, #tpu.memory_space<hbm>>)
      %scan3A_311 = arith.constant 0 : i32
      %scan3A_312 = arith.constant 0 : i32
      %scan3A_313 = arith.constant 64 : i32
      %scan3A_314 = arith.addi %scan3A_312, %scan3A_313 : i32
      %scan3A_315 = arith.constant 1 : i32
      scf.for %scan3A_347 = %scan3A_312 to %scan3A_314 step %scan3A_315  : i32 {
        %mul3A_348 = arith.constant 2 : i32
        %mul3A_349 = arith.muli %scan3A_347, %mul3A_348 : i32
        %add3A_350 = arith.constant 1 : i32
        %add3A_351 = arith.addi %mul3A_349, %add3A_350 : i32
        %get3A_352 = arith.index_cast %mul3A_349 : i32 to index
        %get3A_353 = arith.constant 0 : index
        %get3A_354 = tpu.vector_load %arg13[%get3A_352, %get3A_353] {strides = array<i32>} : memref<128x128xf32, #tpu.memory_space<vmem>>, vector<1x16xf32>,
        %get3A_355 = vector.shape_cast %get3A_354 : vector<1x16xf32> to vector<16xf32>
        %get3A_356 = arith.index_cast %mul3A_349 : i32 to index
        %get3A_357 = arith.constant 16 : index
        %get3A_358 = tpu.vector_load %arg13[%get3A_356, %get3A_357] {strides = array<i32>} : memref<128x128xf32, #tpu.memory_space<vmem>>, vector<1x16xf32>,
        %get3A_359 = vector.shape_cast %get3A_358 : vector<1x16xf32> to vector<16xf32>
        %get3A_360 = arith.index_cast %mul3A_349 : i32 to index
        %get3A_361 = arith.constant 32 : index
        %get3A_362 = tpu.vector_load %arg13[%get3A_360, %get3A_361] {strides = array<i32>} : memref<128x128xf32, #tpu.memory_space<vmem>>, vector<1x16xf32>,
        %get3A_363 = vector.shape_cast %get3A_362 : vector<1x16xf32> to vector<16xf32>
        %get3A_364 = arith.index_cast %mul3A_349 : i32 to index
        %get3A_365 = arith.constant 48 : index
        %get3A_366 = tpu.vector_load %arg13[%get3A_364, %get3A_365] {strides = array<i32>} : memref<128x128xf32, #tpu.memory_space<vmem>>, vector<1x16xf32>,
        %get3A_367 = vector.shape_cast %get3A_366 : vector<1x16xf32> to vector<16xf32>
        %get3A_368 = arith.index_cast %add3A_351 : i32 to index
        %get3A_369 = arith.constant 0 : index
        %get3A_370 = tpu.vector_load %arg13[%get3A_368, %get3A_369] {strides = array<i32>} : memref<128x128xf32, #tpu.memory_space<vmem>>, vector<1x16xf32>,
        %get3A_371 = vector.shape_cast %get3A_370 : vector<1x16xf32> to vector<16xf32>
        %get3A_372 = arith.index_cast %add3A_351 : i32 to index
        %get3A_373 = arith.constant 16 : index
        %get3A_374 = tpu.vector_load %arg13[%get3A_372, %get3A_373] {strides = array<i32>} : memref<128x128xf32, #tpu.memory_space<vmem>>, vector<1x16xf32>,
        %get3A_375 = vector.shape_cast %get3A_374 : vector<1x16xf32> to vector<16xf32>
        %get3A_376 = arith.index_cast %add3A_351 : i32 to index
        %get3A_377 = arith.constant 32 : index
        %get3A_378 = tpu.vector_load %arg13[%get3A_376, %get3A_377] {strides = array<i32>} : memref<128x128xf32, #tpu.memory_space<vmem>>, vector<1x16xf32>,
        %get3A_379 = vector.shape_cast %get3A_378 : vector<1x16xf32> to vector<16xf32>
        %get3A_380 = arith.index_cast %add3A_351 : i32 to index
        %get3A_381 = arith.constant 48 : index
        %get3A_382 = tpu.vector_load %arg13[%get3A_380, %get3A_381] {strides = array<i32>} : memref<128x128xf32, #tpu.memory_space<vmem>>, vector<1x16xf32>,
        %get3A_383 = vector.shape_cast %get3A_382 : vector<1x16xf32> to vector<16xf32>
        %add3A_384 = arith.addf %get3A_355, %get3A_359 : vector<16xf32>
        %add3A_385 = arith.addf %get3A_363, %get3A_367 : vector<16xf32>
        %add3A_386 = arith.addf %add3A_384, %add3A_385 : vector<16xf32>
        %add3A_387 = arith.addf %get3A_371, %get3A_375 : vector<16xf32>
        %add3A_388 = arith.addf %get3A_379, %get3A_383 : vector<16xf32>
        %add3A_389 = arith.addf %add3A_387, %add3A_388 : vector<16xf32>
        %mul3A_390 = arith.mulf %get3A_355, %get3A_355 : vector<16xf32>
        %mul3A_391 = arith.mulf %get3A_359, %get3A_359 : vector<16xf32>
        %add3A_392 = arith.addf %mul3A_390, %mul3A_391 : vector<16xf32>
        %mul3A_393 = arith.mulf %get3A_363, %get3A_363 : vector<16xf32>
        %mul3A_394 = arith.mulf %get3A_367, %get3A_367 : vector<16xf32>
        %add3A_395 = arith.addf %mul3A_393, %mul3A_394 : vector<16xf32>
        %add3A_396 = arith.addf %add3A_392, %add3A_395 : vector<16xf32>
        %mul3A_397 = arith.mulf %get3A_371, %get3A_371 : vector<16xf32>
        %mul3A_398 = arith.mulf %get3A_375, %get3A_375 : vector<16xf32>
        %add3A_399 = arith.addf %mul3A_397, %mul3A_398 : vector<16xf32>
        %mul3A_400 = arith.mulf %get3A_379, %get3A_379 : vector<16xf32>
        %mul3A_401 = arith.mulf %get3A_383, %get3A_383 : vector<16xf32>
        %add3A_402 = arith.addf %mul3A_400, %mul3A_401 : vector<16xf32>
        %add3A_403 = arith.addf %add3A_399, %add3A_402 : vector<16xf32>
        %gather3A = vector.shape_cast %reshape3A_41 : vector<16x1xi32> to vector<16xi32>
        %gather3A_404 = tpu.dynamic_gather %add3A_386[%gather3A] in [0] : vector<16xf32>, vector<16xi32> -> vector<16xf32>
        %add3A_405 = arith.addf %add3A_386, %gather3A_404 : vector<16xf32>
        %gather3A_406 = vector.shape_cast %reshape3A_41 : vector<16x1xi32> to vector<16xi32>
        %gather3A_407 = tpu.dynamic_gather %add3A_389[%gather3A_406] in [0] : vector<16xf32>, vector<16xi32> -> vector<16xf32>
        %add3A_408 = arith.addf %add3A_389, %gather3A_407 : vector<16xf32>
        %select_n3A = arith.select %lt3A_46, %add3A_405, %add3A_408 : vector<16xi1>, vector<16xf32>
        %gather3A_409 = vector.shape_cast %reshape3A_41 : vector<16x1xi32> to vector<16xi32>
        %gather3A_410 = tpu.dynamic_gather %add3A_396[%gather3A_409] in [0] : vector<16xf32>, vector<16xi32> -> vector<16xf32>
        %add3A_411 = arith.addf %add3A_396, %gather3A_410 : vector<16xf32>
        %gather3A_412 = vector.shape_cast %reshape3A_41 : vector<16x1xi32> to vector<16xi32>
        %gather3A_413 = tpu.dynamic_gather %add3A_403[%gather3A_412] in [0] : vector<16xf32>, vector<16xi32> -> vector<16xf32>
        %add3A_414 = arith.addf %add3A_403, %gather3A_413 : vector<16xf32>
        %select_n3A_415 = arith.select %lt3A_46, %add3A_411, %add3A_414 : vector<16xi1>, vector<16xf32>
        %gather3A_416 = vector.shape_cast %reshape3A : vector<16x1xi32> to vector<16xi32>
        %gather3A_417 = tpu.dynamic_gather %select_n3A[%gather3A_416] in [0] : vector<16xf32>, vector<16xi32> -> vector<16xf32>
        %add3A_418 = arith.addf %select_n3A, %gather3A_417 : vector<16xf32>
        %gather3A_419 = vector.shape_cast %reshape3A : vector<16x1xi32> to vector<16xi32>
        %gather3A_420 = tpu.dynamic_gather %select_n3A_415[%gather3A_419] in [0] : vector<16xf32>, vector<16xi32> -> vector<16xf32>
        %add3A_421 = arith.addf %select_n3A_415, %gather3A_420 : vector<16xf32>
        %gather3A_422 = vector.shape_cast %reshape3A_33 : vector<16x1xi32> to vector<16xi32>
        %gather3A_423 = tpu.dynamic_gather %add3A_418[%gather3A_422] in [0] : vector<16xf32>, vector<16xi32> -> vector<16xf32>
        %add3A_424 = arith.addf %add3A_418, %gather3A_423 : vector<16xf32>
        %gather3A_425 = vector.shape_cast %reshape3A_33 : vector<16x1xi32> to vector<16xi32>
        %gather3A_426 = tpu.dynamic_gather %add3A_421[%gather3A_425] in [0] : vector<16xf32>, vector<16xi32> -> vector<16xf32>
        %add3A_427 = arith.addf %add3A_421, %gather3A_426 : vector<16xf32>
        %gather3A_428 = vector.shape_cast %reshape3A_37 : vector<16x1xi32> to vector<16xi32>
        %gather3A_429 = tpu.dynamic_gather %add3A_424[%gather3A_428] in [0] : vector<16xf32>, vector<16xi32> -> vector<16xf32>
        %add3A_430 = arith.addf %add3A_424, %gather3A_429 : vector<16xf32>
        %gather3A_431 = vector.shape_cast %reshape3A_37 : vector<16x1xi32> to vector<16xi32>
        %gather3A_432 = tpu.dynamic_gather %add3A_427[%gather3A_431] in [0] : vector<16xf32>, vector<16xi32> -> vector<16xf32>
        %add3A_433 = arith.addf %add3A_427, %gather3A_432 : vector<16xf32>
        %mul3A_434 = arith.mulf %add3A_430, %broadcast_in_dim3A_48 : vector<16xf32>
        %mul3A_435 = arith.mulf %add3A_433, %broadcast_in_dim3A_48 : vector<16xf32>
        %mul3A_436 = arith.mulf %mul3A_434, %mul3A_434 : vector<16xf32>
        %sub3A = arith.subf %mul3A_435, %mul3A_436 : vector<16xf32>
        %add3A_437 = arith.addf %sub3A, %broadcast_in_dim3A_54 : vector<16xf32>
        %mul3A_438 = arith.mulf %broadcast_in_dim3A_52, %add3A_437 : vector<16xf32>
        %bitcast_convert_type3A = tpu.bitcast %add3A_437 : vector<16xf32> -> vector<16xi32>
        %shift_right_arithmetic3A = arith.constant 1 : i32
        %shift_right_arithmetic3A_439 = vector.broadcast %shift_right_arithmetic3A : i32 to vector<16xi32>
        %shift_right_arithmetic3A_440 = arith.shrsi %bitcast_convert_type3A, %shift_right_arithmetic3A_439 : vector<16xi32>
        %sub3A_441 = arith.subi %broadcast_in_dim3A_56, %shift_right_arithmetic3A_440 : vector<16xi32>
        %bitcast_convert_type3A_442 = tpu.bitcast %sub3A_441 : vector<16xi32> -> vector<16xf32>
        %mul3A_443 = arith.mulf %mul3A_438, %bitcast_convert_type3A_442 : vector<16xf32>
        %mul3A_444 = arith.mulf %mul3A_443, %bitcast_convert_type3A_442 : vector<16xf32>
        %sub3A_445 = arith.subf %broadcast_in_dim3A_50, %mul3A_444 : vector<16xf32>
        %mul3A_446 = arith.mulf %bitcast_convert_type3A_442, %sub3A_445 : vector<16xf32>
        %mul3A_447 = arith.mulf %mul3A_438, %mul3A_446 : vector<16xf32>
        %mul3A_448 = arith.mulf %mul3A_447, %mul3A_446 : vector<16xf32>
        %sub3A_449 = arith.subf %broadcast_in_dim3A_50, %mul3A_448 : vector<16xf32>
        %mul3A_450 = arith.mulf %mul3A_446, %sub3A_449 : vector<16xf32>
        %gather3A_451 = vector.shape_cast %broadcast_in_dim3A_42 : vector<16x1xi32> to vector<16xi32>
        %gather3A_452 = tpu.dynamic_gather %mul3A_434[%gather3A_451] in [0] : vector<16xf32>, vector<16xi32> -> vector<16xf32>
        %gather3A_453 = vector.shape_cast %broadcast_in_dim3A_44 : vector<16x1xi32> to vector<16xi32>
        %gather3A_454 = tpu.dynamic_gather %mul3A_434[%gather3A_453] in [0] : vector<16xf32>, vector<16xi32> -> vector<16xf32>
        %gather3A_455 = vector.shape_cast %broadcast_in_dim3A_42 : vector<16x1xi32> to vector<16xi32>
        %gather3A_456 = tpu.dynamic_gather %mul3A_450[%gather3A_455] in [0] : vector<16xf32>, vector<16xi32> -> vector<16xf32>
        %gather3A_457 = vector.shape_cast %broadcast_in_dim3A_44 : vector<16x1xi32> to vector<16xi32>
        %gather3A_458 = tpu.dynamic_gather %mul3A_450[%gather3A_457] in [0] : vector<16xf32>, vector<16xi32> -> vector<16xf32>
        %sub3A_459 = arith.subf %get3A_355, %gather3A_452 : vector<16xf32>
        %mul3A_460 = arith.mulf %gather3A_456, %get3A_6 : vector<16xf32>
        %mul3A_461 = arith.mulf %sub3A_459, %mul3A_460 : vector<16xf32>
        %add3A_462 = arith.addf %mul3A_461, %get3A_18 : vector<16xf32>
        %swap3A = arith.index_cast %mul3A_349 : i32 to index
        %swap3A_463 = arith.constant 0 : index
        %swap3A_464 = tpu.vector_load %arg15[%swap3A, %swap3A_463] {strides = array<i32>} : memref<128x64xf32, #tpu.memory_space<vmem>>, vector<1x16xf32>,
        %swap3A_465 = vector.shape_cast %swap3A_464 : vector<1x16xf32> to vector<16xf32>
        %swap3A_466 = vector.shape_cast %add3A_462 : vector<16xf32> to vector<1x16xf32>
        tpu.vector_store %arg15[%swap3A, %swap3A_463], %swap3A_466 {strides = array<i32>} : memref<128x64xf32, #tpu.memory_space<vmem>>, vector<1x16xf32>,
        %sub3A_467 = arith.subf %get3A_371, %gather3A_454 : vector<16xf32>
        %mul3A_468 = arith.mulf %gather3A_458, %get3A_6 : vector<16xf32>
        %mul3A_469 = arith.mulf %sub3A_467, %mul3A_468 : vector<16xf32>
        %add3A_470 = arith.addf %mul3A_469, %get3A_18 : vector<16xf32>
        %swap3A_471 = arith.index_cast %add3A_351 : i32 to index
        %swap3A_472 = arith.constant 0 : index
        %swap3A_473 = tpu.vector_load %arg15[%swap3A_471, %swap3A_472] {strides = array<i32>} : memref<128x64xf32, #tpu.memory_space<vmem>>, vector<1x16xf32>,
        %swap3A_474 = vector.shape_cast %swap3A_473 : vector<1x16xf32> to vector<16xf32>
        %swap3A_475 = vector.shape_cast %add3A_470 : vector<16xf32> to vector<1x16xf32>
        tpu.vector_store %arg15[%swap3A_471, %swap3A_472], %swap3A_475 {strides = array<i32>} : memref<128x64xf32, #tpu.memory_space<vmem>>, vector<1x16xf32>,
        %sub3A_476 = arith.subf %get3A_359, %gather3A_452 : vector<16xf32>
        %mul3A_477 = arith.mulf %gather3A_456, %get3A_9 : vector<16xf32>
        %mul3A_478 = arith.mulf %sub3A_476, %mul3A_477 : vector<16xf32>
        %add3A_479 = arith.addf %mul3A_478, %get3A_21 : vector<16xf32>
        %swap3A_480 = arith.index_cast %mul3A_349 : i32 to index
        %swap3A_481 = arith.constant 16 : index
        %swap3A_482 = tpu.vector_load %arg15[%swap3A_480, %swap3A_481] {strides = array<i32>} : memref<128x64xf32, #tpu.memory_space<vmem>>, vector<1x16xf32>,
        %swap3A_483 = vector.shape_cast %swap3A_482 : vector<1x16xf32> to vector<16xf32>
        %swap3A_484 = vector.shape_cast %add3A_479 : vector<16xf32> to vector<1x16xf32>
        tpu.vector_store %arg15[%swap3A_480, %swap3A_481], %swap3A_484 {strides = array<i32>} : memref<128x64xf32, #tpu.memory_space<vmem>>, vector<1x16xf32>,
        %sub3A_485 = arith.subf %get3A_375, %gather3A_454 : vector<16xf32>
        %mul3A_486 = arith.mulf %gather3A_458, %get3A_9 : vector<16xf32>
        %mul3A_487 = arith.mulf %sub3A_485, %mul3A_486 : vector<16xf32>
        %add3A_488 = arith.addf %mul3A_487, %get3A_21 : vector<16xf32>
        %swap3A_489 = arith.index_cast %add3A_351 : i32 to index
        %swap3A_490 = arith.constant 16 : index
        %swap3A_491 = tpu.vector_load %arg15[%swap3A_489, %swap3A_490] {strides = array<i32>} : memref<128x64xf32, #tpu.memory_space<vmem>>, vector<1x16xf32>,
        %swap3A_492 = vector.shape_cast %swap3A_491 : vector<1x16xf32> to vector<16xf32>
        %swap3A_493 = vector.shape_cast %add3A_488 : vector<16xf32> to vector<1x16xf32>
        tpu.vector_store %arg15[%swap3A_489, %swap3A_490], %swap3A_493 {strides = array<i32>} : memref<128x64xf32, #tpu.memory_space<vmem>>, vector<1x16xf32>,
        %sub3A_494 = arith.subf %get3A_363, %gather3A_452 : vector<16xf32>
        %mul3A_495 = arith.mulf %gather3A_456, %get3A_12 : vector<16xf32>
        %mul3A_496 = arith.mulf %sub3A_494, %mul3A_495 : vector<16xf32>
        %add3A_497 = arith.addf %mul3A_496, %get3A_24 : vector<16xf32>
        %swap3A_498 = arith.index_cast %mul3A_349 : i32 to index
        %swap3A_499 = arith.constant 32 : index
        %swap3A_500 = tpu.vector_load %arg15[%swap3A_498, %swap3A_499] {strides = array<i32>} : memref<128x64xf32, #tpu.memory_space<vmem>>, vector<1x16xf32>,
        %swap3A_501 = vector.shape_cast %swap3A_500 : vector<1x16xf32> to vector<16xf32>
        %swap3A_502 = vector.shape_cast %add3A_497 : vector<16xf32> to vector<1x16xf32>
        tpu.vector_store %arg15[%swap3A_498, %swap3A_499], %swap3A_502 {strides = array<i32>} : memref<128x64xf32, #tpu.memory_space<vmem>>, vector<1x16xf32>,
        %sub3A_503 = arith.subf %get3A_379, %gather3A_454 : vector<16xf32>
        %mul3A_504 = arith.mulf %gather3A_458, %get3A_12 : vector<16xf32>
        %mul3A_505 = arith.mulf %sub3A_503, %mul3A_504 : vector<16xf32>
        %add3A_506 = arith.addf %mul3A_505, %get3A_24 : vector<16xf32>
        %swap3A_507 = arith.index_cast %add3A_351 : i32 to index
        %swap3A_508 = arith.constant 32 : index
        %swap3A_509 = tpu.vector_load %arg15[%swap3A_507, %swap3A_508] {strides = array<i32>} : memref<128x64xf32, #tpu.memory_space<vmem>>, vector<1x16xf32>,
        %swap3A_510 = vector.shape_cast %swap3A_509 : vector<1x16xf32> to vector<16xf32>
        %swap3A_511 = vector.shape_cast %add3A_506 : vector<16xf32> to vector<1x16xf32>
        tpu.vector_store %arg15[%swap3A_507, %swap3A_508], %swap3A_511 {strides = array<i32>} : memref<128x64xf32, #tpu.memory_space<vmem>>, vector<1x16xf32>,
        %sub3A_512 = arith.subf %get3A_367, %gather3A_452 : vector<16xf32>
        %mul3A_513 = arith.mulf %gather3A_456, %get3A_15 : vector<16xf32>
        %mul3A_514 = arith.mulf %sub3A_512, %mul3A_513 : vector<16xf32>
        %add3A_515 = arith.addf %mul3A_514, %get3A_27 : vector<16xf32>
        %swap3A_516 = arith.index_cast %mul3A_349 : i32 to index
        %swap3A_517 = arith.constant 48 : index
        %swap3A_518 = tpu.vector_load %arg15[%swap3A_516, %swap3A_517] {strides = array<i32>} : memref<128x64xf32, #tpu.memory_space<vmem>>, vector<1x16xf32>,
        %swap3A_519 = vector.shape_cast %swap3A_518 : vector<1x16xf32> to vector<16xf32>
        %swap3A_520 = vector.shape_cast %add3A_515 : vector<16xf32> to vector<1x16xf32>
        tpu.vector_store %arg15[%swap3A_516, %swap3A_517], %swap3A_520 {strides = array<i32>} : memref<128x64xf32, #tpu.memory_space<vmem>>, vector<1x16xf32>,
        %sub3A_521 = arith.subf %get3A_383, %gather3A_454 : vector<16xf32>
        %mul3A_522 = arith.mulf %gather3A_458, %get3A_15 : vector<16xf32>
        %mul3A_523 = arith.mulf %sub3A_521, %mul3A_522 : vector<16xf32>
        %add3A_524 = arith.addf %mul3A_523, %get3A_27 : vector<16xf32>
        %swap3A_525 = arith.index_cast %add3A_351 : i32 to index
        %swap3A_526 = arith.constant 48 : index
        %swap3A_527 = tpu.vector_load %arg15[%swap3A_525, %swap3A_526] {strides = array<i32>} : memref<128x64xf32, #tpu.memory_space<vmem>>, vector<1x16xf32>,
        %swap3A_528 = vector.shape_cast %swap3A_527 : vector<1x16xf32> to vector<16xf32>
        %swap3A_529 = vector.shape_cast %add3A_524 : vector<16xf32> to vector<1x16xf32>
        tpu.vector_store %arg15[%swap3A_525, %swap3A_526], %swap3A_529 {strides = array<i32>} : memref<128x64xf32, #tpu.memory_space<vmem>>, vector<1x16xf32>,
      }
      %scan3A_316 = arith.constant 64 : i32
      %mul3A_317 = arith.constant 128 : i32
      %mul3A_318 = arith.muli %add3A_297, %mul3A_317 : i32
      %add3A_319 = arith.addi %mul3A_2, %mul3A_318 : i32
      %dma_start3A_320 = arith.constant 0 : i32
      %dma_start3A_321 = tpu.memref_slice %arg8[%add3A_319, %dma_start3A_320] : memref<819200x64xf32, #tpu.memory_space<hbm>> -> memref<128x64xf32, #tpu.memory_space<hbm>>
      %dma_start3A_322 = arith.constant 0 : i32
      %dma_start3A_323 = tpu.memref_slice %arg8[%add3A_319, %dma_start3A_322] : memref<819200x64xf32, #tpu.memory_space<hbm>> -> memref<128x64xf32, #tpu.memory_space<hbm>>
      tpu.enqueue_dma source(%arg15 : memref<128x64xf32, #tpu.memory_space<vmem>>) target(%dma_start3A_323 : memref<128x64xf32, #tpu.memory_space<hbm>>) target_semaphore(%arg23 : memref<!tpu.dma_semaphore, #tpu.memory_space<semaphore_mem>>)
      %add3A_324 = arith.constant 2 : i32
      %add3A_325 = arith.addi %add3A_297, %add3A_324 : i32
      %dma_start3A_326 = arith.constant 0 : i32
      %dma_start3A_327 = tpu.memref_slice %arg9[%add3A_325, %dma_start3A_326] : memref<200x128xi32, #tpu.memory_space<vmem>> -> memref<1x128xi32, #tpu.memory_space<vmem>>
      %dma_start3A_328 = tpu.memref_squeeze %dma_start3A_327 : memref<1x128xi32, #tpu.memory_space<vmem>> -> memref<128xi32, #tpu.memory_space<vmem>>
      %dma_start3A_329 = arith.constant 0 : i32
      %dma_start3A_330 = arith.constant 0 : i32
      %dma_start3A_331 = tpu.memref_slice %arg4[%dma_start3A_329, %dma_start3A_330] : memref<50760x128xf32, #tpu.memory_space<hbm>> -> memref<50760x128xf32, #tpu.memory_space<hbm>>
      tpu.enqueue_indirect_dma source(%dma_start3A_331 : memref<50760x128xf32, #tpu.memory_space<hbm>>) target(%arg13 : memref<128x128xf32, #tpu.memory_space<vmem>>) offsets(%dma_start3A_328 : memref<128xi32, #tpu.memory_space<vmem>>) semaphore(%arg19 : memref<!tpu.dma_semaphore, #tpu.memory_space<semaphore_mem>>)
      %dma_wait3A_332 = arith.constant 0 : i32
      %dma_wait3A_333 = arith.constant 0 : i32
      %dma_wait3A_334 = tpu.memref_slice %arg9[%dma_wait3A_332, %dma_wait3A_333] : memref<200x128xi32, #tpu.memory_space<vmem>> -> memref<1x128xi32, #tpu.memory_space<vmem>>
      %dma_wait3A_335 = tpu.memref_squeeze %dma_wait3A_334 : memref<1x128xi32, #tpu.memory_space<vmem>> -> memref<128xi32, #tpu.memory_space<vmem>>
      %dma_wait3A_336 = arith.constant 0 : i32
      %dma_wait3A_337 = arith.constant 0 : i32
      %dma_wait3A_338 = tpu.memref_slice %arg4[%dma_wait3A_336, %dma_wait3A_337] : memref<50760x128xf32, #tpu.memory_space<hbm>> -> memref<50760x128xf32, #tpu.memory_space<hbm>>
      tpu.wait_indirect_dma semaphore(%arg18 : memref<!tpu.dma_semaphore, #tpu.memory_space<semaphore_mem>>) src(%dma_wait3A_338 : memref<50760x128xf32, #tpu.memory_space<hbm>>) dst(%arg12 : memref<128x128xf32, #tpu.memory_space<vmem>>)
      %add3A_339 = arith.constant 1 : i32
      %add3A_340 = arith.addi %add3A_297, %add3A_339 : i32
      %dma_start3A_341 = arith.constant 0 : i32
      %dma_start3A_342 = tpu.memref_slice %arg10[%add3A_340, %dma_start3A_341] : memref<200x128xi32, #tpu.memory_space<vmem>> -> memref<1x128xi32, #tpu.memory_space<vmem>>
      %dma_start3A_343 = tpu.memref_squeeze %dma_start3A_342 : memref<1x128xi32, #tpu.memory_space<vmem>> -> memref<128xi32, #tpu.memory_space<vmem>>
      %dma_start3A_344 = arith.constant 0 : i32
      %dma_start3A_345 = arith.constant 0 : i32
      %dma_start3A_346 = tpu.memref_slice %arg11[%dma_start3A_344, %dma_start3A_345] : memref<7x128xf32, #tpu.memory_space<vmem_shared>> -> memref<7x128xf32, #tpu.memory_space<vmem_shared>>
      tpu.enqueue_indirect_dma source(%dma_start3A_346 : memref<7x128xf32, #tpu.memory_space<vmem_shared>>) target(%arg12 : memref<128x128xf32, #tpu.memory_space<vmem>>) offsets(%dma_start3A_343 : memref<128xi32, #tpu.memory_space<vmem>>) semaphore(%arg20 : memref<!tpu.dma_semaphore, #tpu.memory_space<semaphore_mem>>) {add = true}
    }
    %scan3A_167 = arith.constant 98 : i32
    %dma_wait3A_168 = arith.constant 0 : i32
    %dma_wait3A_169 = arith.constant 0 : i32
    %dma_wait3A_170 = tpu.memref_slice %arg10[%dma_wait3A_168, %dma_wait3A_169] : memref<200x128xi32, #tpu.memory_space<vmem>> -> memref<1x128xi32, #tpu.memory_space<vmem>>
    %dma_wait3A_171 = tpu.memref_squeeze %dma_wait3A_170 : memref<1x128xi32, #tpu.memory_space<vmem>> -> memref<128xi32, #tpu.memory_space<vmem>>
    %dma_wait3A_172 = arith.constant 0 : i32
    %dma_wait3A_173 = arith.constant 0 : i32
    %dma_wait3A_174 = tpu.memref_slice %arg11[%dma_wait3A_172, %dma_wait3A_173] : memref<7x128xf32, #tpu.memory_space<vmem_shared>> -> memref<7x128xf32, #tpu.memory_space<vmem_shared>>
    tpu.wait_indirect_dma semaphore(%arg20 : memref<!tpu.dma_semaphore, #tpu.memory_space<semaphore_mem>>) src(%dma_wait3A_174 : memref<7x128xf32, #tpu.memory_space<vmem_shared>>) dst(%arg12 : memref<128x128xf32, #tpu.memory_space<vmem>>)
    %dma_wait3A_175 = arith.constant 0 : i32
    %dma_wait3A_176 = arith.constant 0 : i32
    %dma_wait3A_177 = tpu.memref_slice %arg8[%dma_wait3A_175, %dma_wait3A_176] : memref<819200x64xf32, #tpu.memory_space<hbm>> -> memref<128x64xf32, #tpu.memory_space<hbm>>
    %dma_wait3A_178 = arith.constant 0 : i32
    %dma_wait3A_179 = arith.constant 0 : i32
    %dma_wait3A_180 = tpu.memref_slice %arg8[%dma_wait3A_178, %dma_wait3A_179] : memref<819200x64xf32, #tpu.memory_space<hbm>> -> memref<128x64xf32, #tpu.memory_space<hbm>>
    tpu.wait_dma2 semaphore(%arg22 : memref<!tpu.dma_semaphore, #tpu.memory_space<semaphore_mem>>) src(%arg14 : memref<128x64xf32, #tpu.memory_space<vmem>>) dst(%dma_wait3A_180 : memref<128x64xf32, #tpu.memory_space<hbm>>)
    %scan3A_181 = arith.constant 0 : i32
    %scan3A_182 = arith.constant 0 : i32
    %scan3A_183 = arith.constant 64 : i32
    %scan3A_184 = arith.addi %scan3A_182, %scan3A_183 : i32
    %scan3A_185 = arith.constant 1 : i32
    scf.for %scan3A_244 = %scan3A_182 to %scan3A_184 step %scan3A_185  : i32 {
      %mul3A_245 = arith.constant 2 : i32
      %mul3A_246 = arith.muli %scan3A_244, %mul3A_245 : i32
      %add3A_247 = arith.constant 1 : i32
      %add3A_248 = arith.addi %mul3A_246, %add3A_247 : i32
      %get3A_249 = arith.index_cast %mul3A_246 : i32 to index
      %get3A_250 = arith.constant 0 : index
      %get3A_251 = tpu.vector_load %arg12[%get3A_249, %get3A_250] {strides = array<i32>} : memref<128x128xf32, #tpu.memory_space<vmem>>, vector<1x16xf32>,
      %get3A_252 = vector.shape_cast %get3A_251 : vector<1x16xf32> to vector<16xf32>
      %get3A_253 = arith.index_cast %mul3A_246 : i32 to index
      %get3A_254 = arith.constant 16 : index
      %get3A_255 = tpu.vector_load %arg12[%get3A_253, %get3A_254] {strides = array<i32>} : memref<128x128xf32, #tpu.memory_space<vmem>>, vector<1x16xf32>,
      %get3A_256 = vector.shape_cast %get3A_255 : vector<1x16xf32> to vector<16xf32>
      %get3A_257 = arith.index_cast %mul3A_246 : i32 to index
      %get3A_258 = arith.constant 32 : index
      %get3A_259 = tpu.vector_load %arg12[%get3A_257, %get3A_258] {strides = array<i32>} : memref<128x128xf32, #tpu.memory_space<vmem>>, vector<1x16xf32>,
      %get3A_260 = vector.shape_cast %get3A_259 : vector<1x16xf32> to vector<16xf32>
      %get3A_261 = arith.index_cast %mul3A_246 : i32 to index
      %get3A_262 = arith.constant 48 : index
      %get3A_263 = tpu.vector_load %arg12[%get3A_261, %get3A_262] {strides = array<i32>} : memref<128x128xf32, #tpu.memory_space<vmem>>, vector<1x16xf32>,
      %get3A_264 = vector.shape_cast %get3A_263 : vector<1x16xf32> to vector<16xf32>
      %get3A_265 = arith.index_cast %add3A_248 : i32 to index
      %get3A_266 = arith.constant 0 : index
      %get3A_267 = tpu.vector_load %arg12[%get3A_265, %get3A_266] {strides = array<i32>} : memref<128x128xf32, #tpu.memory_space<vmem>>, vector<1x16xf32>,
      %get3A_268 = vector.shape_cast %get3A_267 : vector<1x16xf32> to vector<16xf32>
      %get3A_269 = arith.index_cast %add3A_248 : i32 to index
      %get3A_270 = arith.constant 16 : index
      %get3A_271 = tpu.vector_load %arg12[%get3A_269, %get3A_270] {strides = array<i32>} : memref<128x128xf32, #tpu.memory_space<vmem>>, vector<1x16xf32>,
      %get3A_272 = vector.shape_cast %get3A_271 : vector<1x16xf32> to vector<16xf32>
      %get3A_273 = arith.index_cast %add3A_248 : i32 to index
      %get3A_274 = arith.constant 32 : index
      %get3A_275 = tpu.vector_load %arg12[%get3A_273, %get3A_274] {strides = array<i32>} : memref<128x128xf32, #tpu.memory_space<vmem>>, vector<1x16xf32>,
      %get3A_276 = vector.shape_cast %get3A_275 : vector<1x16xf32> to vector<16xf32>
      %get3A_277 = arith.index_cast %add3A_248 : i32 to index
      %get3A_278 = arith.constant 48 : index
      %get3A_279 = tpu.vector_load %arg12[%get3A_277, %get3A_278] {strides = array<i32>} : memref<128x128xf32, #tpu.memory_space<vmem>>, vector<1x16xf32>,
      %get3A_280 = vector.shape_cast %get3A_279 : vector<1x16xf32> to vector<16xf32>
      %add3A_281 = arith.addf %get3A_252, %get3A_256 : vector<16xf32>
      %add3A_282 = arith.addf %get3A_260, %get3A_264 : vector<16xf32>
      %add3A_283 = arith.addf %add3A_281, %add3A_282 : vector<16xf32>
      %add3A_284 = arith.addf %get3A_268, %get3A_272 : vector<16xf32>
      %add3A_285 = arith.addf %get3A_276, %get3A_280 : vector<16xf32>
      %add3A_286 = arith.addf %add3A_284, %add3A_285 : vector<16xf32>
      %mul3A_287 = arith.mulf %get3A_252, %get3A_252 : vector<16xf32>
      %mul3A_288 = arith.mulf %get3A_256, %get3A_256 : vector<16xf32>
      %add3A_289 = arith.addf %mul3A_287, %mul3A_288 : vector<16xf32>
      %mul3A_290 = arith.mulf %get3A_260, %get3A_260 : vector<16xf32>
      %mul3A_291 = arith.mulf %get3A_264, %get3A_264 : vector<16xf32>
      %add3A_292 = arith.addf %mul3A_290, %mul3A_291 : vector<16xf32>
      %add3A_293 = arith.addf %add3A_289, %add3A_292 : vector<16xf32>
      %mul3A_294 = arith.mulf %get3A_268, %get3A_268 : vector<16xf32>
      %mul3A_295 = arith.mulf %get3A_272, %get3A_272 : vector<16xf32>
      %add3A_296 = arith.addf %mul3A_294, %mul3A_295 : vector<16xf32>
      %mul3A_297 = arith.mulf %get3A_276, %get3A_276 : vector<16xf32>
      %mul3A_298 = arith.mulf %get3A_280, %get3A_280 : vector<16xf32>
      %add3A_299 = arith.addf %mul3A_297, %mul3A_298 : vector<16xf32>
      %add3A_300 = arith.addf %add3A_296, %add3A_299 : vector<16xf32>
      %gather3A = vector.shape_cast %reshape3A_41 : vector<16x1xi32> to vector<16xi32>
      %gather3A_301 = tpu.dynamic_gather %add3A_283[%gather3A] in [0] : vector<16xf32>, vector<16xi32> -> vector<16xf32>
      %add3A_302 = arith.addf %add3A_283, %gather3A_301 : vector<16xf32>
      %gather3A_303 = vector.shape_cast %reshape3A_41 : vector<16x1xi32> to vector<16xi32>
      %gather3A_304 = tpu.dynamic_gather %add3A_286[%gather3A_303] in [0] : vector<16xf32>, vector<16xi32> -> vector<16xf32>
      %add3A_305 = arith.addf %add3A_286, %gather3A_304 : vector<16xf32>
      %select_n3A = arith.select %lt3A_46, %add3A_302, %add3A_305 : vector<16xi1>, vector<16xf32>
      %gather3A_306 = vector.shape_cast %reshape3A_41 : vector<16x1xi32> to vector<16xi32>
      %gather3A_307 = tpu.dynamic_gather %add3A_293[%gather3A_306] in [0] : vector<16xf32>, vector<16xi32> -> vector<16xf32>
      %add3A_308 = arith.addf %add3A_293, %gather3A_307 : vector<16xf32>
      %gather3A_309 = vector.shape_cast %reshape3A_41 : vector<16x1xi32> to vector<16xi32>
      %gather3A_310 = tpu.dynamic_gather %add3A_300[%gather3A_309] in [0] : vector<16xf32>, vector<16xi32> -> vector<16xf32>
      %add3A_311 = arith.addf %add3A_300, %gather3A_310 : vector<16xf32>
      %select_n3A_312 = arith.select %lt3A_46, %add3A_308, %add3A_311 : vector<16xi1>, vector<16xf32>
      %gather3A_313 = vector.shape_cast %reshape3A : vector<16x1xi32> to vector<16xi32>
      %gather3A_314 = tpu.dynamic_gather %select_n3A[%gather3A_313] in [0] : vector<16xf32>, vector<16xi32> -> vector<16xf32>
      %add3A_315 = arith.addf %select_n3A, %gather3A_314 : vector<16xf32>
      %gather3A_316 = vector.shape_cast %reshape3A : vector<16x1xi32> to vector<16xi32>
      %gather3A_317 = tpu.dynamic_gather %select_n3A_312[%gather3A_316] in [0] : vector<16xf32>, vector<16xi32> -> vector<16xf32>
      %add3A_318 = arith.addf %select_n3A_312, %gather3A_317 : vector<16xf32>
      %gather3A_319 = vector.shape_cast %reshape3A_33 : vector<16x1xi32> to vector<16xi32>
      %gather3A_320 = tpu.dynamic_gather %add3A_315[%gather3A_319] in [0] : vector<16xf32>, vector<16xi32> -> vector<16xf32>
      %add3A_321 = arith.addf %add3A_315, %gather3A_320 : vector<16xf32>
      %gather3A_322 = vector.shape_cast %reshape3A_33 : vector<16x1xi32> to vector<16xi32>
      %gather3A_323 = tpu.dynamic_gather %add3A_318[%gather3A_322] in [0] : vector<16xf32>, vector<16xi32> -> vector<16xf32>
      %add3A_324 = arith.addf %add3A_318, %gather3A_323 : vector<16xf32>
      %gather3A_325 = vector.shape_cast %reshape3A_37 : vector<16x1xi32> to vector<16xi32>
      %gather3A_326 = tpu.dynamic_gather %add3A_321[%gather3A_325] in [0] : vector<16xf32>, vector<16xi32> -> vector<16xf32>
      %add3A_327 = arith.addf %add3A_321, %gather3A_326 : vector<16xf32>
      %gather3A_328 = vector.shape_cast %reshape3A_37 : vector<16x1xi32> to vector<16xi32>
      %gather3A_329 = tpu.dynamic_gather %add3A_324[%gather3A_328] in [0] : vector<16xf32>, vector<16xi32> -> vector<16xf32>
      %add3A_330 = arith.addf %add3A_324, %gather3A_329 : vector<16xf32>
      %mul3A_331 = arith.mulf %add3A_327, %broadcast_in_dim3A_48 : vector<16xf32>
      %mul3A_332 = arith.mulf %add3A_330, %broadcast_in_dim3A_48 : vector<16xf32>
      %mul3A_333 = arith.mulf %mul3A_331, %mul3A_331 : vector<16xf32>
      %sub3A = arith.subf %mul3A_332, %mul3A_333 : vector<16xf32>
      %add3A_334 = arith.addf %sub3A, %broadcast_in_dim3A_54 : vector<16xf32>
      %mul3A_335 = arith.mulf %broadcast_in_dim3A_52, %add3A_334 : vector<16xf32>
      %bitcast_convert_type3A = tpu.bitcast %add3A_334 : vector<16xf32> -> vector<16xi32>
      %shift_right_arithmetic3A = arith.constant 1 : i32
      %shift_right_arithmetic3A_336 = vector.broadcast %shift_right_arithmetic3A : i32 to vector<16xi32>
      %shift_right_arithmetic3A_337 = arith.shrsi %bitcast_convert_type3A, %shift_right_arithmetic3A_336 : vector<16xi32>
      %sub3A_338 = arith.subi %broadcast_in_dim3A_56, %shift_right_arithmetic3A_337 : vector<16xi32>
      %bitcast_convert_type3A_339 = tpu.bitcast %sub3A_338 : vector<16xi32> -> vector<16xf32>
      %mul3A_340 = arith.mulf %mul3A_335, %bitcast_convert_type3A_339 : vector<16xf32>
      %mul3A_341 = arith.mulf %mul3A_340, %bitcast_convert_type3A_339 : vector<16xf32>
      %sub3A_342 = arith.subf %broadcast_in_dim3A_50, %mul3A_341 : vector<16xf32>
      %mul3A_343 = arith.mulf %bitcast_convert_type3A_339, %sub3A_342 : vector<16xf32>
      %mul3A_344 = arith.mulf %mul3A_335, %mul3A_343 : vector<16xf32>
      %mul3A_345 = arith.mulf %mul3A_344, %mul3A_343 : vector<16xf32>
      %sub3A_346 = arith.subf %broadcast_in_dim3A_50, %mul3A_345 : vector<16xf32>
      %mul3A_347 = arith.mulf %mul3A_343, %sub3A_346 : vector<16xf32>
      %gather3A_348 = vector.shape_cast %broadcast_in_dim3A_42 : vector<16x1xi32> to vector<16xi32>
      %gather3A_349 = tpu.dynamic_gather %mul3A_331[%gather3A_348] in [0] : vector<16xf32>, vector<16xi32> -> vector<16xf32>
      %gather3A_350 = vector.shape_cast %broadcast_in_dim3A_44 : vector<16x1xi32> to vector<16xi32>
      %gather3A_351 = tpu.dynamic_gather %mul3A_331[%gather3A_350] in [0] : vector<16xf32>, vector<16xi32> -> vector<16xf32>
      %gather3A_352 = vector.shape_cast %broadcast_in_dim3A_42 : vector<16x1xi32> to vector<16xi32>
      %gather3A_353 = tpu.dynamic_gather %mul3A_347[%gather3A_352] in [0] : vector<16xf32>, vector<16xi32> -> vector<16xf32>
      %gather3A_354 = vector.shape_cast %broadcast_in_dim3A_44 : vector<16x1xi32> to vector<16xi32>
      %gather3A_355 = tpu.dynamic_gather %mul3A_347[%gather3A_354] in [0] : vector<16xf32>, vector<16xi32> -> vector<16xf32>
      %sub3A_356 = arith.subf %get3A_252, %gather3A_349 : vector<16xf32>
      %mul3A_357 = arith.mulf %gather3A_353, %get3A_6 : vector<16xf32>
      %mul3A_358 = arith.mulf %sub3A_356, %mul3A_357 : vector<16xf32>
      %add3A_359 = arith.addf %mul3A_358, %get3A_18 : vector<16xf32>
      %swap3A = arith.index_cast %mul3A_246 : i32 to index
      %swap3A_360 = arith.constant 0 : index
      %swap3A_361 = tpu.vector_load %arg14[%swap3A, %swap3A_360] {strides = array<i32>} : memref<128x64xf32, #tpu.memory_space<vmem>>, vector<1x16xf32>,
      %swap3A_362 = vector.shape_cast %swap3A_361 : vector<1x16xf32> to vector<16xf32>
      %swap3A_363 = vector.shape_cast %add3A_359 : vector<16xf32> to vector<1x16xf32>
      tpu.vector_store %arg14[%swap3A, %swap3A_360], %swap3A_363 {strides = array<i32>} : memref<128x64xf32, #tpu.memory_space<vmem>>, vector<1x16xf32>,
      %sub3A_364 = arith.subf %get3A_268, %gather3A_351 : vector<16xf32>
      %mul3A_365 = arith.mulf %gather3A_355, %get3A_6 : vector<16xf32>
      %mul3A_366 = arith.mulf %sub3A_364, %mul3A_365 : vector<16xf32>
      %add3A_367 = arith.addf %mul3A_366, %get3A_18 : vector<16xf32>
      %swap3A_368 = arith.index_cast %add3A_248 : i32 to index
      %swap3A_369 = arith.constant 0 : index
      %swap3A_370 = tpu.vector_load %arg14[%swap3A_368, %swap3A_369] {strides = array<i32>} : memref<128x64xf32, #tpu.memory_space<vmem>>, vector<1x16xf32>,
      %swap3A_371 = vector.shape_cast %swap3A_370 : vector<1x16xf32> to vector<16xf32>
      %swap3A_372 = vector.shape_cast %add3A_367 : vector<16xf32> to vector<1x16xf32>
      tpu.vector_store %arg14[%swap3A_368, %swap3A_369], %swap3A_372 {strides = array<i32>} : memref<128x64xf32, #tpu.memory_space<vmem>>, vector<1x16xf32>,
      %sub3A_373 = arith.subf %get3A_256, %gather3A_349 : vector<16xf32>
      %mul3A_374 = arith.mulf %gather3A_353, %get3A_9 : vector<16xf32>
      %mul3A_375 = arith.mulf %sub3A_373, %mul3A_374 : vector<16xf32>
      %add3A_376 = arith.addf %mul3A_375, %get3A_21 : vector<16xf32>
      %swap3A_377 = arith.index_cast %mul3A_246 : i32 to index
      %swap3A_378 = arith.constant 16 : index
      %swap3A_379 = tpu.vector_load %arg14[%swap3A_377, %swap3A_378] {strides = array<i32>} : memref<128x64xf32, #tpu.memory_space<vmem>>, vector<1x16xf32>,
      %swap3A_380 = vector.shape_cast %swap3A_379 : vector<1x16xf32> to vector<16xf32>
      %swap3A_381 = vector.shape_cast %add3A_376 : vector<16xf32> to vector<1x16xf32>
      tpu.vector_store %arg14[%swap3A_377, %swap3A_378], %swap3A_381 {strides = array<i32>} : memref<128x64xf32, #tpu.memory_space<vmem>>, vector<1x16xf32>,
      %sub3A_382 = arith.subf %get3A_272, %gather3A_351 : vector<16xf32>
      %mul3A_383 = arith.mulf %gather3A_355, %get3A_9 : vector<16xf32>
      %mul3A_384 = arith.mulf %sub3A_382, %mul3A_383 : vector<16xf32>
      %add3A_385 = arith.addf %mul3A_384, %get3A_21 : vector<16xf32>
      %swap3A_386 = arith.index_cast %add3A_248 : i32 to index
      %swap3A_387 = arith.constant 16 : index
      %swap3A_388 = tpu.vector_load %arg14[%swap3A_386, %swap3A_387] {strides = array<i32>} : memref<128x64xf32, #tpu.memory_space<vmem>>, vector<1x16xf32>,
      %swap3A_389 = vector.shape_cast %swap3A_388 : vector<1x16xf32> to vector<16xf32>
      %swap3A_390 = vector.shape_cast %add3A_385 : vector<16xf32> to vector<1x16xf32>
      tpu.vector_store %arg14[%swap3A_386, %swap3A_387], %swap3A_390 {strides = array<i32>} : memref<128x64xf32, #tpu.memory_space<vmem>>, vector<1x16xf32>,
      %sub3A_391 = arith.subf %get3A_260, %gather3A_349 : vector<16xf32>
      %mul3A_392 = arith.mulf %gather3A_353, %get3A_12 : vector<16xf32>
      %mul3A_393 = arith.mulf %sub3A_391, %mul3A_392 : vector<16xf32>
      %add3A_394 = arith.addf %mul3A_393, %get3A_24 : vector<16xf32>
      %swap3A_395 = arith.index_cast %mul3A_246 : i32 to index
      %swap3A_396 = arith.constant 32 : index
      %swap3A_397 = tpu.vector_load %arg14[%swap3A_395, %swap3A_396] {strides = array<i32>} : memref<128x64xf32, #tpu.memory_space<vmem>>, vector<1x16xf32>,
      %swap3A_398 = vector.shape_cast %swap3A_397 : vector<1x16xf32> to vector<16xf32>
      %swap3A_399 = vector.shape_cast %add3A_394 : vector<16xf32> to vector<1x16xf32>
      tpu.vector_store %arg14[%swap3A_395, %swap3A_396], %swap3A_399 {strides = array<i32>} : memref<128x64xf32, #tpu.memory_space<vmem>>, vector<1x16xf32>,
      %sub3A_400 = arith.subf %get3A_276, %gather3A_351 : vector<16xf32>
      %mul3A_401 = arith.mulf %gather3A_355, %get3A_12 : vector<16xf32>
      %mul3A_402 = arith.mulf %sub3A_400, %mul3A_401 : vector<16xf32>
      %add3A_403 = arith.addf %mul3A_402, %get3A_24 : vector<16xf32>
      %swap3A_404 = arith.index_cast %add3A_248 : i32 to index
      %swap3A_405 = arith.constant 32 : index
      %swap3A_406 = tpu.vector_load %arg14[%swap3A_404, %swap3A_405] {strides = array<i32>} : memref<128x64xf32, #tpu.memory_space<vmem>>, vector<1x16xf32>,
      %swap3A_407 = vector.shape_cast %swap3A_406 : vector<1x16xf32> to vector<16xf32>
      %swap3A_408 = vector.shape_cast %add3A_403 : vector<16xf32> to vector<1x16xf32>
      tpu.vector_store %arg14[%swap3A_404, %swap3A_405], %swap3A_408 {strides = array<i32>} : memref<128x64xf32, #tpu.memory_space<vmem>>, vector<1x16xf32>,
      %sub3A_409 = arith.subf %get3A_264, %gather3A_349 : vector<16xf32>
      %mul3A_410 = arith.mulf %gather3A_353, %get3A_15 : vector<16xf32>
      %mul3A_411 = arith.mulf %sub3A_409, %mul3A_410 : vector<16xf32>
      %add3A_412 = arith.addf %mul3A_411, %get3A_27 : vector<16xf32>
      %swap3A_413 = arith.index_cast %mul3A_246 : i32 to index
      %swap3A_414 = arith.constant 48 : index
      %swap3A_415 = tpu.vector_load %arg14[%swap3A_413, %swap3A_414] {strides = array<i32>} : memref<128x64xf32, #tpu.memory_space<vmem>>, vector<1x16xf32>,
      %swap3A_416 = vector.shape_cast %swap3A_415 : vector<1x16xf32> to vector<16xf32>
      %swap3A_417 = vector.shape_cast %add3A_412 : vector<16xf32> to vector<1x16xf32>
      tpu.vector_store %arg14[%swap3A_413, %swap3A_414], %swap3A_417 {strides = array<i32>} : memref<128x64xf32, #tpu.memory_space<vmem>>, vector<1x16xf32>,
      %sub3A_418 = arith.subf %get3A_280, %gather3A_351 : vector<16xf32>
      %mul3A_419 = arith.mulf %gather3A_355, %get3A_15 : vector<16xf32>
      %mul3A_420 = arith.mulf %sub3A_418, %mul3A_419 : vector<16xf32>
      %add3A_421 = arith.addf %mul3A_420, %get3A_27 : vector<16xf32>
      %swap3A_422 = arith.index_cast %add3A_248 : i32 to index
      %swap3A_423 = arith.constant 48 : index
      %swap3A_424 = tpu.vector_load %arg14[%swap3A_422, %swap3A_423] {strides = array<i32>} : memref<128x64xf32, #tpu.memory_space<vmem>>, vector<1x16xf32>,
      %swap3A_425 = vector.shape_cast %swap3A_424 : vector<1x16xf32> to vector<16xf32>
      %swap3A_426 = vector.shape_cast %add3A_421 : vector<16xf32> to vector<1x16xf32>
      tpu.vector_store %arg14[%swap3A_422, %swap3A_423], %swap3A_426 {strides = array<i32>} : memref<128x64xf32, #tpu.memory_space<vmem>>, vector<1x16xf32>,
    }
    %scan3A_186 = arith.constant 64 : i32
    %add3A_187 = arith.constant 25344 : i32
    %add3A_188 = arith.addi %mul3A_2, %add3A_187 : i32
    %dma_start3A_189 = arith.constant 0 : i32
    %dma_start3A_190 = tpu.memref_slice %arg8[%add3A_188, %dma_start3A_189] : memref<819200x64xf32, #tpu.memory_space<hbm>> -> memref<128x64xf32, #tpu.memory_space<hbm>>
    %dma_start3A_191 = arith.constant 0 : i32
    %dma_start3A_192 = tpu.memref_slice %arg8[%add3A_188, %dma_start3A_191] : memref<819200x64xf32, #tpu.memory_space<hbm>> -> memref<128x64xf32, #tpu.memory_space<hbm>>
    tpu.enqueue_dma source(%arg14 : memref<128x64xf32, #tpu.memory_space<vmem>>) target(%dma_start3A_192 : memref<128x64xf32, #tpu.memory_space<hbm>>) target_semaphore(%arg22 : memref<!tpu.dma_semaphore, #tpu.memory_space<semaphore_mem>>)
    %dma_wait3A_193 = arith.constant 0 : i32
    %dma_wait3A_194 = arith.constant 0 : i32
    %dma_wait3A_195 = tpu.memref_slice %arg9[%dma_wait3A_193, %dma_wait3A_194] : memref<200x128xi32, #tpu.memory_space<vmem>> -> memref<1x128xi32, #tpu.memory_space<vmem>>
    %dma_wait3A_196 = tpu.memref_squeeze %dma_wait3A_195 : memref<1x128xi32, #tpu.memory_space<vmem>> -> memref<128xi32, #tpu.memory_space<vmem>>
    %dma_wait3A_197 = arith.constant 0 : i32
    %dma_wait3A_198 = arith.constant 0 : i32
    %dma_wait3A_199 = tpu.memref_slice %arg4[%dma_wait3A_197, %dma_wait3A_198] : memref<50760x128xf32, #tpu.memory_space<hbm>> -> memref<50760x128xf32, #tpu.memory_space<hbm>>
    tpu.wait_indirect_dma semaphore(%arg19 : memref<!tpu.dma_semaphore, #tpu.memory_space<semaphore_mem>>) src(%dma_wait3A_199 : memref<50760x128xf32, #tpu.memory_space<hbm>>) dst(%arg13 : memref<128x128xf32, #tpu.memory_space<vmem>>)
    %dma_start3A_200 = arith.constant 199 : i32
    %dma_start3A_201 = arith.constant 0 : i32
    %dma_start3A_202 = tpu.memref_slice %arg10[%dma_start3A_200, %dma_start3A_201] : memref<200x128xi32, #tpu.memory_space<vmem>> -> memref<1x128xi32, #tpu.memory_space<vmem>>
    %dma_start3A_203 = tpu.memref_squeeze %dma_start3A_202 : memref<1x128xi32, #tpu.memory_space<vmem>> -> memref<128xi32, #tpu.memory_space<vmem>>
    %dma_start3A_204 = arith.constant 0 : i32
    %dma_start3A_205 = arith.constant 0 : i32
    %dma_start3A_206 = tpu.memref_slice %arg11[%dma_start3A_204, %dma_start3A_205] : memref<7x128xf32, #tpu.memory_space<vmem_shared>> -> memref<7x128xf32, #tpu.memory_space<vmem_shared>>
    tpu.enqueue_indirect_dma source(%dma_start3A_206 : memref<7x128xf32, #tpu.memory_space<vmem_shared>>) target(%arg13 : memref<128x128xf32, #tpu.memory_space<vmem>>) offsets(%dma_start3A_203 : memref<128xi32, #tpu.memory_space<vmem>>) semaphore(%arg21 : memref<!tpu.dma_semaphore, #tpu.memory_space<semaphore_mem>>) {add = true}
    %dma_wait3A_207 = arith.constant 0 : i32
    %dma_wait3A_208 = arith.constant 0 : i32
    %dma_wait3A_209 = tpu.memref_slice %arg10[%dma_wait3A_207, %dma_wait3A_208] : memref<200x128xi32, #tpu.memory_space<vmem>> -> memref<1x128xi32, #tpu.memory_space<vmem>>
    %dma_wait3A_210 = tpu.memref_squeeze %dma_wait3A_209 : memref<1x128xi32, #tpu.memory_space<vmem>> -> memref<128xi32, #tpu.memory_space<vmem>>
    %dma_wait3A_211 = arith.constant 0 : i32
    %dma_wait3A_212 = arith.constant 0 : i32
    %dma_wait3A_213 = tpu.memref_slice %arg11[%dma_wait3A_211, %dma_wait3A_212] : memref<7x128xf32, #tpu.memory_space<vmem_shared>> -> memref<7x128xf32, #tpu.memory_space<vmem_shared>>
    tpu.wait_indirect_dma semaphore(%arg21 : memref<!tpu.dma_semaphore, #tpu.memory_space<semaphore_mem>>) src(%dma_wait3A_213 : memref<7x128xf32, #tpu.memory_space<vmem_shared>>) dst(%arg13 : memref<128x128xf32, #tpu.memory_space<vmem>>)
    %dma_wait3A_214 = arith.constant 0 : i32
    %dma_wait3A_215 = arith.constant 0 : i32
    %dma_wait3A_216 = tpu.memref_slice %arg8[%dma_wait3A_214, %dma_wait3A_215] : memref<819200x64xf32, #tpu.memory_space<hbm>> -> memref<128x64xf32, #tpu.memory_space<hbm>>
    %dma_wait3A_217 = arith.constant 0 : i32
    %dma_wait3A_218 = arith.constant 0 : i32
    %dma_wait3A_219 = tpu.memref_slice %arg8[%dma_wait3A_217, %dma_wait3A_218] : memref<819200x64xf32, #tpu.memory_space<hbm>> -> memref<128x64xf32, #tpu.memory_space<hbm>>
    tpu.wait_dma2 semaphore(%arg23 : memref<!tpu.dma_semaphore, #tpu.memory_space<semaphore_mem>>) src(%arg15 : memref<128x64xf32, #tpu.memory_space<vmem>>) dst(%dma_wait3A_219 : memref<128x64xf32, #tpu.memory_space<hbm>>)
    %scan3A_220 = arith.constant 0 : i32
    %scan3A_221 = arith.constant 0 : i32
    %scan3A_222 = arith.constant 64 : i32
    %scan3A_223 = arith.addi %scan3A_221, %scan3A_222 : i32
    %scan3A_224 = arith.constant 1 : i32
    scf.for %scan3A_244 = %scan3A_221 to %scan3A_223 step %scan3A_224  : i32 {
      %mul3A_245 = arith.constant 2 : i32
      %mul3A_246 = arith.muli %scan3A_244, %mul3A_245 : i32
      %add3A_247 = arith.constant 1 : i32
      %add3A_248 = arith.addi %mul3A_246, %add3A_247 : i32
      %get3A_249 = arith.index_cast %mul3A_246 : i32 to index
      %get3A_250 = arith.constant 0 : index
      %get3A_251 = tpu.vector_load %arg13[%get3A_249, %get3A_250] {strides = array<i32>} : memref<128x128xf32, #tpu.memory_space<vmem>>, vector<1x16xf32>,
      %get3A_252 = vector.shape_cast %get3A_251 : vector<1x16xf32> to vector<16xf32>
      %get3A_253 = arith.index_cast %mul3A_246 : i32 to index
      %get3A_254 = arith.constant 16 : index
      %get3A_255 = tpu.vector_load %arg13[%get3A_253, %get3A_254] {strides = array<i32>} : memref<128x128xf32, #tpu.memory_space<vmem>>, vector<1x16xf32>,
      %get3A_256 = vector.shape_cast %get3A_255 : vector<1x16xf32> to vector<16xf32>
      %get3A_257 = arith.index_cast %mul3A_246 : i32 to index
      %get3A_258 = arith.constant 32 : index
      %get3A_259 = tpu.vector_load %arg13[%get3A_257, %get3A_258] {strides = array<i32>} : memref<128x128xf32, #tpu.memory_space<vmem>>, vector<1x16xf32>,
      %get3A_260 = vector.shape_cast %get3A_259 : vector<1x16xf32> to vector<16xf32>
      %get3A_261 = arith.index_cast %mul3A_246 : i32 to index
      %get3A_262 = arith.constant 48 : index
      %get3A_263 = tpu.vector_load %arg13[%get3A_261, %get3A_262] {strides = array<i32>} : memref<128x128xf32, #tpu.memory_space<vmem>>, vector<1x16xf32>,
      %get3A_264 = vector.shape_cast %get3A_263 : vector<1x16xf32> to vector<16xf32>
      %get3A_265 = arith.index_cast %add3A_248 : i32 to index
      %get3A_266 = arith.constant 0 : index
      %get3A_267 = tpu.vector_load %arg13[%get3A_265, %get3A_266] {strides = array<i32>} : memref<128x128xf32, #tpu.memory_space<vmem>>, vector<1x16xf32>,
      %get3A_268 = vector.shape_cast %get3A_267 : vector<1x16xf32> to vector<16xf32>
      %get3A_269 = arith.index_cast %add3A_248 : i32 to index
      %get3A_270 = arith.constant 16 : index
      %get3A_271 = tpu.vector_load %arg13[%get3A_269, %get3A_270] {strides = array<i32>} : memref<128x128xf32, #tpu.memory_space<vmem>>, vector<1x16xf32>,
      %get3A_272 = vector.shape_cast %get3A_271 : vector<1x16xf32> to vector<16xf32>
      %get3A_273 = arith.index_cast %add3A_248 : i32 to index
      %get3A_274 = arith.constant 32 : index
      %get3A_275 = tpu.vector_load %arg13[%get3A_273, %get3A_274] {strides = array<i32>} : memref<128x128xf32, #tpu.memory_space<vmem>>, vector<1x16xf32>,
      %get3A_276 = vector.shape_cast %get3A_275 : vector<1x16xf32> to vector<16xf32>
      %get3A_277 = arith.index_cast %add3A_248 : i32 to index
      %get3A_278 = arith.constant 48 : index
      %get3A_279 = tpu.vector_load %arg13[%get3A_277, %get3A_278] {strides = array<i32>} : memref<128x128xf32, #tpu.memory_space<vmem>>, vector<1x16xf32>,
      %get3A_280 = vector.shape_cast %get3A_279 : vector<1x16xf32> to vector<16xf32>
      %add3A_281 = arith.addf %get3A_252, %get3A_256 : vector<16xf32>
      %add3A_282 = arith.addf %get3A_260, %get3A_264 : vector<16xf32>
      %add3A_283 = arith.addf %add3A_281, %add3A_282 : vector<16xf32>
      %add3A_284 = arith.addf %get3A_268, %get3A_272 : vector<16xf32>
      %add3A_285 = arith.addf %get3A_276, %get3A_280 : vector<16xf32>
      %add3A_286 = arith.addf %add3A_284, %add3A_285 : vector<16xf32>
      %mul3A_287 = arith.mulf %get3A_252, %get3A_252 : vector<16xf32>
      %mul3A_288 = arith.mulf %get3A_256, %get3A_256 : vector<16xf32>
      %add3A_289 = arith.addf %mul3A_287, %mul3A_288 : vector<16xf32>
      %mul3A_290 = arith.mulf %get3A_260, %get3A_260 : vector<16xf32>
      %mul3A_291 = arith.mulf %get3A_264, %get3A_264 : vector<16xf32>
      %add3A_292 = arith.addf %mul3A_290, %mul3A_291 : vector<16xf32>
      %add3A_293 = arith.addf %add3A_289, %add3A_292 : vector<16xf32>
      %mul3A_294 = arith.mulf %get3A_268, %get3A_268 : vector<16xf32>
      %mul3A_295 = arith.mulf %get3A_272, %get3A_272 : vector<16xf32>
      %add3A_296 = arith.addf %mul3A_294, %mul3A_295 : vector<16xf32>
      %mul3A_297 = arith.mulf %get3A_276, %get3A_276 : vector<16xf32>
      %mul3A_298 = arith.mulf %get3A_280, %get3A_280 : vector<16xf32>
      %add3A_299 = arith.addf %mul3A_297, %mul3A_298 : vector<16xf32>
      %add3A_300 = arith.addf %add3A_296, %add3A_299 : vector<16xf32>
      %gather3A = vector.shape_cast %reshape3A_41 : vector<16x1xi32> to vector<16xi32>
      %gather3A_301 = tpu.dynamic_gather %add3A_283[%gather3A] in [0] : vector<16xf32>, vector<16xi32> -> vector<16xf32>
      %add3A_302 = arith.addf %add3A_283, %gather3A_301 : vector<16xf32>
      %gather3A_303 = vector.shape_cast %reshape3A_41 : vector<16x1xi32> to vector<16xi32>
      %gather3A_304 = tpu.dynamic_gather %add3A_286[%gather3A_303] in [0] : vector<16xf32>, vector<16xi32> -> vector<16xf32>
      %add3A_305 = arith.addf %add3A_286, %gather3A_304 : vector<16xf32>
      %select_n3A = arith.select %lt3A_46, %add3A_302, %add3A_305 : vector<16xi1>, vector<16xf32>
      %gather3A_306 = vector.shape_cast %reshape3A_41 : vector<16x1xi32> to vector<16xi32>
      %gather3A_307 = tpu.dynamic_gather %add3A_293[%gather3A_306] in [0] : vector<16xf32>, vector<16xi32> -> vector<16xf32>
      %add3A_308 = arith.addf %add3A_293, %gather3A_307 : vector<16xf32>
      %gather3A_309 = vector.shape_cast %reshape3A_41 : vector<16x1xi32> to vector<16xi32>
      %gather3A_310 = tpu.dynamic_gather %add3A_300[%gather3A_309] in [0] : vector<16xf32>, vector<16xi32> -> vector<16xf32>
      %add3A_311 = arith.addf %add3A_300, %gather3A_310 : vector<16xf32>
      %select_n3A_312 = arith.select %lt3A_46, %add3A_308, %add3A_311 : vector<16xi1>, vector<16xf32>
      %gather3A_313 = vector.shape_cast %reshape3A : vector<16x1xi32> to vector<16xi32>
      %gather3A_314 = tpu.dynamic_gather %select_n3A[%gather3A_313] in [0] : vector<16xf32>, vector<16xi32> -> vector<16xf32>
      %add3A_315 = arith.addf %select_n3A, %gather3A_314 : vector<16xf32>
      %gather3A_316 = vector.shape_cast %reshape3A : vector<16x1xi32> to vector<16xi32>
      %gather3A_317 = tpu.dynamic_gather %select_n3A_312[%gather3A_316] in [0] : vector<16xf32>, vector<16xi32> -> vector<16xf32>
      %add3A_318 = arith.addf %select_n3A_312, %gather3A_317 : vector<16xf32>
      %gather3A_319 = vector.shape_cast %reshape3A_33 : vector<16x1xi32> to vector<16xi32>
      %gather3A_320 = tpu.dynamic_gather %add3A_315[%gather3A_319] in [0] : vector<16xf32>, vector<16xi32> -> vector<16xf32>
      %add3A_321 = arith.addf %add3A_315, %gather3A_320 : vector<16xf32>
      %gather3A_322 = vector.shape_cast %reshape3A_33 : vector<16x1xi32> to vector<16xi32>
      %gather3A_323 = tpu.dynamic_gather %add3A_318[%gather3A_322] in [0] : vector<16xf32>, vector<16xi32> -> vector<16xf32>
      %add3A_324 = arith.addf %add3A_318, %gather3A_323 : vector<16xf32>
      %gather3A_325 = vector.shape_cast %reshape3A_37 : vector<16x1xi32> to vector<16xi32>
      %gather3A_326 = tpu.dynamic_gather %add3A_321[%gather3A_325] in [0] : vector<16xf32>, vector<16xi32> -> vector<16xf32>
      %add3A_327 = arith.addf %add3A_321, %gather3A_326 : vector<16xf32>
      %gather3A_328 = vector.shape_cast %reshape3A_37 : vector<16x1xi32> to vector<16xi32>
      %gather3A_329 = tpu.dynamic_gather %add3A_324[%gather3A_328] in [0] : vector<16xf32>, vector<16xi32> -> vector<16xf32>
      %add3A_330 = arith.addf %add3A_324, %gather3A_329 : vector<16xf32>
      %mul3A_331 = arith.mulf %add3A_327, %broadcast_in_dim3A_48 : vector<16xf32>
      %mul3A_332 = arith.mulf %add3A_330, %broadcast_in_dim3A_48 : vector<16xf32>
      %mul3A_333 = arith.mulf %mul3A_331, %mul3A_331 : vector<16xf32>
      %sub3A = arith.subf %mul3A_332, %mul3A_333 : vector<16xf32>
      %add3A_334 = arith.addf %sub3A, %broadcast_in_dim3A_54 : vector<16xf32>
      %mul3A_335 = arith.mulf %broadcast_in_dim3A_52, %add3A_334 : vector<16xf32>
      %bitcast_convert_type3A = tpu.bitcast %add3A_334 : vector<16xf32> -> vector<16xi32>
      %shift_right_arithmetic3A = arith.constant 1 : i32
      %shift_right_arithmetic3A_336 = vector.broadcast %shift_right_arithmetic3A : i32 to vector<16xi32>
      %shift_right_arithmetic3A_337 = arith.shrsi %bitcast_convert_type3A, %shift_right_arithmetic3A_336 : vector<16xi32>
      %sub3A_338 = arith.subi %broadcast_in_dim3A_56, %shift_right_arithmetic3A_337 : vector<16xi32>
      %bitcast_convert_type3A_339 = tpu.bitcast %sub3A_338 : vector<16xi32> -> vector<16xf32>
      %mul3A_340 = arith.mulf %mul3A_335, %bitcast_convert_type3A_339 : vector<16xf32>
      %mul3A_341 = arith.mulf %mul3A_340, %bitcast_convert_type3A_339 : vector<16xf32>
      %sub3A_342 = arith.subf %broadcast_in_dim3A_50, %mul3A_341 : vector<16xf32>
      %mul3A_343 = arith.mulf %bitcast_convert_type3A_339, %sub3A_342 : vector<16xf32>
      %mul3A_344 = arith.mulf %mul3A_335, %mul3A_343 : vector<16xf32>
      %mul3A_345 = arith.mulf %mul3A_344, %mul3A_343 : vector<16xf32>
      %sub3A_346 = arith.subf %broadcast_in_dim3A_50, %mul3A_345 : vector<16xf32>
      %mul3A_347 = arith.mulf %mul3A_343, %sub3A_346 : vector<16xf32>
      %gather3A_348 = vector.shape_cast %broadcast_in_dim3A_42 : vector<16x1xi32> to vector<16xi32>
      %gather3A_349 = tpu.dynamic_gather %mul3A_331[%gather3A_348] in [0] : vector<16xf32>, vector<16xi32> -> vector<16xf32>
      %gather3A_350 = vector.shape_cast %broadcast_in_dim3A_44 : vector<16x1xi32> to vector<16xi32>
      %gather3A_351 = tpu.dynamic_gather %mul3A_331[%gather3A_350] in [0] : vector<16xf32>, vector<16xi32> -> vector<16xf32>
      %gather3A_352 = vector.shape_cast %broadcast_in_dim3A_42 : vector<16x1xi32> to vector<16xi32>
      %gather3A_353 = tpu.dynamic_gather %mul3A_347[%gather3A_352] in [0] : vector<16xf32>, vector<16xi32> -> vector<16xf32>
      %gather3A_354 = vector.shape_cast %broadcast_in_dim3A_44 : vector<16x1xi32> to vector<16xi32>
      %gather3A_355 = tpu.dynamic_gather %mul3A_347[%gather3A_354] in [0] : vector<16xf32>, vector<16xi32> -> vector<16xf32>
      %sub3A_356 = arith.subf %get3A_252, %gather3A_349 : vector<16xf32>
      %mul3A_357 = arith.mulf %gather3A_353, %get3A_6 : vector<16xf32>
      %mul3A_358 = arith.mulf %sub3A_356, %mul3A_357 : vector<16xf32>
      %add3A_359 = arith.addf %mul3A_358, %get3A_18 : vector<16xf32>
      %swap3A = arith.index_cast %mul3A_246 : i32 to index
      %swap3A_360 = arith.constant 0 : index
      %swap3A_361 = tpu.vector_load %arg15[%swap3A, %swap3A_360] {strides = array<i32>} : memref<128x64xf32, #tpu.memory_space<vmem>>, vector<1x16xf32>,
      %swap3A_362 = vector.shape_cast %swap3A_361 : vector<1x16xf32> to vector<16xf32>
      %swap3A_363 = vector.shape_cast %add3A_359 : vector<16xf32> to vector<1x16xf32>
      tpu.vector_store %arg15[%swap3A, %swap3A_360], %swap3A_363 {strides = array<i32>} : memref<128x64xf32, #tpu.memory_space<vmem>>, vector<1x16xf32>,
      %sub3A_364 = arith.subf %get3A_268, %gather3A_351 : vector<16xf32>
      %mul3A_365 = arith.mulf %gather3A_355, %get3A_6 : vector<16xf32>
      %mul3A_366 = arith.mulf %sub3A_364, %mul3A_365 : vector<16xf32>
      %add3A_367 = arith.addf %mul3A_366, %get3A_18 : vector<16xf32>
      %swap3A_368 = arith.index_cast %add3A_248 : i32 to index
      %swap3A_369 = arith.constant 0 : index
      %swap3A_370 = tpu.vector_load %arg15[%swap3A_368, %swap3A_369] {strides = array<i32>} : memref<128x64xf32, #tpu.memory_space<vmem>>, vector<1x16xf32>,
      %swap3A_371 = vector.shape_cast %swap3A_370 : vector<1x16xf32> to vector<16xf32>
      %swap3A_372 = vector.shape_cast %add3A_367 : vector<16xf32> to vector<1x16xf32>
      tpu.vector_store %arg15[%swap3A_368, %swap3A_369], %swap3A_372 {strides = array<i32>} : memref<128x64xf32, #tpu.memory_space<vmem>>, vector<1x16xf32>,
      %sub3A_373 = arith.subf %get3A_256, %gather3A_349 : vector<16xf32>
      %mul3A_374 = arith.mulf %gather3A_353, %get3A_9 : vector<16xf32>
      %mul3A_375 = arith.mulf %sub3A_373, %mul3A_374 : vector<16xf32>
      %add3A_376 = arith.addf %mul3A_375, %get3A_21 : vector<16xf32>
      %swap3A_377 = arith.index_cast %mul3A_246 : i32 to index
      %swap3A_378 = arith.constant 16 : index
      %swap3A_379 = tpu.vector_load %arg15[%swap3A_377, %swap3A_378] {strides = array<i32>} : memref<128x64xf32, #tpu.memory_space<vmem>>, vector<1x16xf32>,
      %swap3A_380 = vector.shape_cast %swap3A_379 : vector<1x16xf32> to vector<16xf32>
      %swap3A_381 = vector.shape_cast %add3A_376 : vector<16xf32> to vector<1x16xf32>
      tpu.vector_store %arg15[%swap3A_377, %swap3A_378], %swap3A_381 {strides = array<i32>} : memref<128x64xf32, #tpu.memory_space<vmem>>, vector<1x16xf32>,
      %sub3A_382 = arith.subf %get3A_272, %gather3A_351 : vector<16xf32>
      %mul3A_383 = arith.mulf %gather3A_355, %get3A_9 : vector<16xf32>
      %mul3A_384 = arith.mulf %sub3A_382, %mul3A_383 : vector<16xf32>
      %add3A_385 = arith.addf %mul3A_384, %get3A_21 : vector<16xf32>
      %swap3A_386 = arith.index_cast %add3A_248 : i32 to index
      %swap3A_387 = arith.constant 16 : index
      %swap3A_388 = tpu.vector_load %arg15[%swap3A_386, %swap3A_387] {strides = array<i32>} : memref<128x64xf32, #tpu.memory_space<vmem>>, vector<1x16xf32>,
      %swap3A_389 = vector.shape_cast %swap3A_388 : vector<1x16xf32> to vector<16xf32>
      %swap3A_390 = vector.shape_cast %add3A_385 : vector<16xf32> to vector<1x16xf32>
      tpu.vector_store %arg15[%swap3A_386, %swap3A_387], %swap3A_390 {strides = array<i32>} : memref<128x64xf32, #tpu.memory_space<vmem>>, vector<1x16xf32>,
      %sub3A_391 = arith.subf %get3A_260, %gather3A_349 : vector<16xf32>
      %mul3A_392 = arith.mulf %gather3A_353, %get3A_12 : vector<16xf32>
      %mul3A_393 = arith.mulf %sub3A_391, %mul3A_392 : vector<16xf32>
      %add3A_394 = arith.addf %mul3A_393, %get3A_24 : vector<16xf32>
      %swap3A_395 = arith.index_cast %mul3A_246 : i32 to index
      %swap3A_396 = arith.constant 32 : index
      %swap3A_397 = tpu.vector_load %arg15[%swap3A_395, %swap3A_396] {strides = array<i32>} : memref<128x64xf32, #tpu.memory_space<vmem>>, vector<1x16xf32>,
      %swap3A_398 = vector.shape_cast %swap3A_397 : vector<1x16xf32> to vector<16xf32>
      %swap3A_399 = vector.shape_cast %add3A_394 : vector<16xf32> to vector<1x16xf32>
      tpu.vector_store %arg15[%swap3A_395, %swap3A_396], %swap3A_399 {strides = array<i32>} : memref<128x64xf32, #tpu.memory_space<vmem>>, vector<1x16xf32>,
      %sub3A_400 = arith.subf %get3A_276, %gather3A_351 : vector<16xf32>
      %mul3A_401 = arith.mulf %gather3A_355, %get3A_12 : vector<16xf32>
      %mul3A_402 = arith.mulf %sub3A_400, %mul3A_401 : vector<16xf32>
      %add3A_403 = arith.addf %mul3A_402, %get3A_24 : vector<16xf32>
      %swap3A_404 = arith.index_cast %add3A_248 : i32 to index
      %swap3A_405 = arith.constant 32 : index
      %swap3A_406 = tpu.vector_load %arg15[%swap3A_404, %swap3A_405] {strides = array<i32>} : memref<128x64xf32, #tpu.memory_space<vmem>>, vector<1x16xf32>,
      %swap3A_407 = vector.shape_cast %swap3A_406 : vector<1x16xf32> to vector<16xf32>
      %swap3A_408 = vector.shape_cast %add3A_403 : vector<16xf32> to vector<1x16xf32>
      tpu.vector_store %arg15[%swap3A_404, %swap3A_405], %swap3A_408 {strides = array<i32>} : memref<128x64xf32, #tpu.memory_space<vmem>>, vector<1x16xf32>,
      %sub3A_409 = arith.subf %get3A_264, %gather3A_349 : vector<16xf32>
      %mul3A_410 = arith.mulf %gather3A_353, %get3A_15 : vector<16xf32>
      %mul3A_411 = arith.mulf %sub3A_409, %mul3A_410 : vector<16xf32>
      %add3A_412 = arith.addf %mul3A_411, %get3A_27 : vector<16xf32>
      %swap3A_413 = arith.index_cast %mul3A_246 : i32 to index
      %swap3A_414 = arith.constant 48 : index
      %swap3A_415 = tpu.vector_load %arg15[%swap3A_413, %swap3A_414] {strides = array<i32>} : memref<128x64xf32, #tpu.memory_space<vmem>>, vector<1x16xf32>,
      %swap3A_416 = vector.shape_cast %swap3A_415 : vector<1x16xf32> to vector<16xf32>
      %swap3A_417 = vector.shape_cast %add3A_412 : vector<16xf32> to vector<1x16xf32>
      tpu.vector_store %arg15[%swap3A_413, %swap3A_414], %swap3A_417 {strides = array<i32>} : memref<128x64xf32, #tpu.memory_space<vmem>>, vector<1x16xf32>,
      %sub3A_418 = arith.subf %get3A_280, %gather3A_351 : vector<16xf32>
      %mul3A_419 = arith.mulf %gather3A_355, %get3A_15 : vector<16xf32>
      %mul3A_420 = arith.mulf %sub3A_418, %mul3A_419 : vector<16xf32>
      %add3A_421 = arith.addf %mul3A_420, %get3A_27 : vector<16xf32>
      %swap3A_422 = arith.index_cast %add3A_248 : i32 to index
      %swap3A_423 = arith.constant 48 : index
      %swap3A_424 = tpu.vector_load %arg15[%swap3A_422, %swap3A_423] {strides = array<i32>} : memref<128x64xf32, #tpu.memory_space<vmem>>, vector<1x16xf32>,
      %swap3A_425 = vector.shape_cast %swap3A_424 : vector<1x16xf32> to vector<16xf32>
      %swap3A_426 = vector.shape_cast %add3A_421 : vector<16xf32> to vector<1x16xf32>
      tpu.vector_store %arg15[%swap3A_422, %swap3A_423], %swap3A_426 {strides = array<i32>} : memref<128x64xf32, #tpu.memory_space<vmem>>, vector<1x16xf32>,
    }
    %scan3A_225 = arith.constant 64 : i32
    %add3A_226 = arith.constant 25472 : i32
    %add3A_227 = arith.addi %mul3A_2, %add3A_226 : i32
    %dma_start3A_228 = arith.constant 0 : i32
    %dma_start3A_229 = tpu.memref_slice %arg8[%add3A_227, %dma_start3A_228] : memref<819200x64xf32, #tpu.memory_space<hbm>> -> memref<128x64xf32, #tpu.memory_space<hbm>>
    %dma_start3A_230 = arith.constant 0 : i32
    %dma_start3A_231 = tpu.memref_slice %arg8[%add3A_227, %dma_start3A_230] : memref<819200x64xf32, #tpu.memory_space<hbm>> -> memref<128x64xf32, #tpu.memory_space<hbm>>
    tpu.enqueue_dma source(%arg15 : memref<128x64xf32, #tpu.memory_space<vmem>>) target(%dma_start3A_231 : memref<128x64xf32, #tpu.memory_space<hbm>>) target_semaphore(%arg23 : memref<!tpu.dma_semaphore, #tpu.memory_space<semaphore_mem>>)
    %dma_wait3A_232 = arith.constant 0 : i32
    %dma_wait3A_233 = arith.constant 0 : i32
    %dma_wait3A_234 = tpu.memref_slice %arg8[%dma_wait3A_232, %dma_wait3A_233] : memref<819200x64xf32, #tpu.memory_space<hbm>> -> memref<128x64xf32, #tpu.memory_space<hbm>>
    %dma_wait3A_235 = arith.constant 0 : i32
    %dma_wait3A_236 = arith.constant 0 : i32
    %dma_wait3A_237 = tpu.memref_slice %arg8[%dma_wait3A_235, %dma_wait3A_236] : memref<819200x64xf32, #tpu.memory_space<hbm>> -> memref<128x64xf32, #tpu.memory_space<hbm>>
    tpu.wait_dma2 semaphore(%arg22 : memref<!tpu.dma_semaphore, #tpu.memory_space<semaphore_mem>>) src(%arg14 : memref<128x64xf32, #tpu.memory_space<vmem>>) dst(%dma_wait3A_237 : memref<128x64xf32, #tpu.memory_space<hbm>>)
    %dma_wait3A_238 = arith.constant 0 : i32
    %dma_wait3A_239 = arith.constant 0 : i32
    %dma_wait3A_240 = tpu.memref_slice %arg8[%dma_wait3A_238, %dma_wait3A_239] : memref<819200x64xf32, #tpu.memory_space<hbm>> -> memref<128x64xf32, #tpu.memory_space<hbm>>
    %dma_wait3A_241 = arith.constant 0 : i32
    %dma_wait3A_242 = arith.constant 0 : i32
    %dma_wait3A_243 = tpu.memref_slice %arg8[%dma_wait3A_241, %dma_wait3A_242] : memref<819200x64xf32, #tpu.memory_space<hbm>> -> memref<128x64xf32, #tpu.memory_space<hbm>>
    tpu.wait_dma2 semaphore(%arg23 : memref<!tpu.dma_semaphore, #tpu.memory_space<semaphore_mem>>) src(%arg15 : memref<128x64xf32, #tpu.memory_space<vmem>>) dst(%dma_wait3A_243 : memref<128x64xf32, #tpu.memory_space<hbm>>)
    return
  }
}

</mosaic_0001>

<sc_bundles>
// kernel: kernel.3.cloned.1.call-start
scs
__scs_entry_jumppad:
0x0: {  	(pc) =	sbr.rel $0x88, $3  }
0x1: {  	(tag) =	ssettag $0x0;
	lr =	simm.s32 $0x1  }
0x2: {  	[smem:$0x3F9B] =	sst lr;
	_ =	strace $0xD0000000  }
0x3: {  	_ = 	snop  }
0x4: {  	_ = 	snop  }
0x5: {  	_ = 	snop  }
0x6: {  	_ = 	snop  }
0x7: {  	_ = 	snop  }
__scs_overlays_trampoline_lowered:
0x8: {  	[smem:$0x3FAA] =	sst s0  }
0x9: {  	[smem:$0x3FAB] =	sst s1  }
0xa: {  	[smem:$0x3FAC] =	sst s2  }
0xb: {  	[smem:$0x3FAD] =	sst s3  }
0xc: {  	[smem:$0x3FAE] =	sst s4  }
0xd: {  	[smem:$0x3FAF] =	sst s5  }
0xe: {  	[smem:$0x3FB0] =	sst s6  }
0xf: {  	[smem:$0x3FB1] =	sst s7  }
0x10: {  	[smem:$0x3FB2] =	sst s8  }
0x11: {  	[smem:$0x3FB3] =	sst s9;
	s0 =	simm.s32 @!p0 $0x0  }
0x12: {  	s1 =	sld [smem:$0x3F99];
	s0 =	simm.s32 @p0 $0x1  }
0x13: {  	[smem:$0x3FB4] =	sst s0;
	s0 =	simm.s32 @!p1 $0x0  }
0x14: {  	s2 =	sld [smem:$0x3F98];
	s0 =	simm.s32 @p1 $0x1  }
0x15: {  	[smem:$0x3FB5] =	sst s0;
	s0 =	simm.s32 @!p2 $0x0  }
0x16: {  	s3 =	sld [smem:$0x3FDB];
	s0 =	simm.s32 @p2 $0x1  }
0x17: {  	s4 =	simm.s32 $0x1BF5;
	[smem:$0x3FB7] =	sst s0  }
0x18: {  	s0 =	sld [smem:$0x3F9A];
	_ =	swait.ge [sflag:s4], $0x0  }
0x19: {  	s7 =	sld [smem:$0x3F9B]  }
0x1a: {  	s8 =	sadd.s32 $0xFFFFE003, lr  }
0x1b: {  	s9 =	sadd.s32 $0xFFFFFEF7, lr;
	s5 =	simm.s32 $0xFFFFFFFF;
	p2 =	slt.u32 s8, $0xFFFFF086  }
0x1c: {  	p1 =	slt.u32 s9, $0xF7A;
	s5 =	simm.s32 @!p2 $0x0  }
0x1d: {  	s5 =	simm.s32 @p1 $0x1;
	p0 =	seq.s32 s7, s2  }
0x1e: {  	s7 =	smul.u32 @!p0 $0xF7A, s2;
	p2 =	seq.s32 @!p0 s5, $0x0  }
0x1f: {  	s9 =	smul.u32 $0xF7A, s1;
	s8 =	simm.s32 @!p0 $0x1BF5;
	p2 =	por !p2, p0  }
0x20: {  	[sflag:s8] =	ssyncset.s32 @!p0 $0xFFFFF086;
	s6 =	sadd.s32 @!p0 s3, s7;
	s7 =	simm.s32 @!p0 $0x108  }
0x21: {  	s3 =	sadd.s32 s3, s9;
	s6 =	sadd.s32 @!p0 $0x88, s6;
	s7 =	simm.s32 @p2 $0x1082  }
0x22: {  	[simem:s7], [sflag:s8] =	dma.local @!p0 [hbm:s6], $0xF7A  }
0x23: {  	s9 =	sor.u32 $0xD0000000, s2;
	s6 =	simm.s32 $0x108;
	_ =	swait.ge @!p0 [sflag:s8], $0x0  }
0x24: {  	s3 =	sadd.s32 $0x88, s3;
	s6 =	simm.s32 @!p1 $0x1082;
	[sflag:s4] =	ssyncset.s32 $0xFFFFF086  }
0x25: {  	[simem:s6], [sflag:s4] =	dma.local [hbm:s3], $0xF7A  }
0x26: {  	[smem:$0x3F9B] =	sst s1;
	(tag) =	ssettag s2;
	_ =	strace s9  }
0x27: {  	s1 =	sld [smem:$0x3FAB]  }
0x28: {  	s2 =	sld [smem:$0x3FAC]  }
0x29: {  	s4 =	sld [smem:$0x3FAE]  }
0x2a: {  	p0 =	seq.s32 s5, $0x0;
	s5 =	sld [smem:$0x3FAF]  }
0x2b: {  	s6 =	sld [smem:$0x3FB0]  }
0x2c: {  	s7 =	sld [smem:$0x3FB1]  }
0x2d: {  	s3 =	simm.s32 $0x108;
	s8 =	sld [smem:$0x3FB2]  }
0x2e: {  	s3 =	simm.s32 @!p0 $0x1082;
	s9 =	sld [smem:$0x3FB3]  }
0x2f: {  	lr =	sadd.s32 s0, s3;
	s0 =	sld [smem:$0x3FAA]  }
0x30: {  	s3 =	sld [smem:$0x3FAD]  }
0x31: {  	[smem:$0x3FB6] =	sst s10  }
0x32: {  	s10 =	sld [smem:$0x3FB4];
	_ =	sdelay $0x3  }
0x33: {  	p0 =	seq.s32 s10, $0x1;
	s10 =	sld [smem:$0x3FB6];
	_ =	sdelay $0x3  }
0x34: {  	[smem:$0x3FB6] =	sst s10  }
0x35: {  	s10 =	sld [smem:$0x3FB5];
	_ =	sdelay $0x3  }
0x36: {  	p1 =	seq.s32 s10, $0x1;
	s10 =	sld [smem:$0x3FB6];
	_ =	sdelay $0x3  }
0x37: {  	[smem:$0x3FB6] =	sst s10  }
0x38: {  	s10 =	sld [smem:$0x3FB7]  }
0x39: {  	_ = 	snop;
	(pc) =	sbr.ind lr, $3  }
0x3a: {  	_ = 	snop  }
0x3b: {  	_ = 	snop  }
0x3c: {  	p2 =	seq.s32 s10, $0x1;
	s10 =	sld [smem:$0x3FB6]  }
0x3d: {  	_ =	shalt  }
0x3e: {  	_ =	shalt  }
0x3f: {  	_ =	shalt  }
0x40: {  	_ =	shalt  }
0x41: {  	_ =	shalt  }
0x42: {  	_ =	shalt  }
0x43: {  	_ =	shalt  }
0x44: {  	_ =	shalt  }
0x45: {  	_ =	shalt  }
0x46: {  	_ =	shalt  }
0x47: {  	_ =	shalt  }
0x48: {  	_ =	shalt  }
0x49: {  	_ =	shalt  }
0x4a: {  	_ =	shalt  }
0x4b: {  	_ =	shalt  }
0x4c: {  	_ =	shalt  }
0x4d: {  	_ =	shalt  }
0x4e: {  	_ =	shalt  }
0x4f: {  	_ =	shalt  }
0x50: {  	_ =	shalt  }
0x51: {  	_ =	shalt  }
0x52: {  	_ =	shalt  }
0x53: {  	_ =	shalt  }
0x54: {  	_ =	shalt  }
0x55: {  	_ =	shalt  }
0x56: {  	_ =	shalt  }
0x57: {  	_ =	shalt  }
0x58: {  	_ =	shalt  }
0x59: {  	_ =	shalt  }
0x5a: {  	_ =	shalt  }
0x5b: {  	_ =	shalt  }
0x5c: {  	_ =	shalt  }
0x5d: {  	_ =	shalt  }
0x5e: {  	_ =	shalt  }
0x5f: {  	_ =	shalt  }
0x60: {  	_ =	shalt  }
0x61: {  	_ =	shalt  }
0x62: {  	_ =	shalt  }
0x63: {  	_ =	shalt  }
0x64: {  	_ =	shalt  }
0x65: {  	_ =	shalt  }
0x66: {  	_ =	shalt  }
0x67: {  	_ =	shalt  }
0x68: {  	_ =	shalt  }
0x69: {  	_ =	shalt  }
0x6a: {  	_ =	shalt  }
0x6b: {  	_ =	shalt  }
0x6c: {  	_ =	shalt  }
0x6d: {  	_ =	shalt  }
0x6e: {  	_ =	shalt  }
0x6f: {  	_ =	shalt  }
0x70: {  	_ =	shalt  }
0x71: {  	_ =	shalt  }
0x72: {  	_ =	shalt  }
0x73: {  	_ =	shalt  }
0x74: {  	_ =	shalt  }
0x75: {  	_ =	shalt  }
0x76: {  	_ =	shalt  }
0x77: {  	_ =	shalt  }
0x78: {  	_ =	shalt  }
0x79: {  	_ =	shalt  }
0x7a: {  	_ =	shalt  }
0x7b: {  	_ =	shalt  }
0x7c: {  	_ =	shalt  }
0x7d: {  	_ =	shalt  }
0x7e: {  	_ =	shalt  }
0x7f: {  	_ =	shalt  }
0x80: {  	_ =	shalt  }
0x81: {  	_ =	shalt  }
0x82: {  	_ =	shalt  }
0x83: {  	_ =	shalt  }
0x84: {  	_ =	shalt  }
0x85: {  	_ =	shalt  }
0x86: {  	_ =	shalt  }
0x87: {  	_ =	shalt  }
.Lfunc_end0:
.L_simem_size_0:
called_computation.1_lowered:
.L_overlay_start_0:
0x88: {  	s2 =	sld [smem:$0x3FD9]  }
0x89: {  	s3 =	sld [smem:$0x3FFE];
	_ =	sdelay $0x1  }
0x8a: {  	s1 =	srdreg.scid  }
0x8b: {  	s0 =	sand.u32 $0x1, s1  }
0x8c: {  	s17 =	sshll.u32 s0, $0xA;
	s2 =	sadd.s32 s3, s2  }
0x8d: {  	s2 =	sadd.s32 s2, s17  }
0x8e: {  	[smem:$0x3FC2] =	sst s2  }
0x8f: {  	_ = 	snop  }
0x90: {  	s2 =	sld [smem:$0x3FC5]  }
0x91: {  	s18 =	sld [smem:$0x3FC4]  }
0x92: {  	s4 =	sld [smem:$0x3FD0];
	(tm) =	ssettm $0x1  }
0x93: {  	s5 =	sld [smem:$0x3FFB];
	_ =	sdelay $0x3  }
0x94: {  	_ =	strace s5  }
0x95: {  	s5 =	sld [smem:$0x3FFC];
	_ =	sdelay $0x3  }
0x96: {  	_ =	strace s5  }
0x97: {  	s5 =	sld [smem:$0x3FFD];
	_ =	sdelay $0x3  }
0x98: {  	_ =	strace s5  }
0x99: {  	_ =	strace $0x8FFFFFFF  }
0x9a: {  	s19 =	sld [smem:$0x3FDB];
	_ =	sdelay $0x1  }
0x9b: {  	s6 =	simm.s32 $_scs_section_size  }
0x9c: {  	s7 =	simm.s32 $_size__tile_overlayer_lowered;
	s8 =	simm.s32 $_tile_overlayer_lowered  }
0x9d: {  	s22 =	simm.s32 $0x1BFF;
	s21 =	sshll.u32 s8, $0x1;
	s5 =	sadd.s32 s6, s19  }
0x9e: {  	s9 =	simm.s32 $0x0;
	s20 =	sshll.u32 s7, $0x1;
	s7 =	sadd.s32 s21, s5  }
0x9f: {  	[timem:s9], [sflag:s22] =	dma.local [hbm:s7], s20  }
0xa0: {  	_ =	swait.ge [sflag:s22], s20  }
0xa1: {  	s6 =	ssub.s32 $0x0, s20;
	[sflag:s22] =	ssyncset.done $0x0  }
0xa2: {  	[sflag:s22] =	ssyncadd.s32 s6;
	_ =	sdelay $0x1  }
0xa3: {  	s23 =	simm.s32 $0x1B8B  }
0xa4: {  	_ =	swait.ge [sflag:s23], $0x1  }
0xa5: {  	[sflag:s23] =	ssyncset.done $0x0  }
0xa6: {  	s25 =	simm.s32 $0x1B8E;
	s24 =	sld [smem:$0x3FFE];
	[sflag:s23] =	ssyncadd.s32 $0xFFFFFFFF  }
0xa7: {  	s26 =	simm.s32 $execute0_lowered;
	[smem:$0x3FD2] =	sst s25  }
0xa8: {  	s7 =	sshll.u32 s26, $0x1;
	_ =	strace $0x80000046;
	[dreg:$0x1] =	wrdreg $0xFFFFFFFF  }
0xa9: {  	s28 =	simm.s32 $_size_execute0_lowered;
	s5 =	sadd.s32 s5, s7;
	[dreg:$0x0] =	wrdreg $0x0  }
0xaa: {  	s7 =	sshll.u32 s28, $0x1;
	[dreg:$0x2] =	wrdreg s5  }
0xab: {  	[dreg:$0x3] =	wrdreg s7  }
0xac: {  	[dreg:$0x4] =	wrdreg $0xC0  }
0xad: {  	_ =	task [dreg:s9], $0x5FFFF  }
0xae: {  	[dreg:$0x1] =	wrdreg $0xFFFFFFFF  }
0xaf: {  	[dreg:$0x0] =	wrdreg $0x60  }
0xb0: {  	[dreg:$0x2] =	wrdreg s24  }
0xb1: {  	[dreg:$0x3] =	wrdreg s4  }
0xb2: {  	[dreg:$0x4] =	wrdreg s2  }
0xb3: {  	[dreg:$0x5] =	wrdreg s18  }
0xb4: {  	[dreg:$0x6] =	wrdreg $0xC8000  }
0xb5: {  	[dreg:$0x7] =	wrdreg $0x9  }
0xb6: {  	_ =	task.clear_ibuf [dreg:s9], $0x8FFFF;
	_ =	strace $0x90000046  }
0xb7: {  	s29 =	simm.s32 $0x9;
	_ =	strace $0x80000048  }
0xb8: {  	_ =	swait.ge [sflag:s29], $0x1  }
0xb9: {  	[sflag:s29] =	ssyncadd.s32 $0xFFFFFFFF  }
0xba: {  	_ =	strace $0x90000048  }
0xbb: {  	_ =	sfence  }
0xbc: {  	s30 =	sld [smem:$0x0];
	_ =	sdelay $0x2  }
0xbd: {  	s31 =	sshll.u32 s1, $0xD;
	s1 =	sshrl.u32 s1, $0x2  }
0xbe: {  	s3 =	sand.u32 $0x4000, s31;
	s1 =	sadd.s32 s1, s30  }
0xbf: {  	s0 =	sor.u32 s3, s0;
	s1 =	sshll.u32 s1, $0x11  }
0xc0: {  	s0 =	sor.u32 s1, s0  }
0xc1: {  	s0 =	sadd.s32 $0x8F2B, s0  }
0xc2: {  	[sflag:s0] =	ssyncadd.remote.s32 $0x1  }
0xc3: {  	_ =	sfence.sel $0xFFFF  }
0xc4: {  	[dreg:$0x0] =	wrdreg $0xFFFFFFFF;
	(pc) =	sbr.abs _section_cstart, $3  }
0xc5: {  	[dreg:$0x1] =	wrdreg $0xFFFFFFFF  }
0xc6: {  	_ =	task.clear_ibuf [dreg:s9], $0x2FFFF;
	_ =	strace $0x9FFFFFFF  }
0xc7: {  	(tm) =	ssettm $0x7FFFFFFF  }
tec
execute0_lowered:
.L_overlay_start_1:
0x0: {  	(tag) =	ssettag $0x1  }
0x1: {  	s1 =	rddreg [dreg:$0x0]  }
0x2: {  	s0 =	rddreg [dreg:$0x1];
	s2 =	srdreg.scid  }
0x3: {  	s3 =	stileid.u32;
	s6 =	simm.s32 $0x0;
	s18 =	simm.s32 $0x7  }
0x4: {  	s22 =	simm.s32 $0x80;
	s28 =	simm.s32 $0x14838;
	s30 =	simm.s32 $0x2  }
0x5: {  	s19 =	simm.s32 $0x5;
	s29 =	simm.s32 $0x6;
	s2 =	sand.u32 $0x1, s2  }
0x6: {  	v0 =	vimm.s32 $0xFEDCBA98;
	v1 =	vimm.s32 $0x76543210;
	s4 =	sshll.u32 s3, $0x1;
	[smem:$0x7FF] =	sst s6;
	s23 =	sadd.s32 $0x32C00, s1  }
0x7: {  	v2 =	vimm.s32 $0xEFCDAB89;
	v3 =	vimm.s32 $0x67452301;
	s9 =	sadd.s32 $0x32E00, s1;
	p0 =	sne.s32 s3, $0x0;
	s7 =	sor.u32 s2, s4  }
0x8: {  	v4 =	vimm.s32 $0xDCFE98BA;
	v5 =	vimm.s32 $0x54761032;
	s3 =	simm.s32 $0x0;
	s4 =	rddreg [dreg:$0x4];
	s5 =	smul.u32 $0x6400, s7  }
0x9: {  	v6 =	vimm.s32 $0xBA98FEDC;
	v7 =	vimm.s32 $0x32107654;
	_ =	strace $0x80000047;
	[dreg:$0x6] =	wrdreg s23;
	s2 =	ssub.s32 $0x2, s2  }
0xa: {  	v0 =	vunpack.c.l.s4.s8 v0;
	v1 =	vunpack.c.l.s4.s8 v1;
	v2 =	vunpack.c.l.s4.s8 v2;
	s23 =	simm.s32 $0xC838;
	s24 =	sshrl.u32 s2, $0x1;
	s8 =	sshrl.u32 s5, $0x3  }
0xb: {  	v3 =	vunpack.c.l.s4.s8 v3;
	v4 =	vunpack.c.l.s4.s8 v4;
	v5 =	vunpack.c.l.s4.s8 v5;
	s20 =	sshrl.u32 @!p0 s4, $0x3;
	s10 =	sadd.s32 s8, s1;
	s8 =	smul.u32 $0x320000, s7  }
0xc: {  	v6 =	vunpack.c.l.s4.s8 v6;
	v7 =	vunpack.c.l.s4.s8 v7;
	v0 =	vunpack.c.0.s8.s32 v0;
	s7 =	smul.u32 $0x64000, s7;
	s1 =	ssub.s32 s2, s24;
	s24 =	simm.s32 $0x10838  }
0xd: {  	v2 =	vunpack.c.0.s8.s32 v2;
	v3 =	vunpack.c.0.s8.s32 v3;
	v4 =	vunpack.c.0.s8.s32 v4;
	s25 =	sadd.s32 $0xC00, s10;
	s10 =	sadd.s32 $0x19C00, s10;
	s16 =	smax.u32 s1, $0x1  }
0xe: {  	v5 =	vunpack.c.0.s8.s32 v5;
	v6 =	vunpack.c.0.s8.s32 v6;
	v7 =	vunpack.c.0.s8.s32 v7;
	[dreg:$0x7] =	wrdreg s25;
	s26 =	sshrl.u32 s8, $0x3;
	s12 =	sadd.s32 s9, s7  }
0xf: {  	vm0 =	vmmov $0xff;
	v1 =	vunpack.c.0.s8.s32 v1;
	v2 =	vcombine.low v3, v2;
	[dreg:$0x8] =	wrdreg s10;
	s2 =	sadd.s32 s9, s26;
	s7 =	sadd.s32 $0x800, s12  }
0x10: {  	v3 =	vcombine.low v5, v4;
	v0 =	vand.u32 $0xF, v0;
	v4 =	vcombine.low v7, v6;
	s1 =	simm.s32 $0x18838;
	[dreg:$0x9] =	wrdreg s7;
	s31 =	sadd.s32 $0x63000, s2  }
0x11: {  	v5 =	vimm.s32 $0x8;
	v0 =	vcombine.low v0, v1;
	v1 =	vand.u32 $0xF, v2;
	s25 =	simm.s32 $0x1;
	s2 =	sadd.s32 $0x63800, s2;
	[dreg:$0xa] =	wrdreg s31  }
0x12: {  	v2 =	vand.u32 $0xF, v3;
	v3 =	vand.u32 $0xF, v4;
	v4 =	vimm.s32 $0x0;
	s26 =	simm.s32 $0x3;
	[dreg:$0xb] =	wrdreg s2;
	s2 =	simm.s32 $0x4  }
.LBB2_1:
0x13: {  	s7 =	rddreg [dreg:$0x2];
	s10 =	simm.s32 $0x1C838  }
0x14: {  	[tilespmem:s10], [sflag:$0x7] =	stream.linear.gather [hbm4b:s7+s6], $0x80, $0x38;
	[tilespmem:$0x1C938] =	vst v63  }
0x15: {  	_ =	swait.ge [sflag:s18], $0x80  }
0x16: {  	[sflag:s18] =	ssyncset.done $0x0  }
0x17: {  	[sflag:s18] =	ssyncadd.s32 $0xFFFFFF80  }
0x18: {  	s15 =	simm.s32 $0x1C8B8;
	s14 =	rddreg [dreg:$0x3]  }
0x19: {  	[tilespmem:s15], [sflag:$0x7] =	stream.linear.gather [hbm4b:s14+s6], $0x80, $0x38;
	[tilespmem:$0x1C938] =	vst v63  }
0x1a: {  	_ =	swait.ge [sflag:s18], $0x80  }
0x1b: {  	[sflag:s18] =	ssyncset.done $0x0  }
0x1c: {  	s7 =	simm.s32 @!p0 $0x1C07;
	s10 =	rddreg [dreg:$0x6];
	[sflag:s18] =	ssyncadd.s32 $0xFFFFFF80  }
0x1d: {  	[spmem:s20], [sflag:s7] =	dma.local @!p0 [hbm:s10], $0x70  }
0x1e: {  	s7 =	simm.s32 @!p0 $0x7  }
0x1f: {  	_ =	swait.ge @!p0 [sflag:s7], $0x70  }
0x20: {  	[sflag:s7] =	ssyncset.done @!p0 $0x0  }
0x21: {  	s17 =	rddreg [dreg:$0x7];
	[sflag:s7] =	ssyncadd.s32 @!p0 $0xFFFFFF90  }
0x22: {  	[tilespmem:s6], [sflag:$0x7] =	stream.linear.gather [hbm4b:s17+s6], $0x6400, $0x38;
	[tilespmem:$0x1C938] =	vst v63  }
0x23: {  	_ =	swait.ge [sflag:s18], $0x6400  }
0x24: {  	[sflag:s18] =	ssyncset.done $0x0  }
0x25: {  	s31 =	simm.s32 $0x6400;
	s21 =	rddreg [dreg:$0x8];
	[sflag:s18] =	ssyncadd.s32 $0xFFFF9C00  }
0x26: {  	[tilespmem:s31], [sflag:$0x7] =	stream.linear.gather [hbm4b:s21+s6], $0x6400, $0x38;
	[tilespmem:$0x1C938] =	vst v63  }
0x27: {  	_ =	swait.ge [sflag:s18], $0x6400  }
0x28: {  	[sflag:s18] =	ssyncset.done $0x0  }
0x29: {  	[sflag:s18] =	ssyncadd.s32 $0xFFFF9C00  }
0x2a: {  	[bflag:$0x0] =	sbarrier.arrive $0xFFFF  }
0x2b: {  	v13 =	vld [tilespmem:$0x1C838]  }
0x2c: {  	v12 =	vld [tilespmem:$0x1C848]  }
0x2d: {  	v11 =	vld [tilespmem:$0x1C858]  }
0x2e: {  	v9 =	vld [tilespmem:$0x1C868]  }
0x2f: {  	v10 =	vld [tilespmem:$0x1C8B8]  }
0x30: {  	v8 =	vld [tilespmem:$0x1C8C8]  }
0x31: {  	v7 =	vld [tilespmem:$0x1C8D8]  }
0x32: {  	v6 =	vld [tilespmem:$0x1C8E8];
	[tilespmem:s23], [sflag:$0x1] =	stream.indirect.gather [hbm4b:s0+s22], $0x80, s6, s22, $0xb8  }
0x33: {  	_ = 	snop  }
0x34: {  	[tilespmem:s24], [sflag:$0x2] =	stream.indirect.gather [hbm4b:s0+s22], $0x80, s22, s22, $0xb8;
	[tilespmem:$0x1C938] =	vst v63  }
0x35: {  	_ =	swait.ge [sflag:s25], $0x4000  }
0x36: {  	[sflag:s25] =	ssyncset.done $0x0  }
0x37: {  	[sflag:s25] =	ssyncadd.s32 $0xFFFFC000  }
0x38: {  	[tilespmem:s23], [sflag:$0x3] =	stream.indirect.gather.add.f32 [spmem:s4], $0x80, s31, s22, $0xb8;
	[tilespmem:$0x1C938] =	vst v63  }
0x39: {  	_ =	swait.ge [sflag:s26], $0x4000  }
0x3a: {  	[sflag:s26] =	ssyncset.done $0x0  }
0x3b: {  	s7 =	simm.s32 $0x0;
	[sflag:s26] =	ssyncadd.s32 $0xFFFFC000  }
0x3c: {  	v23 =	vld [tilespmem:s7+$0xC838]  }
0x3d: {  	v26 =	vld [tilespmem:s7+$0xC848]  }
0x3e: {  	v27 =	vld [tilespmem:s7+$0xC858]  }
0x3f: {  	v28 =	vld [tilespmem:s7+$0xC868]  }
0x40: {  	v22 =	vld [tilespmem:s7+$0xC8B8]  }
0x41: {  	v21 =	vld [tilespmem:s7+$0xC8C8]  }
0x42: {  	v25 =	vld [tilespmem:s7+$0xC8D8]  }
0x43: {  	v33 =	vld [tilespmem:s7+$0xC8E8];
	_ =	sdelay $0x1  }
0x44: {  	v14 =	vadd.f32 v26, v23;
	v15 =	vmul.f32 v23, v23  }
0x45: {  	v16 =	vadd.f32 v28, v27;
	v17 =	vmul.f32 v26, v26;
	v18 =	vmul.f32 v27, v27  }
0x46: {  	v19 =	vadd.f32 v21, v22;
	v20 =	vmul.f32 v28, v28;
	v24 =	vmul.f32 v22, v22  }
0x47: {  	v29 =	vadd.f32 v33, v25;
	v30 =	vmul.f32 v21, v21;
	v31 =	vmul.f32 v25, v25  }
0x48: {  	v14 =	vadd.f32 v16, v14;
	v16 =	vmul.f32 v33, v33;
	v15 =	vadd.f32 v17, v15  }
0x49: {  	v17 =	vadd.f32 v20, v18;
	v18 =	vadd.f32 v30, v24  }
0x4a: {  	v19 =	vadd.f32 v29, v19;
	v16 =	vadd.f32 v16, v31  }
0x4b: {  	v15 =	vadd.f32 v17, v15  }
0x4c: {  	v17 =	vperm.xlane v14, v0;
	v16 =	vadd.f32 v16, v18;
	v18 =	vperm.xlane v19, v0  }
0x4d: {  	v20 =	vperm.xlane v15, v0  }
0x4e: {  	v14 =	vadd.f32 v17, v14;
	v24 =	vperm.xlane v16, v0;
	v17 =	vadd.f32 v18, v19;
	_ =	sdelay $0x1  }
0x4f: {  	v15 =	vadd.f32 v20, v15;
	v16 =	vadd.f32 v24, v16;
	v14 =	vsel vm0, v14, v17  }
0x50: {  	v17 =	vperm.xlane v14, v1  }
0x51: {  	v15 =	vsel vm0, v15, v16  }
0x52: {  	v16 =	vperm.xlane v15, v1;
	v14 =	vadd.f32 v17, v14;
	_ =	sdelay $0x1  }
0x53: {  	v15 =	vadd.f32 v16, v15;
	v16 =	vperm.xlane v14, v2;
	_ =	sdelay $0x1  }
0x54: {  	v17 =	vperm.xlane v15, v2;
	v14 =	vadd.f32 v16, v14  }
0x55: {  	s10 =	simm.s32 $0x100  }
0x56: {  	v18 =	vld [tilespmem:s10+$0xC838];
	v24 =	vadd.f32 v17, v15;
	v15 =	vperm.xlane v14, v3  }
0x57: {  	v19 =	vld [tilespmem:s10+$0xC848]  }
0x58: {  	v20 =	vld [tilespmem:s10+$0xC868];
	v14 =	vadd.f32 v15, v14;
	v29 =	vperm.xlane v24, v3  }
0x59: {  	v16 =	vld [tilespmem:s10+$0xC8B8]  }
0x5a: {  	v17 =	vld [tilespmem:s10+$0xC858];
	v29 =	vadd.f32 v29, v24;
	v30 =	vmul.f32 $1.562500000e-02, v14  }
0x5b: {  	v15 =	vld [tilespmem:s10+$0xC8C8]  }
0x5c: {  	v14 =	vld [tilespmem:s10+$0xC8D8];
	v29 =	vmul.f32 $1.562500000e-02, v29;
	v31 =	vmul.f32 v30, v30  }
0x5d: {  	v35 =	vmul.f32 v18, v18;
	v36 =	vmul.f32 v19, v19;
	v24 =	vld [tilespmem:s10+$0xC8E8]  }
0x5e: {  	v32 =	vadd.f32 v19, v18;
	v29 =	vsub.f32 v29, v31  }
0x5f: {  	v39 =	vmul.f32 v20, v20;
	v35 =	vadd.f32 v36, v35;
	v37 =	vmul.f32 v17, v17  }
0x60: {  	v40 =	vmul.f32 v16, v16;
	v34 =	vadd.f32 v15, v16;
	v29 =	vadd.f32 $9.999999960e-13, v29  }
0x61: {  	v42 =	vmul.f32 v15, v15;
	v62 =	vadd.f32 v39, v37;
	v43 =	vmul.f32 v14, v14  }
0x62: {  	v44 =	vmul.f32 v24, v24;
	v41 =	vmul.f32 $5.000000000e-01, v29;
	v29 =	vshra.s32 v29, $0x1  }
0x63: {  	v31 =	vadd.f32 v20, v17;
	v38 =	vadd.f32 v24, v14;
	v29 =	vsub.s32 $0x5F3759DF, v29  }
0x64: {  	v63 =	vadd.f32 v42, v40;
	v42 =	vadd.f32 v44, v43;
	v45 =	vmul.f32 v29, v41  }
0x65: {  	v35 =	vadd.f32 v62, v35;
	v34 =	vadd.f32 v38, v34  }
0x66: {  	v31 =	vadd.f32 v31, v32;
	v44 =	vadd.f32 v42, v63;
	v43 =	vmul.f32 v29, v45  }
0x67: {  	v46 =	vperm.xlane v35, v0;
	v38 =	vperm.xlane v34, v0  }
0x68: {  	v47 =	vperm.xlane v44, v0;
	v45 =	vperm.xlane v31, v0;
	v32 =	vsub.f32 $1.500000000e+00, v43  }
0x69: {  	v49 =	vadd.f32 v46, v35;
	v48 =	vadd.f32 v38, v34  }
0x6a: {  	v50 =	vadd.f32 v47, v44;
	v31 =	vadd.f32 v45, v31;
	v29 =	vmul.f32 v29, v32;
	_ =	sdelay $0x1  }
0x6b: {  	v34 =	vsel vm0, v49, v50;
	v31 =	vsel vm0, v31, v48;
	v51 =	vmul.f32 v29, v41  }
0x6c: {  	v53 =	vperm.xlane v34, v1;
	v32 =	vperm.xlane v31, v1  }
0x6d: {  	v52 =	vmul.f32 v51, v29  }
0x6e: {  	v54 =	vperm.xlane v30, v4;
	v34 =	vadd.f32 v53, v34;
	v31 =	vadd.f32 v32, v31  }
0x6f: {  	v58 =	vperm.xlane v30, v5;
	v35 =	vsub.f32 $1.500000000e+00, v52  }
0x70: {  	v56 =	vsub.f32 v23, v54;
	v57 =	vperm.xlane v34, v2;
	v55 =	vperm.xlane v31, v2  }
0x71: {  	v30 =	vsub.f32 v27, v54;
	v33 =	vsub.f32 v33, v58;
	v23 =	vmul.f32 v35, v29  }
0x72: {  	s11 =	simm.s32 $0x200;
	v34 =	vadd.f32 v57, v34;
	v36 =	vadd.f32 v55, v31  }
0x73: {  	v27 =	vld [tilespmem:s11+$0xC858];
	v49 =	vsub.f32 v22, v58;
	v59 =	vperm.xlane v23, v5;
	v60 =	vperm.xlane v23, v4  }
0x74: {  	v22 =	vld [tilespmem:s11+$0xC8C8];
	v32 =	vsub.f32 v26, v54;
	v63 =	vperm.xlane v34, v3;
	v23 =	vperm.xlane v36, v3  }
0x75: {  	v26 =	vsub.f32 v28, v54;
	v28 =	vld [tilespmem:s11+$0xC868];
	v61 =	vmul.f32 v59, v9;
	v62 =	vmul.f32 v60, v13  }
0x76: {  	v31 =	vld [tilespmem:s11+$0xC848];
	v48 =	vmul.f32 v59, v13;
	v36 =	vadd.f32 v23, v36;
	v43 =	vmul.f32 v60, v12  }
0x77: {  	v46 =	vadd.f32 v63, v34;
	v23 =	vld [tilespmem:s11+$0xC8B8];
	v41 =	vmul.f32 v59, v12;
	v37 =	vmul.f32 v60, v11  }
0x78: {  	v29 =	vld [tilespmem:s11+$0xC838];
	v35 =	vmul.f32 v61, v33;
	v33 =	vmul.f32 $1.562500000e-02, v36  }
0x79: {  	v42 =	vsub.f32 v21, v58;
	v21 =	vld [tilespmem:s11+$0xC8D8];
	v34 =	vmul.f32 v59, v11;
	v46 =	vmul.f32 $1.562500000e-02, v46  }
0x7a: {  	v47 =	vadd.f32 v35, v6;
	v50 =	vmul.f32 v33, v33;
	v35 =	vsub.f32 v25, v58;
	v25 =	vld [tilespmem:s11+$0xC8E8]  }
0x7b: {  	v36 =	vmul.f32 v60, v9;
	v38 =	vmul.f32 v62, v56  }
0x7c: {  	v39 =	vmul.f32 v48, v49;
	v45 =	vadd.f32 v22, v23;
	v44 =	vsub.f32 v46, v50  }
0x7d: {  	s13 =	simm.s32 $0xC00;
	v40 =	vperm.xlane v33, v4;
	v46 =	vadd.f32 v31, v29;
	[tilespmem:s7+$0x148E8] =	vst v47;
	v47 =	vadd.f32 v28, v27  }
.LBB2_2:
0x7e: {  	p1 =	sne.s32 s13, $0xFC00;
	v48 =	vmul.f32 v29, v29;
	v49 =	vmul.f32 v31, v31;
	v44 =	vadd.f32 $9.999999960e-13, v44  }
0x7f: {  	v51 =	vmul.f32 v27, v27;
	v52 =	vmul.f32 v28, v28;
	v50 =	vadd.f32 v25, v21  }
0x80: {  	v53 =	vmul.f32 v23, v23;
	v54 =	vmul.f32 $5.000000000e-01, v44;
	v44 =	vshra.s32 v44, $0x1  }
0x81: {  	v55 =	vmul.f32 v22, v22;
	v56 =	vmul.f32 v21, v21;
	v44 =	vsub.s32 $0x5F3759DF, v44  }
0x82: {  	v46 =	vadd.f32 v47, v46;
	v47 =	vmul.f32 v25, v25;
	v57 =	vmul.f32 v44, v54  }
0x83: {  	v43 =	vmul.f32 v43, v32;
	v48 =	vadd.f32 v49, v48;
	v49 =	vadd.f32 v52, v51  }
0x84: {  	v32 =	vadd.f32 v55, v53;
	v47 =	vadd.f32 v47, v56;
	v51 =	vmul.f32 v44, v57  }
0x85: {  	v41 =	vmul.f32 v41, v42;
	v45 =	vadd.f32 v50, v45;
	v48 =	vadd.f32 v49, v48  }
0x86: {  	v42 =	vadd.f32 v47, v32;
	v47 =	vperm.xlane v46, v0;
	v32 =	vsub.f32 $1.500000000e+00, v51  }
0x87: {  	v49 =	vperm.xlane v45, v0;
	v50 =	vperm.xlane v48, v0;
	v51 =	vsub.f32 v18, v40;
	v18 =	vmovc v29  }
0x88: {  	v29 =	vperm.xlane v42, v0;
	v44 =	vmul.f32 v44, v32;
	v32 =	vsub.f32 v19, v40;
	v19 =	vmovc v31  }
0x89: {  	v37 =	vmul.f32 v37, v30;
	v45 =	vadd.f32 v49, v45;
	v31 =	vadd.f32 v47, v46  }
0x8a: {  	v46 =	vadd.f32 v50, v48;
	v29 =	vadd.f32 v29, v42;
	v42 =	vmul.f32 v44, v54  }
0x8b: {  	v30 =	vsub.f32 v17, v40;
	v17 =	vmovc v27;
	v40 =	vsub.f32 v20, v40;
	v31 =	vsel vm0, v31, v45  }
0x8c: {  	v20 =	vmovc v28;
	v27 =	vsel vm0, v46, v29;
	v29 =	vperm.xlane v31, v1;
	v42 =	vmul.f32 v42, v44  }
0x8d: {  	v38 =	vadd.f32 v38, v10;
	v34 =	vmul.f32 v34, v35;
	v28 =	vperm.xlane v27, v1  }
0x8e: {  	v36 =	vmul.f32 v36, v26;
	v26 =	vmovc v40;
	v29 =	vadd.f32 v29, v31;
	v31 =	vsub.f32 $1.500000000e+00, v42  }
0x8f: {  	v27 =	vadd.f32 v28, v27;
	v28 =	vadd.f32 v39, v10;
	[tilespmem:s7+$0x14838] =	vst v38  }
0x90: {  	v35 =	vperm.xlane v29, v2;
	v38 =	vadd.f32 v43, v8;
	v31 =	vmul.f32 v31, v44  }
0x91: {  	v37 =	vadd.f32 v37, v7;
	v39 =	vperm.xlane v27, v2;
	[tilespmem:s7+$0x148B8] =	vst v28;
	v28 =	vadd.f32 v41, v8  }
0x92: {  	s14 =	sshra.s32 s13, $0x2;
	v40 =	vperm.xlane v33, v5;
	v35 =	vadd.f32 v35, v29;
	v44 =	vperm.xlane v31, v5;
	[tilespmem:s7+$0x14848] =	vst v38  }
0x93: {  	v33 =	vadd.f32 v39, v27;
	v38 =	vperm.xlane v31, v4;
	v29 =	vld [tilespmem:s14+$0xC838];
	[tilespmem:s7+$0x148C8] =	vst v28;
	v28 =	vadd.f32 v34, v7  }
0x94: {  	v24 =	vsub.f32 v24, v40;
	v34 =	vperm.xlane v35, v3;
	v31 =	vld [tilespmem:s14+$0xC848];
	v39 =	vmul.f32 v44, v9;
	[tilespmem:s7+$0x14858] =	vst v37  }
0x95: {  	v48 =	vsub.f32 v16, v40;
	v45 =	vmul.f32 v38, v13;
	v49 =	vmul.f32 v44, v13;
	v27 =	vld [tilespmem:s14+$0xC858];
	[tilespmem:s7+$0x148D8] =	vst v28  }
0x96: {  	v16 =	vmovc v23;
	v34 =	vadd.f32 v34, v35;
	v35 =	vperm.xlane v33, v3;
	v28 =	vld [tilespmem:s14+$0xC868];
	v37 =	vmul.f32 v39, v24  }
0x97: {  	v42 =	vsub.f32 v15, v40;
	v15 =	vmovc v22;
	v43 =	vmul.f32 v38, v12;
	v41 =	vmul.f32 v44, v12;
	v23 =	vld [tilespmem:s14+$0xC8B8]  }
0x98: {  	v24 =	vmovc v25;
	v39 =	vadd.f32 v35, v33;
	v33 =	vmul.f32 $1.562500000e-02, v34;
	v22 =	vld [tilespmem:s14+$0xC8C8];
	v46 =	vadd.f32 v37, v6  }
.Ltmp0:
0x99: {  	v35 =	vsub.f32 v14, v40;
	v34 =	vmul.f32 v44, v11;
	v14 =	vmovc v21;
	v37 =	vmul.f32 v38, v11;
	v21 =	vld [tilespmem:s14+$0xC8D8];
	(pc) =	sbr.rel @p1 .LBB2_2-.Ltmp0, $4  }
0x9a: {  	v47 =	vadd.f32 v36, v6;
	v39 =	vmul.f32 $1.562500000e-02, v39;
	v44 =	vmul.f32 v33, v33;
	v25 =	vld [tilespmem:s14+$0xC8E8];
	[tilespmem:s10+$0x148E8] =	vst v46  }
0x9b: {  	v36 =	vmul.f32 v38, v9;
	v40 =	vperm.xlane v33, v4  }
0x9c: {  	v38 =	vmul.f32 v45, v51;
	v46 =	vadd.f32 v31, v29;
	v44 =	vsub.f32 v39, v44;
	[tilespmem:s7+$0x14868] =	vst v47;
	s7 =	smov.u32 s10;
	s10 =	smov.u32 s11;
	s11 =	smov.u32 s14  }
0x9d: {  	s13 =	sadd.s32 $0x400, s13;
	v39 =	vmul.f32 v49, v48;
	v47 =	vadd.f32 v28, v27;
	v45 =	vadd.f32 v22, v23  }
0x9e: {  	v48 =	vmul.f32 v29, v29  }
0x9f: {  	v49 =	vmul.f32 v31, v31;
	v50 =	vmul.f32 v27, v27  }
0xa0: {  	v51 =	vmul.f32 v28, v28;
	v52 =	vmul.f32 v23, v23  }
0xa1: {  	v54 =	vmul.f32 v22, v22;
	v55 =	vmul.f32 v21, v21;
	v53 =	vadd.f32 v25, v21  }
0xa2: {  	v46 =	vadd.f32 v47, v46;
	v59 =	vmul.f32 v25, v25;
	v48 =	vadd.f32 v49, v48  }
0xa3: {  	v60 =	vadd.f32 v51, v50;
	v61 =	vadd.f32 v54, v52  }
0xa4: {  	v47 =	vadd.f32 v59, v55;
	v45 =	vadd.f32 v53, v45  }
0xa5: {  	v62 =	vperm.xlane v46, v0  }
0xa6: {  	v48 =	vadd.f32 v60, v48;
	v47 =	vadd.f32 v47, v61;
	v63 =	vperm.xlane v45, v0  }
0xa7: {  	v46 =	vadd.f32 v62, v46  }
0xa8: {  	v56 =	vperm.xlane v48, v0;
	v57 =	vperm.xlane v47, v0;
	v45 =	vadd.f32 v63, v45;
	_ =	sdelay $0x1  }
0xa9: {  	v48 =	vadd.f32 v56, v48;
	v47 =	vadd.f32 v57, v47;
	v45 =	vsel vm0, v46, v45  }
0xaa: {  	v46 =	vperm.xlane v45, v1  }
0xab: {  	v47 =	vsel vm0, v48, v47  }
0xac: {  	v48 =	vperm.xlane v47, v1;
	v45 =	vadd.f32 v46, v45;
	_ =	sdelay $0x1  }
0xad: {  	v58 =	vadd.f32 v48, v47;
	v59 =	vperm.xlane v45, v2  }
0xae: {  	v44 =	vadd.f32 $9.999999960e-13, v44  }
0xaf: {  	v48 =	vperm.xlane v58, v2;
	v45 =	vadd.f32 v59, v45  }
0xb0: {  	v60 =	vmul.f32 $5.000000000e-01, v44;
	v44 =	vshra.s32 v44, $0x1  }
0xb1: {  	v44 =	vsub.s32 $0x5F3759DF, v44;
	v46 =	vadd.f32 v48, v58;
	v61 =	vperm.xlane v45, v3  }
0xb2: {  	v62 =	vmul.f32 v44, v60  }
0xb3: {  	v45 =	vadd.f32 v61, v45;
	v63 =	vperm.xlane v46, v3  }
0xb4: {  	v49 =	vmul.f32 v44, v62  }
0xb5: {  	v46 =	vadd.f32 v63, v46;
	v45 =	vmul.f32 $1.562500000e-02, v45  }
0xb6: {  	v52 =	vsub.f32 $1.500000000e+00, v49  }
0xb7: {  	v46 =	vmul.f32 $1.562500000e-02, v46;
	v53 =	vmul.f32 v45, v45  }
0xb8: {  	v44 =	vmul.f32 v44, v52  }
0xb9: {  	v46 =	vsub.f32 v46, v53  }
0xba: {  	v47 =	vmul.f32 v44, v60  }
0xbb: {  	v32 =	vmul.f32 v43, v32;
	v41 =	vmul.f32 v41, v42;
	v54 =	vadd.f32 $9.999999960e-13, v46  }
0xbc: {  	v18 =	vsub.f32 v18, v40;
	v19 =	vsub.f32 v19, v40;
	v55 =	vmul.f32 v47, v44  }
0xbd: {  	v30 =	vmul.f32 v37, v30;
	v46 =	vmul.f32 $5.000000000e-01, v54;
	v43 =	vshra.s32 v54, $0x1  }
0xbe: {  	v17 =	vsub.f32 v17, v40;
	v56 =	vsub.f32 $1.500000000e+00, v55;
	v57 =	vsub.s32 $0x5F3759DF, v43  }
0xbf: {  	v20 =	vsub.f32 v20, v40;
	v34 =	vmul.f32 v34, v35;
	v58 =	vmul.f32 v57, v46  }
0xc0: {  	v38 =	vadd.f32 v38, v10;
	v33 =	vperm.xlane v33, v5;
	v59 =	vmul.f32 v56, v44  }
0xc1: {  	v32 =	vadd.f32 v32, v8;
	v30 =	vadd.f32 v30, v7;
	v61 =	vmul.f32 v57, v58  }
0xc2: {  	v24 =	vsub.f32 v24, v33;
	v62 =	vperm.xlane v59, v5;
	v35 =	vperm.xlane v59, v4  }
0xc3: {  	v26 =	vmul.f32 v36, v26;
	v34 =	vadd.f32 v34, v7;
	v37 =	vsub.f32 $1.500000000e+00, v61  }
0xc4: {  	v16 =	vsub.f32 v16, v33;
	v48 =	vmul.f32 v62, v9;
	v49 =	vmul.f32 v35, v13  }
0xc5: {  	v15 =	vsub.f32 v15, v33;
	v50 =	vmul.f32 v62, v13;
	v37 =	vmul.f32 v57, v37  }
0xc6: {  	v14 =	vsub.f32 v14, v33;
	v51 =	vmul.f32 v35, v12;
	v55 =	vmul.f32 v62, v11  }
0xc7: {  	v26 =	vadd.f32 v26, v6;
	v24 =	vmul.f32 v48, v24;
	v52 =	vmul.f32 v37, v46  }
0xc8: {  	[tilespmem:s7+$0x14838] =	vst v38;
	v60 =	vadd.f32 v39, v10;
	v53 =	vmul.f32 v62, v12;
	v18 =	vmul.f32 v49, v18  }
0xc9: {  	[tilespmem:s7+$0x14848] =	vst v32;
	v63 =	vadd.f32 v41, v8;
	v16 =	vmul.f32 v50, v16;
	v56 =	vmul.f32 v52, v37  }
0xca: {  	[tilespmem:s7+$0x14858] =	vst v30;
	v19 =	vmul.f32 v51, v19;
	v14 =	vmul.f32 v55, v14;
	v24 =	vadd.f32 v24, v6  }
0xcb: {  	[tilespmem:s7+$0x148D8] =	vst v34;
	v18 =	vadd.f32 v18, v10;
	v57 =	vperm.xlane v45, v4;
	v58 =	vsub.f32 $1.500000000e+00, v56  }
0xcc: {  	[tilespmem:s7+$0x148B8] =	vst v60;
	v15 =	vmul.f32 v53, v15;
	v16 =	vadd.f32 v16, v10;
	v19 =	vadd.f32 v19, v8  }
0xcd: {  	[tilespmem:s7+$0x148C8] =	vst v63;
	v54 =	vmul.f32 v35, v11;
	v30 =	vsub.f32 v31, v57;
	v31 =	vmul.f32 v58, v37  }
0xce: {  	v14 =	vadd.f32 v14, v7;
	v35 =	vmul.f32 v35, v9;
	[tilespmem:s10+$0x148E8] =	vst v24;
	v24 =	vperm.xlane v45, v5  }
0xcf: {  	v15 =	vadd.f32 v15, v8;
	[tilespmem:s7+$0x14868] =	vst v26;
	v17 =	vmul.f32 v54, v17;
	v32 =	vperm.xlane v31, v5  }
0xd0: {  	v25 =	vsub.f32 v25, v24;
	v20 =	vmul.f32 v35, v20;
	[tilespmem:s10+$0x14848] =	vst v19;
	v19 =	vsub.f32 v23, v24  }
0xd1: {  	[tilespmem:s10+$0x14838] =	vst v18;
	v22 =	vsub.f32 v22, v24;
	v18 =	vperm.xlane v31, v4;
	v26 =	vmul.f32 v32, v9  }
0xd2: {  	[tilespmem:s10+$0x148B8] =	vst v16;
	v16 =	vadd.f32 v17, v7;
	v20 =	vadd.f32 v20, v6  }
0xd3: {  	[tilespmem:s10+$0x148C8] =	vst v15;
	v29 =	vsub.f32 v29, v57;
	v17 =	vmul.f32 v18, v13;
	v23 =	vmul.f32 v26, v25  }
0xd4: {  	[tilespmem:s10+$0x14858] =	vst v16;
	v27 =	vsub.f32 v27, v57;
	v15 =	vmul.f32 v32, v13;
	v16 =	vmul.f32 v32, v12  }
0xd5: {  	[tilespmem:s10+$0x148D8] =	vst v14;
	v14 =	vmul.f32 v18, v11;
	v17 =	vmul.f32 v17, v29;
	v23 =	vadd.f32 v23, v6  }
0xd6: {  	v28 =	vsub.f32 v28, v57;
	v25 =	vmul.f32 v18, v12;
	v15 =	vmul.f32 v15, v19  }
0xd7: {  	v19 =	vsub.f32 v21, v24;
	v14 =	vmul.f32 v14, v27;
	v17 =	vadd.f32 v17, v10;
	[tilespmem:s11+$0x148E8] =	vst v23  }
0xd8: {  	v16 =	vmul.f32 v16, v22;
	v15 =	vadd.f32 v15, v10;
	v23 =	vmul.f32 v32, v11;
	[tilespmem:s10+$0x14868] =	vst v20  }
0xd9: {  	v18 =	vmul.f32 v18, v9;
	v21 =	vmul.f32 v25, v30;
	v14 =	vadd.f32 v14, v7;
	[tilespmem:s11+$0x14838] =	vst v17  }
0xda: {  	v19 =	vmul.f32 v23, v19;
	[tilespmem:s11+$0x148B8] =	vst v15;
	v15 =	vadd.f32 v16, v8  }
0xdb: {  	v17 =	vadd.f32 v21, v8;
	v16 =	vmul.f32 v18, v28;
	[tilespmem:s11+$0x14858] =	vst v14  }
0xdc: {  	[tilespmem:s11+$0x148C8] =	vst v15;
	v15 =	vadd.f32 v19, v7  }
0xdd: {  	[tilespmem:s11+$0x14848] =	vst v17;
	v14 =	vadd.f32 v16, v6  }
0xde: {  	[tilespmem:s11+$0x148D8] =	vst v15  }
0xdf: {  	s17 =	simm.s32 $0x0;
	[tilespmem:s11+$0x14868] =	vst v14  }
0xe0: {  	[hbm4b:s12+s17] =	stream.linear.scatter [tilespmem:s28], [sflag:$0x5], $0x4000, $0x38;
	[tilespmem:$0x1C938] =	vst v63  }
0xe1: {  	s21 =	simm.s32 $0x100  }
0xe2: {  	[tilespmem:s23], [sflag:$0x1] =	stream.indirect.gather [hbm4b:s0+s22], $0x80, s21, s22, $0xb8;
	[tilespmem:$0x1C938] =	vst v63  }
0xe3: {  	_ =	swait.ge [sflag:s30], $0x4000  }
0xe4: {  	[sflag:s30] =	ssyncset.done $0x0  }
0xe5: {  	s31 =	simm.s32 $0x6480;
	[sflag:s30] =	ssyncadd.s32 $0xFFFFC000  }
0xe6: {  	[tilespmem:s24], [sflag:$0x4] =	stream.indirect.gather.add.f32 [spmem:s4], $0x80, s31, s22, $0xb8;
	[tilespmem:$0x1C938] =	vst v63  }
0xe7: {  	_ =	swait.ge [sflag:s2], $0x4000  }
0xe8: {  	[sflag:s2] =	ssyncset.done $0x0  }
0xe9: {  	s7 =	simm.s32 $0x0;
	[sflag:s2] =	ssyncadd.s32 $0xFFFFC000  }
0xea: {  	v23 =	vld [tilespmem:s7+$0x10838]  }
0xeb: {  	v26 =	vld [tilespmem:s7+$0x10848]  }
0xec: {  	v27 =	vld [tilespmem:s7+$0x10858]  }
0xed: {  	v28 =	vld [tilespmem:s7+$0x10868]  }
0xee: {  	v22 =	vld [tilespmem:s7+$0x108B8]  }
0xef: {  	v21 =	vld [tilespmem:s7+$0x108C8]  }
0xf0: {  	v25 =	vld [tilespmem:s7+$0x108D8]  }
0xf1: {  	v33 =	vld [tilespmem:s7+$0x108E8];
	_ =	sdelay $0x1  }
0xf2: {  	v14 =	vadd.f32 v26, v23;
	v15 =	vmul.f32 v23, v23  }
0xf3: {  	v16 =	vadd.f32 v28, v27;
	v17 =	vmul.f32 v26, v26;
	v18 =	vmul.f32 v27, v27  }
0xf4: {  	v19 =	vadd.f32 v21, v22;
	v20 =	vmul.f32 v28, v28;
	v24 =	vmul.f32 v22, v22  }
0xf5: {  	v29 =	vadd.f32 v33, v25;
	v30 =	vmul.f32 v21, v21;
	v31 =	vmul.f32 v25, v25  }
0xf6: {  	v14 =	vadd.f32 v16, v14;
	v16 =	vmul.f32 v33, v33;
	v15 =	vadd.f32 v17, v15  }
0xf7: {  	v17 =	vadd.f32 v20, v18;
	v18 =	vadd.f32 v30, v24  }
0xf8: {  	v19 =	vadd.f32 v29, v19;
	v16 =	vadd.f32 v16, v31  }
0xf9: {  	v15 =	vadd.f32 v17, v15  }
0xfa: {  	v17 =	vperm.xlane v14, v0;
	v16 =	vadd.f32 v16, v18;
	v18 =	vperm.xlane v19, v0  }
0xfb: {  	v20 =	vperm.xlane v15, v0  }
0xfc: {  	v14 =	vadd.f32 v17, v14;
	v24 =	vperm.xlane v16, v0;
	v17 =	vadd.f32 v18, v19;
	_ =	sdelay $0x1  }
0xfd: {  	v15 =	vadd.f32 v20, v15;
	v16 =	vadd.f32 v24, v16;
	v14 =	vsel vm0, v14, v17  }
0xfe: {  	v17 =	vperm.xlane v14, v1  }
0xff: {  	v15 =	vsel vm0, v15, v16  }
0x100: {  	v16 =	vperm.xlane v15, v1;
	v14 =	vadd.f32 v17, v14;
	_ =	sdelay $0x1  }
0x101: {  	v15 =	vadd.f32 v16, v15;
	v16 =	vperm.xlane v14, v2;
	_ =	sdelay $0x1  }
0x102: {  	v17 =	vperm.xlane v15, v2;
	v14 =	vadd.f32 v16, v14;
	_ =	sdelay $0x1  }
0x103: {  	s10 =	simm.s32 $0x100;
	v24 =	vadd.f32 v17, v15;
	v15 =	vperm.xlane v14, v3  }
0x104: {  	v18 =	vld [tilespmem:s10+$0x10838]  }
0x105: {  	v19 =	vld [tilespmem:s10+$0x10848];
	v14 =	vadd.f32 v15, v14;
	v29 =	vperm.xlane v24, v3  }
0x106: {  	v20 =	vld [tilespmem:s10+$0x10868]  }
0x107: {  	v16 =	vld [tilespmem:s10+$0x108B8];
	v29 =	vadd.f32 v29, v24;
	v30 =	vmul.f32 $1.562500000e-02, v14  }
0x108: {  	v17 =	vld [tilespmem:s10+$0x10858]  }
0x109: {  	v15 =	vld [tilespmem:s10+$0x108C8];
	v29 =	vmul.f32 $1.562500000e-02, v29;
	v31 =	vmul.f32 v30, v30  }
0x10a: {  	v14 =	vld [tilespmem:s10+$0x108D8]  }
0x10b: {  	v61 =	vmul.f32 v18, v18;
	v62 =	vmul.f32 v19, v19;
	v24 =	vld [tilespmem:s10+$0x108E8];
	v29 =	vsub.f32 v29, v31  }
0x10c: {  	v59 =	vadd.f32 v19, v18;
	v49 =	vmul.f32 v20, v20  }
0x10d: {  	v35 =	vadd.f32 v62, v61;
	v63 =	vmul.f32 v17, v17;
	v29 =	vadd.f32 $9.999999960e-13, v29  }
0x10e: {  	v50 =	vmul.f32 v16, v16;
	v60 =	vadd.f32 v15, v16;
	v52 =	vmul.f32 v15, v15  }
0x10f: {  	v56 =	vadd.f32 v49, v63;
	v51 =	vmul.f32 $5.000000000e-01, v29;
	v29 =	vshra.s32 v29, $0x1  }
0x110: {  	v53 =	vmul.f32 v14, v14;
	v54 =	vmul.f32 v24, v24;
	v29 =	vsub.s32 $0x5F3759DF, v29  }
0x111: {  	v31 =	vadd.f32 v20, v17;
	v48 =	vadd.f32 v24, v14;
	v55 =	vmul.f32 v29, v51  }
0x112: {  	v57 =	vadd.f32 v52, v50;
	v58 =	vadd.f32 v54, v53  }
0x113: {  	v31 =	vadd.f32 v31, v59;
	v34 =	vadd.f32 v48, v60;
	v59 =	vmul.f32 v29, v55  }
0x114: {  	v35 =	vadd.f32 v56, v35;
	v60 =	vadd.f32 v58, v57  }
0x115: {  	v61 =	vperm.xlane v31, v0;
	v38 =	vperm.xlane v34, v0;
	v32 =	vsub.f32 $1.500000000e+00, v59  }
0x116: {  	v62 =	vperm.xlane v35, v0;
	v63 =	vperm.xlane v60, v0  }
0x117: {  	v31 =	vadd.f32 v61, v31;
	v44 =	vadd.f32 v38, v34;
	v29 =	vmul.f32 v29, v32  }
0x118: {  	v45 =	vadd.f32 v62, v35;
	v46 =	vadd.f32 v63, v60  }
0x119: {  	v31 =	vsel vm0, v31, v44;
	v47 =	vmul.f32 v29, v51  }
0x11a: {  	v34 =	vsel vm0, v45, v46;
	v32 =	vperm.xlane v31, v1  }
0x11b: {  	v49 =	vperm.xlane v34, v1;
	v48 =	vmul.f32 v47, v29  }
0x11c: {  	v31 =	vadd.f32 v32, v31  }
0x11d: {  	v50 =	vperm.xlane v30, v4;
	v34 =	vadd.f32 v49, v34;
	v35 =	vsub.f32 $1.500000000e+00, v48  }
0x11e: {  	v51 =	vperm.xlane v31, v2  }
0x11f: {  	v38 =	vsub.f32 v23, v50;
	v52 =	vperm.xlane v34, v2;
	v23 =	vmul.f32 v35, v29  }
0x120: {  	s11 =	simm.s32 $0x200;
	v39 =	vperm.xlane v30, v5;
	v30 =	vsub.f32 v27, v50;
	v36 =	vadd.f32 v51, v31  }
0x121: {  	v27 =	vld [tilespmem:s11+$0x10858];
	v32 =	vsub.f32 v26, v50;
	v34 =	vadd.f32 v52, v34;
	v53 =	vperm.xlane v23, v5  }
0x122: {  	v26 =	vsub.f32 v28, v50;
	v28 =	vld [tilespmem:s11+$0x10868];
	v54 =	vperm.xlane v23, v4;
	v23 =	vperm.xlane v36, v3  }
0x123: {  	v33 =	vsub.f32 v33, v39;
	v59 =	vsub.f32 v22, v39;
	v31 =	vld [tilespmem:s11+$0x10848];
	v58 =	vperm.xlane v34, v3  }
0x124: {  	v29 =	vld [tilespmem:s11+$0x10838];
	v55 =	vmul.f32 v53, v9;
	v56 =	vmul.f32 v54, v13;
	v36 =	vadd.f32 v23, v36  }
0x125: {  	v22 =	vld [tilespmem:s11+$0x108C8];
	v60 =	vadd.f32 v58, v34;
	v57 =	vmul.f32 v53, v13;
	v43 =	vmul.f32 v54, v12  }
0x126: {  	v42 =	vsub.f32 v21, v39;
	v23 =	vld [tilespmem:s11+$0x108B8];
	v35 =	vmul.f32 v55, v33;
	v33 =	vmul.f32 $1.562500000e-02, v36  }
0x127: {  	v21 =	vld [tilespmem:s11+$0x108D8];
	v47 =	vadd.f32 v28, v27;
	v41 =	vmul.f32 v53, v12;
	v62 =	vmul.f32 $1.562500000e-02, v60  }
0x128: {  	v61 =	vadd.f32 v35, v6;
	v63 =	vmul.f32 v33, v33;
	v35 =	vsub.f32 v25, v39;
	v25 =	vld [tilespmem:s11+$0x108E8]  }
0x129: {  	v37 =	vmul.f32 v54, v11;
	v34 =	vmul.f32 v53, v11;
	v46 =	vadd.f32 v31, v29  }
0x12a: {  	v36 =	vmul.f32 v54, v9;
	v38 =	vmul.f32 v56, v38;
	v44 =	vsub.f32 v62, v63  }
0x12b: {  	s13 =	simm.s32 $0xC00;
	v40 =	vperm.xlane v33, v4;
	v39 =	vmul.f32 v57, v59;
	v45 =	vadd.f32 v22, v23;
	[tilespmem:s7+$0x188E8] =	vst v61  }
.LBB2_4:
0x12c: {  	p1 =	sne.s32 s13, $0xFC00;
	v48 =	vmul.f32 v29, v29;
	v49 =	vmul.f32 v31, v31;
	v44 =	vadd.f32 $9.999999960e-13, v44  }
0x12d: {  	v51 =	vmul.f32 v27, v27;
	v52 =	vmul.f32 v28, v28;
	v50 =	vadd.f32 v25, v21  }
0x12e: {  	v53 =	vmul.f32 v23, v23;
	v54 =	vmul.f32 $5.000000000e-01, v44;
	v44 =	vshra.s32 v44, $0x1  }
0x12f: {  	v55 =	vmul.f32 v22, v22;
	v56 =	vmul.f32 v21, v21;
	v44 =	vsub.s32 $0x5F3759DF, v44  }
0x130: {  	v46 =	vadd.f32 v47, v46;
	v47 =	vmul.f32 v25, v25;
	v57 =	vmul.f32 v44, v54  }
0x131: {  	v43 =	vmul.f32 v43, v32;
	v48 =	vadd.f32 v49, v48;
	v49 =	vadd.f32 v52, v51  }
0x132: {  	v32 =	vadd.f32 v55, v53;
	v47 =	vadd.f32 v47, v56;
	v51 =	vmul.f32 v44, v57  }
0x133: {  	v41 =	vmul.f32 v41, v42;
	v45 =	vadd.f32 v50, v45;
	v48 =	vadd.f32 v49, v48  }
0x134: {  	v42 =	vadd.f32 v47, v32;
	v47 =	vperm.xlane v46, v0;
	v32 =	vsub.f32 $1.500000000e+00, v51  }
0x135: {  	v49 =	vperm.xlane v45, v0;
	v50 =	vperm.xlane v48, v0;
	v51 =	vsub.f32 v18, v40;
	v18 =	vmovc v29  }
0x136: {  	v29 =	vperm.xlane v42, v0;
	v44 =	vmul.f32 v44, v32;
	v32 =	vsub.f32 v19, v40;
	v19 =	vmovc v31  }
0x137: {  	v37 =	vmul.f32 v37, v30;
	v45 =	vadd.f32 v49, v45;
	v31 =	vadd.f32 v47, v46  }
0x138: {  	v46 =	vadd.f32 v50, v48;
	v29 =	vadd.f32 v29, v42;
	v42 =	vmul.f32 v44, v54  }
0x139: {  	v30 =	vsub.f32 v17, v40;
	v17 =	vmovc v27;
	v40 =	vsub.f32 v20, v40;
	v31 =	vsel vm0, v31, v45  }
0x13a: {  	v20 =	vmovc v28;
	v27 =	vsel vm0, v46, v29;
	v29 =	vperm.xlane v31, v1;
	v42 =	vmul.f32 v42, v44  }
0x13b: {  	v38 =	vadd.f32 v38, v10;
	v34 =	vmul.f32 v34, v35;
	v28 =	vperm.xlane v27, v1  }
0x13c: {  	v36 =	vmul.f32 v36, v26;
	v26 =	vmovc v40;
	v29 =	vadd.f32 v29, v31;
	v31 =	vsub.f32 $1.500000000e+00, v42  }
0x13d: {  	v27 =	vadd.f32 v28, v27;
	v28 =	vadd.f32 v39, v10;
	[tilespmem:s7+$0x18838] =	vst v38  }
0x13e: {  	v35 =	vperm.xlane v29, v2;
	v38 =	vadd.f32 v43, v8;
	v31 =	vmul.f32 v31, v44  }
0x13f: {  	v37 =	vadd.f32 v37, v7;
	v39 =	vperm.xlane v27, v2;
	[tilespmem:s7+$0x188B8] =	vst v28;
	v28 =	vadd.f32 v41, v8  }
0x140: {  	s14 =	sshra.s32 s13, $0x2;
	v40 =	vperm.xlane v33, v5;
	v35 =	vadd.f32 v35, v29;
	v44 =	vperm.xlane v31, v5;
	[tilespmem:s7+$0x18848] =	vst v38  }
0x141: {  	v33 =	vadd.f32 v39, v27;
	v38 =	vperm.xlane v31, v4;
	v29 =	vld [tilespmem:s14+$0x10838];
	[tilespmem:s7+$0x188C8] =	vst v28;
	v28 =	vadd.f32 v34, v7  }
0x142: {  	v24 =	vsub.f32 v24, v40;
	v34 =	vperm.xlane v35, v3;
	v31 =	vld [tilespmem:s14+$0x10848];
	v39 =	vmul.f32 v44, v9;
	[tilespmem:s7+$0x18858] =	vst v37  }
0x143: {  	v48 =	vsub.f32 v16, v40;
	v45 =	vmul.f32 v38, v13;
	v49 =	vmul.f32 v44, v13;
	v27 =	vld [tilespmem:s14+$0x10858];
	[tilespmem:s7+$0x188D8] =	vst v28  }
0x144: {  	v16 =	vmovc v23;
	v34 =	vadd.f32 v34, v35;
	v35 =	vperm.xlane v33, v3;
	v28 =	vld [tilespmem:s14+$0x10868];
	v37 =	vmul.f32 v39, v24  }
0x145: {  	v42 =	vsub.f32 v15, v40;
	v15 =	vmovc v22;
	v43 =	vmul.f32 v38, v12;
	v41 =	vmul.f32 v44, v12;
	v23 =	vld [tilespmem:s14+$0x108B8]  }
0x146: {  	v24 =	vmovc v25;
	v39 =	vadd.f32 v35, v33;
	v33 =	vmul.f32 $1.562500000e-02, v34;
	v22 =	vld [tilespmem:s14+$0x108C8];
	v46 =	vadd.f32 v37, v6  }
.Ltmp1:
0x147: {  	v35 =	vsub.f32 v14, v40;
	v34 =	vmul.f32 v44, v11;
	v14 =	vmovc v21;
	v37 =	vmul.f32 v38, v11;
	v21 =	vld [tilespmem:s14+$0x108D8];
	(pc) =	sbr.rel @p1 .LBB2_4-.Ltmp1, $4  }
0x148: {  	v47 =	vadd.f32 v36, v6;
	v39 =	vmul.f32 $1.562500000e-02, v39;
	v44 =	vmul.f32 v33, v33;
	v25 =	vld [tilespmem:s14+$0x108E8];
	[tilespmem:s10+$0x188E8] =	vst v46  }
0x149: {  	v36 =	vmul.f32 v38, v9;
	v40 =	vperm.xlane v33, v4  }
0x14a: {  	v38 =	vmul.f32 v45, v51;
	v46 =	vadd.f32 v31, v29;
	v44 =	vsub.f32 v39, v44;
	[tilespmem:s7+$0x18868] =	vst v47;
	s7 =	smov.u32 s10;
	s10 =	smov.u32 s11;
	s11 =	smov.u32 s14  }
0x14b: {  	s13 =	sadd.s32 $0x400, s13;
	v39 =	vmul.f32 v49, v48;
	v47 =	vadd.f32 v28, v27;
	v45 =	vadd.f32 v22, v23  }
0x14c: {  	v48 =	vmul.f32 v29, v29  }
0x14d: {  	v49 =	vmul.f32 v31, v31;
	v50 =	vmul.f32 v27, v27  }
0x14e: {  	v51 =	vmul.f32 v28, v28;
	v52 =	vmul.f32 v23, v23  }
0x14f: {  	v54 =	vmul.f32 v22, v22;
	v55 =	vmul.f32 v21, v21;
	v53 =	vadd.f32 v25, v21  }
0x150: {  	v46 =	vadd.f32 v47, v46;
	v57 =	vmul.f32 v25, v25;
	v48 =	vadd.f32 v49, v48  }
0x151: {  	v58 =	vadd.f32 v51, v50;
	v59 =	vadd.f32 v54, v52  }
0x152: {  	v47 =	vadd.f32 v57, v55;
	v45 =	vadd.f32 v53, v45  }
0x153: {  	v60 =	vperm.xlane v46, v0  }
0x154: {  	v48 =	vadd.f32 v58, v48;
	v47 =	vadd.f32 v47, v59;
	v61 =	vperm.xlane v45, v0  }
0x155: {  	v46 =	vadd.f32 v60, v46  }
0x156: {  	v62 =	vperm.xlane v48, v0;
	v63 =	vperm.xlane v47, v0;
	v45 =	vadd.f32 v61, v45;
	_ =	sdelay $0x1  }
0x157: {  	v48 =	vadd.f32 v62, v48;
	v47 =	vadd.f32 v63, v47;
	v45 =	vsel vm0, v46, v45  }
0x158: {  	v46 =	vperm.xlane v45, v1  }
0x159: {  	v47 =	vsel vm0, v48, v47  }
0x15a: {  	v48 =	vperm.xlane v47, v1;
	v45 =	vadd.f32 v46, v45  }
0x15b: {  	v44 =	vadd.f32 $9.999999960e-13, v44  }
0x15c: {  	v53 =	vadd.f32 v48, v47;
	v54 =	vperm.xlane v45, v2  }
0x15d: {  	v55 =	vmul.f32 $5.000000000e-01, v44;
	v44 =	vshra.s32 v44, $0x1  }
0x15e: {  	v44 =	vsub.s32 $0x5F3759DF, v44;
	v48 =	vperm.xlane v53, v2;
	v45 =	vadd.f32 v54, v45  }
0x15f: {  	v57 =	vmul.f32 v44, v55  }
0x160: {  	v46 =	vadd.f32 v48, v53;
	v56 =	vperm.xlane v45, v3  }
0x161: {  	v49 =	vmul.f32 v44, v57  }
0x162: {  	v45 =	vadd.f32 v56, v45;
	v58 =	vperm.xlane v46, v3  }
0x163: {  	v59 =	vsub.f32 $1.500000000e+00, v49  }
0x164: {  	v46 =	vadd.f32 v58, v46;
	v45 =	vmul.f32 $1.562500000e-02, v45  }
0x165: {  	v44 =	vmul.f32 v44, v59  }
0x166: {  	v46 =	vmul.f32 $1.562500000e-02, v46;
	v60 =	vmul.f32 v45, v45;
	_ =	sdelay $0x1  }
0x167: {  	v47 =	vmul.f32 v44, v55;
	v46 =	vsub.f32 v46, v60;
	_ =	sdelay $0x1  }
0x168: {  	v32 =	vmul.f32 v43, v32;
	v62 =	vmul.f32 v47, v44;
	v61 =	vadd.f32 $9.999999960e-13, v46  }
0x169: {  	v41 =	vmul.f32 v41, v42;
	v18 =	vsub.f32 v18, v40;
	v19 =	vsub.f32 v19, v40  }
0x16a: {  	v63 =	vsub.f32 $1.500000000e+00, v62;
	v46 =	vmul.f32 $5.000000000e-01, v61;
	v43 =	vshra.s32 v61, $0x1  }
0x16b: {  	v30 =	vmul.f32 v37, v30;
	v34 =	vmul.f32 v34, v35;
	v47 =	vsub.s32 $0x5F3759DF, v43  }
0x16c: {  	v17 =	vsub.f32 v17, v40;
	v49 =	vmul.f32 v63, v44;
	v48 =	vmul.f32 v47, v46  }
0x16d: {  	v20 =	vsub.f32 v20, v40;
	v26 =	vmul.f32 v36, v26;
	v33 =	vperm.xlane v33, v5  }
0x16e: {  	v38 =	vadd.f32 v38, v10;
	v52 =	vperm.xlane v49, v5;
	v51 =	vmul.f32 v47, v48  }
0x16f: {  	v50 =	vadd.f32 v39, v10;
	v32 =	vadd.f32 v32, v8;
	v35 =	vperm.xlane v49, v4  }
0x170: {  	v30 =	vadd.f32 v30, v7;
	v54 =	vmul.f32 v52, v9;
	v37 =	vsub.f32 $1.500000000e+00, v51  }
0x171: {  	v24 =	vsub.f32 v24, v33;
	v55 =	vmul.f32 v35, v13;
	v56 =	vmul.f32 v52, v13  }
0x172: {  	v34 =	vadd.f32 v34, v7;
	v57 =	vmul.f32 v35, v12;
	v37 =	vmul.f32 v47, v37  }
0x173: {  	v16 =	vsub.f32 v16, v33;
	v59 =	vmul.f32 v52, v12;
	v63 =	vperm.xlane v45, v4  }
0x174: {  	v15 =	vsub.f32 v15, v33;
	v24 =	vmul.f32 v54, v24;
	v58 =	vmul.f32 v37, v46  }
0x175: {  	v14 =	vsub.f32 v14, v33;
	v60 =	vmul.f32 v35, v11;
	v35 =	vmul.f32 v35, v9  }
0x176: {  	[tilespmem:s7+$0x18838] =	vst v38;
	v26 =	vadd.f32 v26, v6;
	v18 =	vmul.f32 v55, v18;
	v62 =	vmul.f32 v58, v37  }
0x177: {  	[tilespmem:s7+$0x188B8] =	vst v50;
	v53 =	vadd.f32 v41, v8;
	v16 =	vmul.f32 v56, v16;
	v19 =	vmul.f32 v57, v19  }
0x178: {  	[tilespmem:s7+$0x18848] =	vst v32;
	v15 =	vmul.f32 v59, v15;
	v42 =	vsub.f32 v29, v63;
	v39 =	vsub.f32 $1.500000000e+00, v62  }
0x179: {  	[tilespmem:s7+$0x18858] =	vst v30;
	v44 =	vsub.f32 v27, v63;
	v24 =	vadd.f32 v24, v6;
	v17 =	vmul.f32 v60, v17  }
0x17a: {  	[tilespmem:s7+$0x188D8] =	vst v34;
	v18 =	vadd.f32 v18, v10;
	v16 =	vadd.f32 v16, v10;
	v46 =	vmul.f32 v39, v37  }
0x17b: {  	[tilespmem:s7+$0x188C8] =	vst v53;
	v19 =	vadd.f32 v19, v8;
	v20 =	vmul.f32 v35, v20;
	v61 =	vmul.f32 v52, v11  }
0x17c: {  	v15 =	vadd.f32 v15, v8;
	[tilespmem:s10+$0x188E8] =	vst v24;
	v48 =	vperm.xlane v45, v5;
	v32 =	vperm.xlane v46, v5  }
0x17d: {  	v52 =	vadd.f32 v17, v7;
	v20 =	vadd.f32 v20, v6;
	[tilespmem:s7+$0x18868] =	vst v26;
	v14 =	vmul.f32 v61, v14  }
0x17e: {  	[tilespmem:s10+$0x18838] =	vst v18;
	v50 =	vsub.f32 v25, v48;
	v49 =	vperm.xlane v46, v4;
	v51 =	vmul.f32 v32, v9  }
0x17f: {  	v43 =	vsub.f32 v31, v63;
	[tilespmem:s10+$0x188B8] =	vst v16;
	v14 =	vadd.f32 v14, v7  }
0x180: {  	[tilespmem:s10+$0x18848] =	vst v19;
	v54 =	vsub.f32 v23, v48;
	v53 =	vmul.f32 v49, v13;
	v55 =	vmul.f32 v51, v50  }
0x181: {  	[tilespmem:s10+$0x188C8] =	vst v15;
	v57 =	vsub.f32 v22, v48;
	v59 =	vsub.f32 v21, v48;
	v15 =	vmul.f32 v32, v13  }
0x182: {  	[tilespmem:s10+$0x18858] =	vst v52;
	v56 =	vmul.f32 v49, v12;
	v17 =	vmul.f32 v53, v42;
	v23 =	vadd.f32 v55, v6  }
0x183: {  	[tilespmem:s10+$0x188D8] =	vst v14;
	v47 =	vsub.f32 v28, v63;
	v14 =	vmul.f32 v49, v11;
	v15 =	vmul.f32 v15, v54  }
0x184: {  	v58 =	vmul.f32 v32, v12;
	v60 =	vmul.f32 v56, v43;
	v17 =	vadd.f32 v17, v10;
	[tilespmem:s11+$0x188E8] =	vst v23  }
0x185: {  	v18 =	vmul.f32 v49, v9;
	v14 =	vmul.f32 v14, v44;
	v15 =	vadd.f32 v15, v10;
	[tilespmem:s10+$0x18868] =	vst v20  }
0x186: {  	v61 =	vmul.f32 v32, v11;
	v16 =	vmul.f32 v58, v57;
	v62 =	vadd.f32 v60, v8;
	[tilespmem:s11+$0x18838] =	vst v17  }
0x187: {  	v63 =	vmul.f32 v18, v47;
	v14 =	vadd.f32 v14, v7;
	[tilespmem:s11+$0x188B8] =	vst v15  }
0x188: {  	v19 =	vmul.f32 v61, v59;
	v15 =	vadd.f32 v16, v8;
	[tilespmem:s11+$0x18848] =	vst v62  }
0x189: {  	[tilespmem:s11+$0x18858] =	vst v14;
	v14 =	vadd.f32 v63, v6  }
0x18a: {  	[tilespmem:s11+$0x188C8] =	vst v15;
	v15 =	vadd.f32 v19, v7  }
0x18b: {  	[tilespmem:s11+$0x18868] =	vst v14  }
0x18c: {  	s17 =	rddreg [dreg:$0x9];
	[tilespmem:s11+$0x188D8] =	vst v15  }
0x18d: {  	[hbm4b:s17+s6] =	stream.linear.scatter [tilespmem:s1], [sflag:$0x6], $0x4000, $0x38;
	[tilespmem:$0x1C938] =	vst v63  }
0x18e: {  	s21 =	simm.s32 $0x180;
	s17 =	simm.s32 $0x1  }
0x18f: {  	[tilespmem:s24], [sflag:$0x2] =	stream.indirect.gather [hbm4b:s0+s22], $0x80, s21, s22, $0xb8;
	[tilespmem:$0x1C938] =	vst v63  }
0x190: {  	_ =	swait.ge [sflag:s17], $0x4000  }
0x191: {  	[sflag:s17] =	ssyncset.done $0x0  }
0x192: {  	s31 =	simm.s32 $0x6500;
	[sflag:s17] =	ssyncadd.s32 $0xFFFFC000  }
0x193: {  	[tilespmem:s23], [sflag:$0x3] =	stream.indirect.gather.add.f32 [spmem:s4], $0x80, s31, s22, $0xb8;
	[tilespmem:$0x1C938] =	vst v63  }
.LBB2_6:
0x194: {  	_ =	swait.ge [sflag:s26], $0x4000  }
0x195: {  	[sflag:s26] =	ssyncset.done $0x0  }
0x196: {  	[sflag:s26] =	ssyncadd.s32 $0xFFFFC000  }
0x197: {  	_ =	swait.ge [sflag:s19], $0x4000  }
0x198: {  	[sflag:s19] =	ssyncset.done $0x0  }
0x199: {  	s7 =	simm.s32 $0x0;
	[sflag:s19] =	ssyncadd.s32 $0xFFFFC000  }
0x19a: {  	v23 =	vld [tilespmem:s7+$0xC838]  }
0x19b: {  	v26 =	vld [tilespmem:s7+$0xC848]  }
0x19c: {  	v27 =	vld [tilespmem:s7+$0xC858]  }
0x19d: {  	v28 =	vld [tilespmem:s7+$0xC868]  }
0x19e: {  	v22 =	vld [tilespmem:s7+$0xC8B8]  }
0x19f: {  	v21 =	vld [tilespmem:s7+$0xC8C8]  }
0x1a0: {  	v25 =	vld [tilespmem:s7+$0xC8D8]  }
0x1a1: {  	v33 =	vld [tilespmem:s7+$0xC8E8];
	_ =	sdelay $0x1  }
0x1a2: {  	v14 =	vadd.f32 v26, v23;
	v15 =	vmul.f32 v23, v23  }
0x1a3: {  	v16 =	vadd.f32 v28, v27;
	v17 =	vmul.f32 v26, v26;
	v18 =	vmul.f32 v27, v27  }
0x1a4: {  	v19 =	vadd.f32 v21, v22;
	v20 =	vmul.f32 v28, v28;
	v24 =	vmul.f32 v22, v22  }
0x1a5: {  	v29 =	vadd.f32 v33, v25;
	v30 =	vmul.f32 v21, v21;
	v31 =	vmul.f32 v25, v25  }
0x1a6: {  	v14 =	vadd.f32 v16, v14;
	v16 =	vmul.f32 v33, v33;
	v15 =	vadd.f32 v17, v15  }
0x1a7: {  	v17 =	vadd.f32 v20, v18;
	v18 =	vadd.f32 v30, v24  }
0x1a8: {  	v19 =	vadd.f32 v29, v19;
	v16 =	vadd.f32 v16, v31  }
0x1a9: {  	v15 =	vadd.f32 v17, v15  }
0x1aa: {  	v17 =	vperm.xlane v14, v0;
	v16 =	vadd.f32 v16, v18;
	v18 =	vperm.xlane v19, v0  }
0x1ab: {  	v20 =	vperm.xlane v15, v0  }
0x1ac: {  	v14 =	vadd.f32 v17, v14;
	v24 =	vperm.xlane v16, v0;
	v17 =	vadd.f32 v18, v19;
	_ =	sdelay $0x1  }
0x1ad: {  	v15 =	vadd.f32 v20, v15;
	v16 =	vadd.f32 v24, v16;
	v14 =	vsel vm0, v14, v17  }
0x1ae: {  	v17 =	vperm.xlane v14, v1  }
0x1af: {  	v15 =	vsel vm0, v15, v16  }
0x1b0: {  	v16 =	vperm.xlane v15, v1;
	v14 =	vadd.f32 v17, v14;
	_ =	sdelay $0x1  }
0x1b1: {  	v15 =	vadd.f32 v16, v15;
	v16 =	vperm.xlane v14, v2;
	_ =	sdelay $0x1  }
0x1b2: {  	v17 =	vperm.xlane v15, v2;
	v14 =	vadd.f32 v16, v14  }
0x1b3: {  	s10 =	simm.s32 $0x100  }
0x1b4: {  	v18 =	vld [tilespmem:s10+$0xC838];
	v24 =	vadd.f32 v17, v15;
	v15 =	vperm.xlane v14, v3  }
0x1b5: {  	v19 =	vld [tilespmem:s10+$0xC848]  }
0x1b6: {  	v20 =	vld [tilespmem:s10+$0xC868];
	v14 =	vadd.f32 v15, v14;
	v29 =	vperm.xlane v24, v3  }
0x1b7: {  	v16 =	vld [tilespmem:s10+$0xC8B8]  }
0x1b8: {  	v17 =	vld [tilespmem:s10+$0xC858];
	v29 =	vadd.f32 v29, v24;
	v30 =	vmul.f32 $1.562500000e-02, v14  }
0x1b9: {  	v15 =	vld [tilespmem:s10+$0xC8C8]  }
0x1ba: {  	v14 =	vld [tilespmem:s10+$0xC8D8];
	v29 =	vmul.f32 $1.562500000e-02, v29;
	v31 =	vmul.f32 v30, v30  }
0x1bb: {  	v35 =	vmul.f32 v18, v18;
	v36 =	vmul.f32 v19, v19;
	v24 =	vld [tilespmem:s10+$0xC8E8]  }
0x1bc: {  	v32 =	vadd.f32 v19, v18;
	v29 =	vsub.f32 v29, v31  }
0x1bd: {  	v39 =	vmul.f32 v20, v20;
	v35 =	vadd.f32 v36, v35;
	v37 =	vmul.f32 v17, v17  }
0x1be: {  	v40 =	vmul.f32 v16, v16;
	v34 =	vadd.f32 v15, v16;
	v29 =	vadd.f32 $9.999999960e-13, v29  }
0x1bf: {  	v42 =	vmul.f32 v15, v15;
	v62 =	vadd.f32 v39, v37;
	v43 =	vmul.f32 v14, v14  }
0x1c0: {  	v44 =	vmul.f32 v24, v24;
	v41 =	vmul.f32 $5.000000000e-01, v29;
	v29 =	vshra.s32 v29, $0x1  }
0x1c1: {  	v31 =	vadd.f32 v20, v17;
	v38 =	vadd.f32 v24, v14;
	v29 =	vsub.s32 $0x5F3759DF, v29  }
0x1c2: {  	v63 =	vadd.f32 v42, v40;
	v42 =	vadd.f32 v44, v43;
	v45 =	vmul.f32 v29, v41  }
0x1c3: {  	v35 =	vadd.f32 v62, v35;
	v34 =	vadd.f32 v38, v34  }
0x1c4: {  	v31 =	vadd.f32 v31, v32;
	v44 =	vadd.f32 v42, v63;
	v43 =	vmul.f32 v29, v45  }
0x1c5: {  	v46 =	vperm.xlane v35, v0;
	v38 =	vperm.xlane v34, v0  }
0x1c6: {  	v47 =	vperm.xlane v44, v0;
	v45 =	vperm.xlane v31, v0;
	v32 =	vsub.f32 $1.500000000e+00, v43  }
0x1c7: {  	v49 =	vadd.f32 v46, v35;
	v48 =	vadd.f32 v38, v34  }
0x1c8: {  	v50 =	vadd.f32 v47, v44;
	v31 =	vadd.f32 v45, v31;
	v29 =	vmul.f32 v29, v32;
	_ =	sdelay $0x1  }
0x1c9: {  	v34 =	vsel vm0, v49, v50;
	v31 =	vsel vm0, v31, v48;
	v51 =	vmul.f32 v29, v41  }
0x1ca: {  	v53 =	vperm.xlane v34, v1;
	v32 =	vperm.xlane v31, v1  }
0x1cb: {  	v52 =	vmul.f32 v51, v29  }
0x1cc: {  	v54 =	vperm.xlane v30, v4;
	v34 =	vadd.f32 v53, v34;
	v31 =	vadd.f32 v32, v31  }
0x1cd: {  	v58 =	vperm.xlane v30, v5;
	v35 =	vsub.f32 $1.500000000e+00, v52  }
0x1ce: {  	v56 =	vsub.f32 v23, v54;
	v57 =	vperm.xlane v34, v2;
	v55 =	vperm.xlane v31, v2  }
0x1cf: {  	v30 =	vsub.f32 v27, v54;
	v33 =	vsub.f32 v33, v58;
	v23 =	vmul.f32 v35, v29  }
0x1d0: {  	s21 =	simm.s32 $0x200;
	v34 =	vadd.f32 v57, v34;
	v36 =	vadd.f32 v55, v31  }
0x1d1: {  	v27 =	vld [tilespmem:s21+$0xC858];
	v49 =	vsub.f32 v22, v58;
	v59 =	vperm.xlane v23, v5;
	v60 =	vperm.xlane v23, v4  }
0x1d2: {  	v22 =	vld [tilespmem:s21+$0xC8C8];
	v32 =	vsub.f32 v26, v54;
	v63 =	vperm.xlane v34, v3;
	v23 =	vperm.xlane v36, v3  }
0x1d3: {  	v26 =	vsub.f32 v28, v54;
	v28 =	vld [tilespmem:s21+$0xC868];
	v61 =	vmul.f32 v59, v9;
	v62 =	vmul.f32 v60, v13  }
0x1d4: {  	v31 =	vld [tilespmem:s21+$0xC848];
	v48 =	vmul.f32 v59, v13;
	v36 =	vadd.f32 v23, v36;
	v43 =	vmul.f32 v60, v12  }
0x1d5: {  	v46 =	vadd.f32 v63, v34;
	v23 =	vld [tilespmem:s21+$0xC8B8];
	v41 =	vmul.f32 v59, v12;
	v37 =	vmul.f32 v60, v11  }
0x1d6: {  	v29 =	vld [tilespmem:s21+$0xC838];
	v35 =	vmul.f32 v61, v33;
	v33 =	vmul.f32 $1.562500000e-02, v36  }
0x1d7: {  	v42 =	vsub.f32 v21, v58;
	v21 =	vld [tilespmem:s21+$0xC8D8];
	v34 =	vmul.f32 v59, v11;
	v46 =	vmul.f32 $1.562500000e-02, v46  }
0x1d8: {  	v47 =	vadd.f32 v35, v6;
	v50 =	vmul.f32 v33, v33;
	v35 =	vsub.f32 v25, v58;
	v25 =	vld [tilespmem:s21+$0xC8E8]  }
0x1d9: {  	v36 =	vmul.f32 v60, v9;
	v38 =	vmul.f32 v62, v56  }
0x1da: {  	v39 =	vmul.f32 v48, v49;
	v45 =	vadd.f32 v22, v23;
	v44 =	vsub.f32 v46, v50  }
0x1db: {  	s11 =	simm.s32 $0xC00;
	v40 =	vperm.xlane v33, v4;
	v46 =	vadd.f32 v31, v29;
	[tilespmem:s7+$0x148E8] =	vst v47;
	v47 =	vadd.f32 v28, v27  }
.LBB2_7:
0x1dc: {  	p1 =	sne.s32 s11, $0xFC00;
	v48 =	vmul.f32 v29, v29;
	v49 =	vmul.f32 v31, v31;
	v44 =	vadd.f32 $9.999999960e-13, v44  }
0x1dd: {  	v51 =	vmul.f32 v27, v27;
	v52 =	vmul.f32 v28, v28;
	v50 =	vadd.f32 v25, v21  }
0x1de: {  	v53 =	vmul.f32 v23, v23;
	v54 =	vmul.f32 $5.000000000e-01, v44;
	v44 =	vshra.s32 v44, $0x1  }
0x1df: {  	v55 =	vmul.f32 v22, v22;
	v56 =	vmul.f32 v21, v21;
	v44 =	vsub.s32 $0x5F3759DF, v44  }
0x1e0: {  	v46 =	vadd.f32 v47, v46;
	v47 =	vmul.f32 v25, v25;
	v57 =	vmul.f32 v44, v54  }
0x1e1: {  	v43 =	vmul.f32 v43, v32;
	v48 =	vadd.f32 v49, v48;
	v49 =	vadd.f32 v52, v51  }
0x1e2: {  	v32 =	vadd.f32 v55, v53;
	v47 =	vadd.f32 v47, v56;
	v51 =	vmul.f32 v44, v57  }
0x1e3: {  	v41 =	vmul.f32 v41, v42;
	v45 =	vadd.f32 v50, v45;
	v48 =	vadd.f32 v49, v48  }
0x1e4: {  	v42 =	vadd.f32 v47, v32;
	v47 =	vperm.xlane v46, v0;
	v32 =	vsub.f32 $1.500000000e+00, v51  }
0x1e5: {  	v49 =	vperm.xlane v45, v0;
	v50 =	vperm.xlane v48, v0;
	v51 =	vsub.f32 v18, v40;
	v18 =	vmovc v29  }
0x1e6: {  	v29 =	vperm.xlane v42, v0;
	v44 =	vmul.f32 v44, v32;
	v32 =	vsub.f32 v19, v40;
	v19 =	vmovc v31  }
0x1e7: {  	v37 =	vmul.f32 v37, v30;
	v45 =	vadd.f32 v49, v45;
	v31 =	vadd.f32 v47, v46  }
0x1e8: {  	v46 =	vadd.f32 v50, v48;
	v29 =	vadd.f32 v29, v42;
	v42 =	vmul.f32 v44, v54  }
0x1e9: {  	v30 =	vsub.f32 v17, v40;
	v17 =	vmovc v27;
	v40 =	vsub.f32 v20, v40;
	v31 =	vsel vm0, v31, v45  }
0x1ea: {  	v20 =	vmovc v28;
	v27 =	vsel vm0, v46, v29;
	v29 =	vperm.xlane v31, v1;
	v42 =	vmul.f32 v42, v44  }
0x1eb: {  	v38 =	vadd.f32 v38, v10;
	v34 =	vmul.f32 v34, v35;
	v28 =	vperm.xlane v27, v1  }
0x1ec: {  	v36 =	vmul.f32 v36, v26;
	v26 =	vmovc v40;
	v29 =	vadd.f32 v29, v31;
	v31 =	vsub.f32 $1.500000000e+00, v42  }
0x1ed: {  	v27 =	vadd.f32 v28, v27;
	v28 =	vadd.f32 v39, v10;
	[tilespmem:s7+$0x14838] =	vst v38  }
0x1ee: {  	v35 =	vperm.xlane v29, v2;
	v38 =	vadd.f32 v43, v8;
	v31 =	vmul.f32 v31, v44  }
0x1ef: {  	v37 =	vadd.f32 v37, v7;
	v39 =	vperm.xlane v27, v2;
	[tilespmem:s7+$0x148B8] =	vst v28;
	v28 =	vadd.f32 v41, v8  }
0x1f0: {  	s13 =	sshra.s32 s11, $0x2;
	v40 =	vperm.xlane v33, v5;
	v35 =	vadd.f32 v35, v29;
	v44 =	vperm.xlane v31, v5;
	[tilespmem:s7+$0x14848] =	vst v38  }
0x1f1: {  	v33 =	vadd.f32 v39, v27;
	v38 =	vperm.xlane v31, v4;
	v29 =	vld [tilespmem:s13+$0xC838];
	[tilespmem:s7+$0x148C8] =	vst v28;
	v28 =	vadd.f32 v34, v7  }
0x1f2: {  	v24 =	vsub.f32 v24, v40;
	v34 =	vperm.xlane v35, v3;
	v31 =	vld [tilespmem:s13+$0xC848];
	v39 =	vmul.f32 v44, v9;
	[tilespmem:s7+$0x14858] =	vst v37  }
0x1f3: {  	v48 =	vsub.f32 v16, v40;
	v45 =	vmul.f32 v38, v13;
	v49 =	vmul.f32 v44, v13;
	v27 =	vld [tilespmem:s13+$0xC858];
	[tilespmem:s7+$0x148D8] =	vst v28  }
0x1f4: {  	v16 =	vmovc v23;
	v34 =	vadd.f32 v34, v35;
	v35 =	vperm.xlane v33, v3;
	v28 =	vld [tilespmem:s13+$0xC868];
	v37 =	vmul.f32 v39, v24  }
0x1f5: {  	v42 =	vsub.f32 v15, v40;
	v15 =	vmovc v22;
	v43 =	vmul.f32 v38, v12;
	v41 =	vmul.f32 v44, v12;
	v23 =	vld [tilespmem:s13+$0xC8B8]  }
0x1f6: {  	v24 =	vmovc v25;
	v39 =	vadd.f32 v35, v33;
	v33 =	vmul.f32 $1.562500000e-02, v34;
	v22 =	vld [tilespmem:s13+$0xC8C8];
	v46 =	vadd.f32 v37, v6  }
.Ltmp2:
0x1f7: {  	v35 =	vsub.f32 v14, v40;
	v34 =	vmul.f32 v44, v11;
	v14 =	vmovc v21;
	v37 =	vmul.f32 v38, v11;
	v21 =	vld [tilespmem:s13+$0xC8D8];
	(pc) =	sbr.rel @p1 .LBB2_7-.Ltmp2, $4  }
0x1f8: {  	v47 =	vadd.f32 v36, v6;
	v39 =	vmul.f32 $1.562500000e-02, v39;
	v44 =	vmul.f32 v33, v33;
	v25 =	vld [tilespmem:s13+$0xC8E8];
	[tilespmem:s10+$0x148E8] =	vst v46  }
0x1f9: {  	v36 =	vmul.f32 v38, v9;
	v40 =	vperm.xlane v33, v4  }
0x1fa: {  	v38 =	vmul.f32 v45, v51;
	v46 =	vadd.f32 v31, v29;
	v44 =	vsub.f32 v39, v44;
	[tilespmem:s7+$0x14868] =	vst v47;
	s7 =	smov.u32 s10;
	s10 =	smov.u32 s21;
	s21 =	smov.u32 s13  }
0x1fb: {  	s11 =	sadd.s32 $0x400, s11;
	v39 =	vmul.f32 v49, v48;
	v47 =	vadd.f32 v28, v27;
	v45 =	vadd.f32 v22, v23  }
0x1fc: {  	v48 =	vmul.f32 v29, v29  }
0x1fd: {  	v49 =	vmul.f32 v31, v31;
	v50 =	vmul.f32 v27, v27  }
0x1fe: {  	v51 =	vmul.f32 v28, v28;
	v52 =	vmul.f32 v23, v23  }
0x1ff: {  	v54 =	vmul.f32 v22, v22;
	v55 =	vmul.f32 v21, v21;
	v53 =	vadd.f32 v25, v21  }
0x200: {  	v46 =	vadd.f32 v47, v46;
	v59 =	vmul.f32 v25, v25;
	v48 =	vadd.f32 v49, v48  }
0x201: {  	v60 =	vadd.f32 v51, v50;
	v61 =	vadd.f32 v54, v52  }
0x202: {  	v47 =	vadd.f32 v59, v55;
	v45 =	vadd.f32 v53, v45  }
0x203: {  	v62 =	vperm.xlane v46, v0  }
0x204: {  	v48 =	vadd.f32 v60, v48;
	v47 =	vadd.f32 v47, v61;
	v63 =	vperm.xlane v45, v0  }
0x205: {  	v46 =	vadd.f32 v62, v46  }
0x206: {  	v56 =	vperm.xlane v48, v0;
	v57 =	vperm.xlane v47, v0;
	v45 =	vadd.f32 v63, v45;
	_ =	sdelay $0x1  }
0x207: {  	v48 =	vadd.f32 v56, v48;
	v47 =	vadd.f32 v57, v47;
	v45 =	vsel vm0, v46, v45  }
0x208: {  	v46 =	vperm.xlane v45, v1  }
0x209: {  	v47 =	vsel vm0, v48, v47  }
0x20a: {  	v48 =	vperm.xlane v47, v1;
	v45 =	vadd.f32 v46, v45;
	_ =	sdelay $0x1  }
0x20b: {  	v58 =	vadd.f32 v48, v47;
	v59 =	vperm.xlane v45, v2  }
0x20c: {  	v44 =	vadd.f32 $9.999999960e-13, v44  }
0x20d: {  	v48 =	vperm.xlane v58, v2;
	v45 =	vadd.f32 v59, v45  }
0x20e: {  	v60 =	vmul.f32 $5.000000000e-01, v44;
	v44 =	vshra.s32 v44, $0x1  }
0x20f: {  	v44 =	vsub.s32 $0x5F3759DF, v44;
	v46 =	vadd.f32 v48, v58;
	v61 =	vperm.xlane v45, v3  }
0x210: {  	v62 =	vmul.f32 v44, v60  }
0x211: {  	v45 =	vadd.f32 v61, v45;
	v63 =	vperm.xlane v46, v3  }
0x212: {  	v49 =	vmul.f32 v44, v62  }
0x213: {  	v46 =	vadd.f32 v63, v46;
	v45 =	vmul.f32 $1.562500000e-02, v45  }
0x214: {  	v52 =	vsub.f32 $1.500000000e+00, v49  }
0x215: {  	v46 =	vmul.f32 $1.562500000e-02, v46;
	v53 =	vmul.f32 v45, v45  }
0x216: {  	v44 =	vmul.f32 v44, v52  }
0x217: {  	v46 =	vsub.f32 v46, v53  }
0x218: {  	v47 =	vmul.f32 v44, v60  }
0x219: {  	v32 =	vmul.f32 v43, v32;
	v41 =	vmul.f32 v41, v42;
	v54 =	vadd.f32 $9.999999960e-13, v46  }
0x21a: {  	v18 =	vsub.f32 v18, v40;
	v19 =	vsub.f32 v19, v40;
	v55 =	vmul.f32 v47, v44  }
0x21b: {  	v30 =	vmul.f32 v37, v30;
	v46 =	vmul.f32 $5.000000000e-01, v54;
	v43 =	vshra.s32 v54, $0x1  }
0x21c: {  	v17 =	vsub.f32 v17, v40;
	v56 =	vsub.f32 $1.500000000e+00, v55;
	v57 =	vsub.s32 $0x5F3759DF, v43  }
0x21d: {  	v20 =	vsub.f32 v20, v40;
	v34 =	vmul.f32 v34, v35;
	v58 =	vmul.f32 v57, v46  }
0x21e: {  	v38 =	vadd.f32 v38, v10;
	v33 =	vperm.xlane v33, v5;
	v59 =	vmul.f32 v56, v44  }
0x21f: {  	v32 =	vadd.f32 v32, v8;
	v30 =	vadd.f32 v30, v7;
	v61 =	vmul.f32 v57, v58  }
0x220: {  	v24 =	vsub.f32 v24, v33;
	v62 =	vperm.xlane v59, v5;
	v35 =	vperm.xlane v59, v4  }
0x221: {  	v26 =	vmul.f32 v36, v26;
	v34 =	vadd.f32 v34, v7;
	v37 =	vsub.f32 $1.500000000e+00, v61  }
0x222: {  	v16 =	vsub.f32 v16, v33;
	v48 =	vmul.f32 v62, v9;
	v49 =	vmul.f32 v35, v13  }
0x223: {  	v15 =	vsub.f32 v15, v33;
	v50 =	vmul.f32 v62, v13;
	v37 =	vmul.f32 v57, v37  }
0x224: {  	v14 =	vsub.f32 v14, v33;
	v51 =	vmul.f32 v35, v12;
	v55 =	vmul.f32 v62, v11  }
0x225: {  	v26 =	vadd.f32 v26, v6;
	v24 =	vmul.f32 v48, v24;
	v52 =	vmul.f32 v37, v46  }
0x226: {  	[tilespmem:s7+$0x14838] =	vst v38;
	v60 =	vadd.f32 v39, v10;
	v53 =	vmul.f32 v62, v12;
	v18 =	vmul.f32 v49, v18  }
0x227: {  	[tilespmem:s7+$0x14848] =	vst v32;
	v63 =	vadd.f32 v41, v8;
	v16 =	vmul.f32 v50, v16;
	v56 =	vmul.f32 v52, v37  }
0x228: {  	[tilespmem:s7+$0x14858] =	vst v30;
	v19 =	vmul.f32 v51, v19;
	v14 =	vmul.f32 v55, v14;
	v24 =	vadd.f32 v24, v6  }
0x229: {  	[tilespmem:s7+$0x148D8] =	vst v34;
	v18 =	vadd.f32 v18, v10;
	v57 =	vperm.xlane v45, v4;
	v58 =	vsub.f32 $1.500000000e+00, v56  }
0x22a: {  	[tilespmem:s7+$0x148B8] =	vst v60;
	v15 =	vmul.f32 v53, v15;
	v16 =	vadd.f32 v16, v10;
	v19 =	vadd.f32 v19, v8  }
0x22b: {  	[tilespmem:s7+$0x148C8] =	vst v63;
	v54 =	vmul.f32 v35, v11;
	v30 =	vsub.f32 v31, v57;
	v31 =	vmul.f32 v58, v37  }
0x22c: {  	v14 =	vadd.f32 v14, v7;
	v35 =	vmul.f32 v35, v9;
	[tilespmem:s10+$0x148E8] =	vst v24;
	v24 =	vperm.xlane v45, v5  }
0x22d: {  	v15 =	vadd.f32 v15, v8;
	[tilespmem:s7+$0x14868] =	vst v26;
	v17 =	vmul.f32 v54, v17;
	v32 =	vperm.xlane v31, v5  }
0x22e: {  	v25 =	vsub.f32 v25, v24;
	v20 =	vmul.f32 v35, v20;
	[tilespmem:s10+$0x14848] =	vst v19;
	v19 =	vsub.f32 v23, v24  }
0x22f: {  	[tilespmem:s10+$0x14838] =	vst v18;
	v22 =	vsub.f32 v22, v24;
	v18 =	vperm.xlane v31, v4;
	v26 =	vmul.f32 v32, v9  }
0x230: {  	[tilespmem:s10+$0x148B8] =	vst v16;
	v16 =	vadd.f32 v17, v7;
	v20 =	vadd.f32 v20, v6  }
0x231: {  	[tilespmem:s10+$0x148C8] =	vst v15;
	v29 =	vsub.f32 v29, v57;
	v17 =	vmul.f32 v18, v13;
	v23 =	vmul.f32 v26, v25  }
0x232: {  	[tilespmem:s10+$0x14858] =	vst v16;
	v27 =	vsub.f32 v27, v57;
	v15 =	vmul.f32 v32, v13;
	v16 =	vmul.f32 v32, v12  }
0x233: {  	[tilespmem:s10+$0x148D8] =	vst v14;
	v14 =	vmul.f32 v18, v11;
	v17 =	vmul.f32 v17, v29;
	v23 =	vadd.f32 v23, v6  }
0x234: {  	v28 =	vsub.f32 v28, v57;
	v25 =	vmul.f32 v18, v12;
	v15 =	vmul.f32 v15, v19  }
0x235: {  	v19 =	vsub.f32 v21, v24;
	v14 =	vmul.f32 v14, v27;
	v17 =	vadd.f32 v17, v10;
	[tilespmem:s21+$0x148E8] =	vst v23  }
0x236: {  	v16 =	vmul.f32 v16, v22;
	v15 =	vadd.f32 v15, v10;
	v23 =	vmul.f32 v32, v11;
	[tilespmem:s10+$0x14868] =	vst v20  }
0x237: {  	v18 =	vmul.f32 v18, v9;
	v21 =	vmul.f32 v25, v30;
	v14 =	vadd.f32 v14, v7;
	[tilespmem:s21+$0x14838] =	vst v17  }
0x238: {  	v19 =	vmul.f32 v23, v19;
	[tilespmem:s21+$0x148B8] =	vst v15;
	v15 =	vadd.f32 v16, v8  }
0x239: {  	v17 =	vadd.f32 v21, v8;
	v16 =	vmul.f32 v18, v28;
	[tilespmem:s21+$0x14858] =	vst v14  }
0x23a: {  	s13 =	sshll.u32 s17, $0xF;
	[tilespmem:s21+$0x148C8] =	vst v15;
	v15 =	vadd.f32 v19, v7  }
0x23b: {  	s7 =	sadd.s32 s8, s13;
	[tilespmem:s21+$0x14848] =	vst v17;
	v14 =	vadd.f32 v16, v6  }
0x23c: {  	s7 =	sshrl.u32 s7, $0x3;
	[tilespmem:s21+$0x148D8] =	vst v15  }
0x23d: {  	s14 =	simm.s32 $0x0;
	s7 =	sadd.s32 s9, s7;
	[tilespmem:s21+$0x14868] =	vst v14;
	s21 =	sshll.u32 s17, $0x8  }
0x23e: {  	[hbm4b:s7+s14] =	stream.linear.scatter [tilespmem:s28], [sflag:$0x5], $0x4000, $0x38;
	[tilespmem:$0x1C938] =	vst v63  }
0x23f: {  	s31 =	sadd.s32 $0x100, s21  }
0x240: {  	[tilespmem:s23], [sflag:$0x1] =	stream.indirect.gather [hbm4b:s0+s22], $0x80, s31, s22, $0xb8;
	[tilespmem:$0x1C938] =	vst v63  }
0x241: {  	_ =	swait.ge [sflag:s30], $0x4000  }
0x242: {  	[sflag:s30] =	ssyncset.done $0x0  }
0x243: {  	s15 =	sadd.s32 $0x6480, s21;
	[sflag:s30] =	ssyncadd.s32 $0xFFFFC000  }
0x244: {  	[tilespmem:s24], [sflag:$0x4] =	stream.indirect.gather.add.f32 [spmem:s4], $0x80, s15, s22, $0xb8;
	[tilespmem:$0x1C938] =	vst v63  }
0x245: {  	_ =	swait.ge [sflag:s2], $0x4000  }
0x246: {  	[sflag:s2] =	ssyncset.done $0x0  }
0x247: {  	[sflag:s2] =	ssyncadd.s32 $0xFFFFC000  }
0x248: {  	_ =	swait.ge [sflag:s29], $0x4000  }
0x249: {  	[sflag:s29] =	ssyncset.done $0x0  }
0x24a: {  	s7 =	simm.s32 $0x0;
	[sflag:s29] =	ssyncadd.s32 $0xFFFFC000  }
0x24b: {  	v23 =	vld [tilespmem:s7+$0x10838]  }
0x24c: {  	v26 =	vld [tilespmem:s7+$0x10848]  }
0x24d: {  	v27 =	vld [tilespmem:s7+$0x10858]  }
0x24e: {  	v28 =	vld [tilespmem:s7+$0x10868]  }
0x24f: {  	v22 =	vld [tilespmem:s7+$0x108B8]  }
0x250: {  	v21 =	vld [tilespmem:s7+$0x108C8]  }
0x251: {  	v25 =	vld [tilespmem:s7+$0x108D8]  }
0x252: {  	v33 =	vld [tilespmem:s7+$0x108E8];
	_ =	sdelay $0x1  }
0x253: {  	v14 =	vadd.f32 v26, v23;
	v15 =	vmul.f32 v23, v23  }
0x254: {  	v16 =	vadd.f32 v28, v27;
	v17 =	vmul.f32 v26, v26;
	v18 =	vmul.f32 v27, v27  }
0x255: {  	v19 =	vadd.f32 v21, v22;
	v20 =	vmul.f32 v28, v28;
	v24 =	vmul.f32 v22, v22  }
0x256: {  	v29 =	vadd.f32 v33, v25;
	v30 =	vmul.f32 v21, v21;
	v31 =	vmul.f32 v25, v25  }
0x257: {  	v14 =	vadd.f32 v16, v14;
	v16 =	vmul.f32 v33, v33;
	v15 =	vadd.f32 v17, v15  }
0x258: {  	v17 =	vadd.f32 v20, v18;
	v18 =	vadd.f32 v30, v24  }
0x259: {  	v19 =	vadd.f32 v29, v19;
	v16 =	vadd.f32 v16, v31  }
0x25a: {  	v15 =	vadd.f32 v17, v15  }
0x25b: {  	v17 =	vperm.xlane v14, v0;
	v16 =	vadd.f32 v16, v18;
	v18 =	vperm.xlane v19, v0  }
0x25c: {  	v20 =	vperm.xlane v15, v0  }
0x25d: {  	v14 =	vadd.f32 v17, v14;
	v24 =	vperm.xlane v16, v0;
	v17 =	vadd.f32 v18, v19;
	_ =	sdelay $0x1  }
0x25e: {  	v15 =	vadd.f32 v20, v15;
	v16 =	vadd.f32 v24, v16;
	v14 =	vsel vm0, v14, v17  }
0x25f: {  	v17 =	vperm.xlane v14, v1  }
0x260: {  	v15 =	vsel vm0, v15, v16  }
0x261: {  	v16 =	vperm.xlane v15, v1;
	v14 =	vadd.f32 v17, v14;
	_ =	sdelay $0x1  }
0x262: {  	v15 =	vadd.f32 v16, v15;
	v16 =	vperm.xlane v14, v2;
	_ =	sdelay $0x1  }
0x263: {  	v17 =	vperm.xlane v15, v2;
	v14 =	vadd.f32 v16, v14;
	_ =	sdelay $0x1  }
0x264: {  	s10 =	simm.s32 $0x100;
	v24 =	vadd.f32 v17, v15;
	v15 =	vperm.xlane v14, v3  }
0x265: {  	v18 =	vld [tilespmem:s10+$0x10838]  }
0x266: {  	v19 =	vld [tilespmem:s10+$0x10848];
	v14 =	vadd.f32 v15, v14;
	v29 =	vperm.xlane v24, v3  }
0x267: {  	v20 =	vld [tilespmem:s10+$0x10868]  }
0x268: {  	v16 =	vld [tilespmem:s10+$0x108B8];
	v29 =	vadd.f32 v29, v24;
	v30 =	vmul.f32 $1.562500000e-02, v14  }
0x269: {  	v17 =	vld [tilespmem:s10+$0x10858]  }
0x26a: {  	v15 =	vld [tilespmem:s10+$0x108C8];
	v29 =	vmul.f32 $1.562500000e-02, v29;
	v31 =	vmul.f32 v30, v30  }
0x26b: {  	v14 =	vld [tilespmem:s10+$0x108D8]  }
0x26c: {  	v61 =	vmul.f32 v18, v18;
	v62 =	vmul.f32 v19, v19;
	v24 =	vld [tilespmem:s10+$0x108E8];
	v29 =	vsub.f32 v29, v31  }
0x26d: {  	v59 =	vadd.f32 v19, v18;
	v49 =	vmul.f32 v20, v20  }
0x26e: {  	v35 =	vadd.f32 v62, v61;
	v63 =	vmul.f32 v17, v17;
	v29 =	vadd.f32 $9.999999960e-13, v29  }
0x26f: {  	v50 =	vmul.f32 v16, v16;
	v60 =	vadd.f32 v15, v16;
	v52 =	vmul.f32 v15, v15  }
0x270: {  	v56 =	vadd.f32 v49, v63;
	v51 =	vmul.f32 $5.000000000e-01, v29;
	v29 =	vshra.s32 v29, $0x1  }
0x271: {  	v53 =	vmul.f32 v14, v14;
	v54 =	vmul.f32 v24, v24;
	v29 =	vsub.s32 $0x5F3759DF, v29  }
0x272: {  	v31 =	vadd.f32 v20, v17;
	v48 =	vadd.f32 v24, v14;
	v55 =	vmul.f32 v29, v51  }
0x273: {  	v57 =	vadd.f32 v52, v50;
	v58 =	vadd.f32 v54, v53  }
0x274: {  	v31 =	vadd.f32 v31, v59;
	v34 =	vadd.f32 v48, v60;
	v59 =	vmul.f32 v29, v55  }
0x275: {  	v35 =	vadd.f32 v56, v35;
	v60 =	vadd.f32 v58, v57  }
0x276: {  	v61 =	vperm.xlane v31, v0;
	v38 =	vperm.xlane v34, v0;
	v32 =	vsub.f32 $1.500000000e+00, v59  }
0x277: {  	v62 =	vperm.xlane v35, v0;
	v63 =	vperm.xlane v60, v0  }
0x278: {  	v31 =	vadd.f32 v61, v31;
	v43 =	vadd.f32 v38, v34;
	v29 =	vmul.f32 v29, v32  }
0x279: {  	v44 =	vadd.f32 v62, v35;
	v45 =	vadd.f32 v63, v60  }
0x27a: {  	v31 =	vsel vm0, v31, v43;
	v46 =	vmul.f32 v29, v51  }
0x27b: {  	v34 =	vsel vm0, v44, v45;
	v32 =	vperm.xlane v31, v1  }
0x27c: {  	v48 =	vperm.xlane v34, v1;
	v47 =	vmul.f32 v46, v29  }
0x27d: {  	v31 =	vadd.f32 v32, v31  }
0x27e: {  	v49 =	vperm.xlane v30, v4;
	v34 =	vadd.f32 v48, v34;
	v35 =	vsub.f32 $1.500000000e+00, v47  }
0x27f: {  	v50 =	vperm.xlane v31, v2  }
0x280: {  	v38 =	vsub.f32 v23, v49;
	v51 =	vperm.xlane v34, v2;
	v23 =	vmul.f32 v35, v29  }
0x281: {  	s11 =	simm.s32 $0x200;
	v52 =	vperm.xlane v30, v5;
	v30 =	vsub.f32 v27, v49;
	v36 =	vadd.f32 v50, v31  }
0x282: {  	v27 =	vld [tilespmem:s11+$0x10858];
	v32 =	vsub.f32 v26, v49;
	v34 =	vadd.f32 v51, v34;
	v53 =	vperm.xlane v23, v5  }
0x283: {  	v26 =	vsub.f32 v28, v49;
	v28 =	vld [tilespmem:s11+$0x10868];
	v54 =	vperm.xlane v23, v4;
	v23 =	vperm.xlane v36, v3  }
0x284: {  	v33 =	vsub.f32 v33, v52;
	v59 =	vsub.f32 v22, v52;
	v31 =	vld [tilespmem:s11+$0x10848];
	v58 =	vperm.xlane v34, v3  }
0x285: {  	v29 =	vld [tilespmem:s11+$0x10838];
	v55 =	vmul.f32 v53, v9;
	v56 =	vmul.f32 v54, v13;
	v36 =	vadd.f32 v23, v36  }
0x286: {  	v22 =	vld [tilespmem:s11+$0x108C8];
	v60 =	vadd.f32 v58, v34;
	v57 =	vmul.f32 v53, v13;
	v43 =	vmul.f32 v54, v12  }
0x287: {  	v42 =	vsub.f32 v21, v52;
	v23 =	vld [tilespmem:s11+$0x108B8];
	v35 =	vmul.f32 v55, v33;
	v33 =	vmul.f32 $1.562500000e-02, v36  }
0x288: {  	v21 =	vld [tilespmem:s11+$0x108D8];
	v47 =	vadd.f32 v28, v27;
	v41 =	vmul.f32 v53, v12;
	v62 =	vmul.f32 $1.562500000e-02, v60  }
0x289: {  	v61 =	vadd.f32 v35, v6;
	v63 =	vmul.f32 v33, v33;
	v35 =	vsub.f32 v25, v52;
	v25 =	vld [tilespmem:s11+$0x108E8]  }
0x28a: {  	v37 =	vmul.f32 v54, v11;
	v34 =	vmul.f32 v53, v11;
	v46 =	vadd.f32 v31, v29  }
0x28b: {  	v36 =	vmul.f32 v54, v9;
	v38 =	vmul.f32 v56, v38;
	v44 =	vsub.f32 v62, v63  }
0x28c: {  	s13 =	sor.u32 $0x80, s21;
	s14 =	simm.s32 $0xC00;
	v40 =	vmul.f32 v57, v59;
	v39 =	vperm.xlane v33, v4;
	v45 =	vadd.f32 v22, v23;
	[tilespmem:s7+$0x188E8] =	vst v61  }
.LBB2_9:
0x28d: {  	p1 =	sne.s32 s14, $0xFC00;
	v48 =	vmul.f32 v29, v29;
	v49 =	vmul.f32 v31, v31;
	v44 =	vadd.f32 $9.999999960e-13, v44  }
0x28e: {  	v51 =	vmul.f32 v27, v27;
	v52 =	vmul.f32 v28, v28;
	v50 =	vadd.f32 v25, v21  }
0x28f: {  	v53 =	vmul.f32 v23, v23;
	v54 =	vmul.f32 $5.000000000e-01, v44;
	v44 =	vshra.s32 v44, $0x1  }
0x290: {  	v55 =	vmul.f32 v22, v22;
	v56 =	vmul.f32 v21, v21;
	v44 =	vsub.s32 $0x5F3759DF, v44  }
0x291: {  	v46 =	vadd.f32 v47, v46;
	v47 =	vmul.f32 v25, v25;
	v57 =	vmul.f32 v44, v54  }
0x292: {  	v43 =	vmul.f32 v43, v32;
	v48 =	vadd.f32 v49, v48;
	v49 =	vadd.f32 v52, v51  }
0x293: {  	v32 =	vadd.f32 v55, v53;
	v47 =	vadd.f32 v47, v56;
	v51 =	vmul.f32 v44, v57  }
0x294: {  	v41 =	vmul.f32 v41, v42;
	v45 =	vadd.f32 v50, v45;
	v48 =	vadd.f32 v49, v48  }
0x295: {  	v42 =	vadd.f32 v47, v32;
	v47 =	vperm.xlane v46, v0;
	v32 =	vsub.f32 $1.500000000e+00, v51  }
0x296: {  	v49 =	vperm.xlane v45, v0;
	v50 =	vperm.xlane v48, v0;
	v51 =	vsub.f32 v18, v39;
	v18 =	vmovc v29  }
0x297: {  	v29 =	vperm.xlane v42, v0;
	v44 =	vmul.f32 v44, v32;
	v32 =	vsub.f32 v19, v39;
	v19 =	vmovc v31  }
0x298: {  	v37 =	vmul.f32 v37, v30;
	v45 =	vadd.f32 v49, v45;
	v31 =	vadd.f32 v47, v46  }
0x299: {  	v46 =	vadd.f32 v50, v48;
	v29 =	vadd.f32 v29, v42;
	v42 =	vmul.f32 v44, v54  }
0x29a: {  	v30 =	vsub.f32 v17, v39;
	v17 =	vmovc v27;
	v39 =	vsub.f32 v20, v39;
	v31 =	vsel vm0, v31, v45  }
0x29b: {  	v20 =	vmovc v28;
	v27 =	vsel vm0, v46, v29;
	v29 =	vperm.xlane v31, v1;
	v42 =	vmul.f32 v42, v44  }
0x29c: {  	v38 =	vadd.f32 v38, v10;
	v34 =	vmul.f32 v34, v35;
	v28 =	vperm.xlane v27, v1  }
0x29d: {  	v36 =	vmul.f32 v36, v26;
	v26 =	vmovc v39;
	v29 =	vadd.f32 v29, v31;
	v31 =	vsub.f32 $1.500000000e+00, v42  }
0x29e: {  	v27 =	vadd.f32 v28, v27;
	v28 =	vadd.f32 v40, v10;
	[tilespmem:s7+$0x18838] =	vst v38  }
0x29f: {  	v35 =	vperm.xlane v29, v2;
	v38 =	vadd.f32 v43, v8;
	v31 =	vmul.f32 v31, v44  }
0x2a0: {  	v37 =	vadd.f32 v37, v7;
	v39 =	vperm.xlane v27, v2;
	[tilespmem:s7+$0x188B8] =	vst v28;
	v28 =	vadd.f32 v41, v8  }
0x2a1: {  	s15 =	sshra.s32 s14, $0x2;
	v40 =	vperm.xlane v33, v5;
	v35 =	vadd.f32 v35, v29;
	v44 =	vperm.xlane v31, v5;
	[tilespmem:s7+$0x18848] =	vst v38  }
0x2a2: {  	v33 =	vadd.f32 v39, v27;
	v38 =	vperm.xlane v31, v4;
	v29 =	vld [tilespmem:s15+$0x10838];
	[tilespmem:s7+$0x188C8] =	vst v28;
	v28 =	vadd.f32 v34, v7  }
0x2a3: {  	v24 =	vsub.f32 v24, v40;
	v34 =	vperm.xlane v35, v3;
	v31 =	vld [tilespmem:s15+$0x10848];
	v39 =	vmul.f32 v44, v9;
	[tilespmem:s7+$0x18858] =	vst v37  }
0x2a4: {  	v48 =	vsub.f32 v16, v40;
	v45 =	vmul.f32 v38, v13;
	v49 =	vmul.f32 v44, v13;
	v27 =	vld [tilespmem:s15+$0x10858];
	[tilespmem:s7+$0x188D8] =	vst v28  }
0x2a5: {  	v16 =	vmovc v23;
	v34 =	vadd.f32 v34, v35;
	v35 =	vperm.xlane v33, v3;
	v28 =	vld [tilespmem:s15+$0x10868];
	v37 =	vmul.f32 v39, v24  }
0x2a6: {  	v42 =	vsub.f32 v15, v40;
	v15 =	vmovc v22;
	v43 =	vmul.f32 v38, v12;
	v41 =	vmul.f32 v44, v12;
	v23 =	vld [tilespmem:s15+$0x108B8]  }
0x2a7: {  	v24 =	vmovc v25;
	v39 =	vadd.f32 v35, v33;
	v33 =	vmul.f32 $1.562500000e-02, v34;
	v22 =	vld [tilespmem:s15+$0x108C8];
	v46 =	vadd.f32 v37, v6  }
.Ltmp3:
0x2a8: {  	v35 =	vsub.f32 v14, v40;
	v34 =	vmul.f32 v44, v11;
	v14 =	vmovc v21;
	v37 =	vmul.f32 v38, v11;
	v21 =	vld [tilespmem:s15+$0x108D8];
	(pc) =	sbr.rel @p1 .LBB2_9-.Ltmp3, $4  }
0x2a9: {  	v47 =	vadd.f32 v36, v6;
	v40 =	vmul.f32 $1.562500000e-02, v39;
	v44 =	vmul.f32 v33, v33;
	v25 =	vld [tilespmem:s15+$0x108E8];
	[tilespmem:s10+$0x188E8] =	vst v46  }
0x2aa: {  	v36 =	vmul.f32 v38, v9;
	v39 =	vperm.xlane v33, v4  }
0x2ab: {  	v38 =	vmul.f32 v45, v51;
	v46 =	vadd.f32 v31, v29;
	v44 =	vsub.f32 v40, v44;
	[tilespmem:s7+$0x18868] =	vst v47;
	s7 =	smov.u32 s10;
	s10 =	smov.u32 s11;
	s11 =	smov.u32 s15  }
0x2ac: {  	s14 =	sadd.s32 $0x400, s14;
	v40 =	vmul.f32 v49, v48;
	v47 =	vadd.f32 v28, v27;
	v45 =	vadd.f32 v22, v23  }
0x2ad: {  	v48 =	vmul.f32 v29, v29  }
0x2ae: {  	v49 =	vmul.f32 v31, v31;
	v50 =	vmul.f32 v27, v27  }
0x2af: {  	v51 =	vmul.f32 v28, v28;
	v52 =	vmul.f32 v23, v23  }
0x2b0: {  	v54 =	vmul.f32 v22, v22;
	v55 =	vmul.f32 v21, v21;
	v53 =	vadd.f32 v25, v21  }
0x2b1: {  	v46 =	vadd.f32 v47, v46;
	v57 =	vmul.f32 v25, v25;
	v48 =	vadd.f32 v49, v48  }
0x2b2: {  	v58 =	vadd.f32 v51, v50;
	v59 =	vadd.f32 v54, v52  }
0x2b3: {  	v47 =	vadd.f32 v57, v55;
	v45 =	vadd.f32 v53, v45  }
0x2b4: {  	v60 =	vperm.xlane v46, v0  }
0x2b5: {  	v48 =	vadd.f32 v58, v48;
	v47 =	vadd.f32 v47, v59;
	v61 =	vperm.xlane v45, v0  }
0x2b6: {  	v46 =	vadd.f32 v60, v46  }
0x2b7: {  	v62 =	vperm.xlane v48, v0;
	v63 =	vperm.xlane v47, v0;
	v45 =	vadd.f32 v61, v45;
	_ =	sdelay $0x1  }
0x2b8: {  	v48 =	vadd.f32 v62, v48;
	v47 =	vadd.f32 v63, v47;
	v45 =	vsel vm0, v46, v45  }
0x2b9: {  	v46 =	vperm.xlane v45, v1  }
0x2ba: {  	v47 =	vsel vm0, v48, v47  }
0x2bb: {  	v48 =	vperm.xlane v47, v1;
	v45 =	vadd.f32 v46, v45  }
0x2bc: {  	v44 =	vadd.f32 $9.999999960e-13, v44  }
0x2bd: {  	v53 =	vadd.f32 v48, v47;
	v54 =	vperm.xlane v45, v2  }
0x2be: {  	v55 =	vmul.f32 $5.000000000e-01, v44;
	v44 =	vshra.s32 v44, $0x1  }
0x2bf: {  	v44 =	vsub.s32 $0x5F3759DF, v44;
	v48 =	vperm.xlane v53, v2;
	v45 =	vadd.f32 v54, v45  }
0x2c0: {  	v57 =	vmul.f32 v44, v55  }
0x2c1: {  	v46 =	vadd.f32 v48, v53;
	v56 =	vperm.xlane v45, v3  }
0x2c2: {  	v49 =	vmul.f32 v44, v57  }
0x2c3: {  	v45 =	vadd.f32 v56, v45;
	v58 =	vperm.xlane v46, v3  }
0x2c4: {  	v59 =	vsub.f32 $1.500000000e+00, v49  }
0x2c5: {  	v46 =	vadd.f32 v58, v46;
	v45 =	vmul.f32 $1.562500000e-02, v45  }
0x2c6: {  	v44 =	vmul.f32 v44, v59  }
0x2c7: {  	v46 =	vmul.f32 $1.562500000e-02, v46;
	v60 =	vmul.f32 v45, v45;
	_ =	sdelay $0x1  }
0x2c8: {  	v47 =	vmul.f32 v44, v55;
	v46 =	vsub.f32 v46, v60;
	_ =	sdelay $0x1  }
0x2c9: {  	v32 =	vmul.f32 v43, v32;
	v62 =	vmul.f32 v47, v44;
	v61 =	vadd.f32 $9.999999960e-13, v46  }
0x2ca: {  	v41 =	vmul.f32 v41, v42;
	v18 =	vsub.f32 v18, v39;
	v19 =	vsub.f32 v19, v39  }
0x2cb: {  	v63 =	vsub.f32 $1.500000000e+00, v62;
	v46 =	vmul.f32 $5.000000000e-01, v61;
	v43 =	vshra.s32 v61, $0x1  }
0x2cc: {  	v30 =	vmul.f32 v37, v30;
	v34 =	vmul.f32 v34, v35;
	v47 =	vsub.s32 $0x5F3759DF, v43  }
0x2cd: {  	v17 =	vsub.f32 v17, v39;
	v49 =	vmul.f32 v63, v44;
	v48 =	vmul.f32 v47, v46  }
0x2ce: {  	v20 =	vsub.f32 v20, v39;
	v26 =	vmul.f32 v36, v26;
	v33 =	vperm.xlane v33, v5  }
0x2cf: {  	v38 =	vadd.f32 v38, v10;
	v52 =	vperm.xlane v49, v5;
	v51 =	vmul.f32 v47, v48  }
0x2d0: {  	v50 =	vadd.f32 v40, v10;
	v32 =	vadd.f32 v32, v8;
	v35 =	vperm.xlane v49, v4  }
0x2d1: {  	v30 =	vadd.f32 v30, v7;
	v54 =	vmul.f32 v52, v9;
	v37 =	vsub.f32 $1.500000000e+00, v51  }
0x2d2: {  	v24 =	vsub.f32 v24, v33;
	v55 =	vmul.f32 v35, v13;
	v56 =	vmul.f32 v52, v13  }
0x2d3: {  	v34 =	vadd.f32 v34, v7;
	v57 =	vmul.f32 v35, v12;
	v37 =	vmul.f32 v47, v37  }
0x2d4: {  	v16 =	vsub.f32 v16, v33;
	v59 =	vmul.f32 v52, v12;
	v63 =	vperm.xlane v45, v4  }
0x2d5: {  	v15 =	vsub.f32 v15, v33;
	v24 =	vmul.f32 v54, v24;
	v58 =	vmul.f32 v37, v46  }
0x2d6: {  	v14 =	vsub.f32 v14, v33;
	v60 =	vmul.f32 v35, v11;
	v35 =	vmul.f32 v35, v9  }
0x2d7: {  	[tilespmem:s7+$0x18838] =	vst v38;
	v26 =	vadd.f32 v26, v6;
	v18 =	vmul.f32 v55, v18;
	v62 =	vmul.f32 v58, v37  }
0x2d8: {  	[tilespmem:s7+$0x188B8] =	vst v50;
	v53 =	vadd.f32 v41, v8;
	v16 =	vmul.f32 v56, v16;
	v19 =	vmul.f32 v57, v19  }
0x2d9: {  	[tilespmem:s7+$0x18848] =	vst v32;
	v15 =	vmul.f32 v59, v15;
	v42 =	vsub.f32 v29, v63;
	v39 =	vsub.f32 $1.500000000e+00, v62  }
0x2da: {  	[tilespmem:s7+$0x18858] =	vst v30;
	v44 =	vsub.f32 v27, v63;
	v24 =	vadd.f32 v24, v6;
	v17 =	vmul.f32 v60, v17  }
0x2db: {  	[tilespmem:s7+$0x188D8] =	vst v34;
	v18 =	vadd.f32 v18, v10;
	v16 =	vadd.f32 v16, v10;
	v46 =	vmul.f32 v39, v37  }
0x2dc: {  	[tilespmem:s7+$0x188C8] =	vst v53;
	v19 =	vadd.f32 v19, v8;
	v20 =	vmul.f32 v35, v20;
	v61 =	vmul.f32 v52, v11  }
0x2dd: {  	v15 =	vadd.f32 v15, v8;
	[tilespmem:s10+$0x188E8] =	vst v24;
	v48 =	vperm.xlane v45, v5;
	v32 =	vperm.xlane v46, v5  }
0x2de: {  	v52 =	vadd.f32 v17, v7;
	v20 =	vadd.f32 v20, v6;
	[tilespmem:s7+$0x18868] =	vst v26;
	v14 =	vmul.f32 v61, v14  }
0x2df: {  	[tilespmem:s10+$0x18838] =	vst v18;
	v50 =	vsub.f32 v25, v48;
	v49 =	vperm.xlane v46, v4;
	v51 =	vmul.f32 v32, v9  }
0x2e0: {  	v43 =	vsub.f32 v31, v63;
	[tilespmem:s10+$0x188B8] =	vst v16;
	v14 =	vadd.f32 v14, v7  }
0x2e1: {  	[tilespmem:s10+$0x18848] =	vst v19;
	v54 =	vsub.f32 v23, v48;
	v53 =	vmul.f32 v49, v13;
	v55 =	vmul.f32 v51, v50  }
0x2e2: {  	[tilespmem:s10+$0x188C8] =	vst v15;
	v57 =	vsub.f32 v22, v48;
	v59 =	vsub.f32 v21, v48;
	v15 =	vmul.f32 v32, v13  }
0x2e3: {  	[tilespmem:s10+$0x18858] =	vst v52;
	v56 =	vmul.f32 v49, v12;
	v17 =	vmul.f32 v53, v42;
	v23 =	vadd.f32 v55, v6  }
0x2e4: {  	[tilespmem:s10+$0x188D8] =	vst v14;
	v47 =	vsub.f32 v28, v63;
	v14 =	vmul.f32 v49, v11;
	v15 =	vmul.f32 v15, v54  }
0x2e5: {  	v58 =	vmul.f32 v32, v12;
	v60 =	vmul.f32 v56, v43;
	v17 =	vadd.f32 v17, v10;
	[tilespmem:s11+$0x188E8] =	vst v23  }
0x2e6: {  	v18 =	vmul.f32 v49, v9;
	v14 =	vmul.f32 v14, v44;
	v15 =	vadd.f32 v15, v10;
	[tilespmem:s10+$0x18868] =	vst v20  }
0x2e7: {  	v61 =	vmul.f32 v32, v11;
	v16 =	vmul.f32 v58, v57;
	v62 =	vadd.f32 v60, v8;
	[tilespmem:s11+$0x18838] =	vst v17  }
0x2e8: {  	v63 =	vmul.f32 v18, v47;
	v14 =	vadd.f32 v14, v7;
	[tilespmem:s11+$0x188B8] =	vst v15  }
0x2e9: {  	v19 =	vmul.f32 v61, v59;
	v15 =	vadd.f32 v16, v8;
	[tilespmem:s11+$0x18848] =	vst v62  }
0x2ea: {  	[tilespmem:s11+$0x18858] =	vst v14;
	v14 =	vadd.f32 v63, v6  }
0x2eb: {  	s15 =	sadd.s32 s5, s13;
	[tilespmem:s11+$0x188C8] =	vst v15;
	v15 =	vadd.f32 v19, v7  }
0x2ec: {  	s7 =	sshll.u32 s15, $0x4;
	[tilespmem:s11+$0x18868] =	vst v14  }
0x2ed: {  	s21 =	sand.u32 $0x3FFFFF00, s21;
	s17 =	sadd.s32 $0x1, s17;
	s7 =	sadd.s32 s9, s7;
	[tilespmem:s11+$0x188D8] =	vst v15  }
0x2ee: {  	[hbm4b:s7+s6] =	stream.linear.scatter [tilespmem:s1], [sflag:$0x6], $0x4000, $0x38;
	[tilespmem:$0x1C938] =	vst v63  }
0x2ef: {  	p1 =	sne.s32 s17, $0x63;
	s7 =	sadd.s32 $0x180, s21  }
0x2f0: {  	[tilespmem:s24], [sflag:$0x2] =	stream.indirect.gather [hbm4b:s0+s22], $0x80, s7, s22, $0xb8;
	[tilespmem:$0x1C938] =	vst v63  }
.Ltmp4:
0x2f1: {  	_ = 	snop;
	(pc) =	sbr.rel @p1 .LBB2_6-.Ltmp4, $4  }
0x2f2: {  	_ =	swait.ge [sflag:s25], $0x4000  }
0x2f3: {  	[sflag:s25] =	ssyncset.done $0x0  }
0x2f4: {  	s31 =	sadd.s32 $0x6400, s31;
	[sflag:s25] =	ssyncadd.s32 $0xFFFFC000  }
0x2f5: {  	[tilespmem:s23], [sflag:$0x3] =	stream.indirect.gather.add.f32 [spmem:s4], $0x80, s31, s22, $0xb8;
	[tilespmem:$0x1C938] =	vst v63  }
0x2f6: {  	_ =	swait.ge [sflag:s26], $0x4000  }
0x2f7: {  	[sflag:s26] =	ssyncset.done $0x0  }
0x2f8: {  	[sflag:s26] =	ssyncadd.s32 $0xFFFFC000  }
0x2f9: {  	_ =	swait.ge [sflag:s19], $0x4000  }
0x2fa: {  	[sflag:s19] =	ssyncset.done $0x0  }
0x2fb: {  	s7 =	simm.s32 $0x0;
	[sflag:s19] =	ssyncadd.s32 $0xFFFFC000  }
0x2fc: {  	v23 =	vld [tilespmem:s7+$0xC838]  }
0x2fd: {  	v26 =	vld [tilespmem:s7+$0xC848]  }
0x2fe: {  	v27 =	vld [tilespmem:s7+$0xC858]  }
0x2ff: {  	v28 =	vld [tilespmem:s7+$0xC868]  }
0x300: {  	v22 =	vld [tilespmem:s7+$0xC8B8]  }
0x301: {  	v21 =	vld [tilespmem:s7+$0xC8C8]  }
0x302: {  	v25 =	vld [tilespmem:s7+$0xC8D8]  }
0x303: {  	v33 =	vld [tilespmem:s7+$0xC8E8];
	_ =	sdelay $0x1  }
0x304: {  	v14 =	vadd.f32 v26, v23;
	v15 =	vmul.f32 v23, v23  }
0x305: {  	v16 =	vadd.f32 v28, v27;
	v17 =	vmul.f32 v26, v26;
	v18 =	vmul.f32 v27, v27  }
0x306: {  	v19 =	vadd.f32 v21, v22;
	v20 =	vmul.f32 v28, v28;
	v24 =	vmul.f32 v22, v22  }
0x307: {  	v29 =	vadd.f32 v33, v25;
	v30 =	vmul.f32 v21, v21;
	v31 =	vmul.f32 v25, v25  }
0x308: {  	v14 =	vadd.f32 v16, v14;
	v16 =	vmul.f32 v33, v33;
	v15 =	vadd.f32 v17, v15  }
0x309: {  	v17 =	vadd.f32 v20, v18;
	v18 =	vadd.f32 v30, v24  }
0x30a: {  	v19 =	vadd.f32 v29, v19;
	v16 =	vadd.f32 v16, v31  }
0x30b: {  	v15 =	vadd.f32 v17, v15  }
0x30c: {  	v17 =	vperm.xlane v14, v0;
	v16 =	vadd.f32 v16, v18;
	v18 =	vperm.xlane v19, v0  }
0x30d: {  	v20 =	vperm.xlane v15, v0  }
0x30e: {  	v14 =	vadd.f32 v17, v14;
	v24 =	vperm.xlane v16, v0;
	v17 =	vadd.f32 v18, v19;
	_ =	sdelay $0x1  }
0x30f: {  	v15 =	vadd.f32 v20, v15;
	v16 =	vadd.f32 v24, v16;
	v14 =	vsel vm0, v14, v17  }
0x310: {  	v17 =	vperm.xlane v14, v1  }
0x311: {  	v15 =	vsel vm0, v15, v16  }
0x312: {  	v16 =	vperm.xlane v15, v1;
	v14 =	vadd.f32 v17, v14;
	_ =	sdelay $0x1  }
0x313: {  	v15 =	vadd.f32 v16, v15;
	v16 =	vperm.xlane v14, v2;
	_ =	sdelay $0x1  }
0x314: {  	v17 =	vperm.xlane v15, v2;
	v14 =	vadd.f32 v16, v14  }
0x315: {  	s10 =	simm.s32 $0x100  }
0x316: {  	v18 =	vld [tilespmem:s10+$0xC838];
	v24 =	vadd.f32 v17, v15;
	v15 =	vperm.xlane v14, v3  }
0x317: {  	v19 =	vld [tilespmem:s10+$0xC848]  }
0x318: {  	v20 =	vld [tilespmem:s10+$0xC868];
	v14 =	vadd.f32 v15, v14;
	v29 =	vperm.xlane v24, v3  }
0x319: {  	v16 =	vld [tilespmem:s10+$0xC8B8]  }
0x31a: {  	v17 =	vld [tilespmem:s10+$0xC858];
	v29 =	vadd.f32 v29, v24;
	v30 =	vmul.f32 $1.562500000e-02, v14  }
0x31b: {  	v15 =	vld [tilespmem:s10+$0xC8C8]  }
0x31c: {  	v14 =	vld [tilespmem:s10+$0xC8D8];
	v29 =	vmul.f32 $1.562500000e-02, v29;
	v31 =	vmul.f32 v30, v30  }
0x31d: {  	v35 =	vmul.f32 v18, v18;
	v36 =	vmul.f32 v19, v19;
	v24 =	vld [tilespmem:s10+$0xC8E8]  }
0x31e: {  	v32 =	vadd.f32 v19, v18;
	v29 =	vsub.f32 v29, v31  }
0x31f: {  	v39 =	vmul.f32 v20, v20;
	v35 =	vadd.f32 v36, v35;
	v37 =	vmul.f32 v17, v17  }
0x320: {  	v40 =	vmul.f32 v16, v16;
	v34 =	vadd.f32 v15, v16;
	v29 =	vadd.f32 $9.999999960e-13, v29  }
0x321: {  	v42 =	vmul.f32 v15, v15;
	v62 =	vadd.f32 v39, v37;
	v43 =	vmul.f32 v14, v14  }
0x322: {  	v44 =	vmul.f32 v24, v24;
	v41 =	vmul.f32 $5.000000000e-01, v29;
	v29 =	vshra.s32 v29, $0x1  }
0x323: {  	v31 =	vadd.f32 v20, v17;
	v38 =	vadd.f32 v24, v14;
	v29 =	vsub.s32 $0x5F3759DF, v29  }
0x324: {  	v63 =	vadd.f32 v42, v40;
	v42 =	vadd.f32 v44, v43;
	v45 =	vmul.f32 v29, v41  }
0x325: {  	v35 =	vadd.f32 v62, v35;
	v34 =	vadd.f32 v38, v34  }
0x326: {  	v31 =	vadd.f32 v31, v32;
	v44 =	vadd.f32 v42, v63;
	v43 =	vmul.f32 v29, v45  }
0x327: {  	v46 =	vperm.xlane v35, v0;
	v38 =	vperm.xlane v34, v0  }
0x328: {  	v47 =	vperm.xlane v44, v0;
	v45 =	vperm.xlane v31, v0;
	v32 =	vsub.f32 $1.500000000e+00, v43  }
0x329: {  	v49 =	vadd.f32 v46, v35;
	v48 =	vadd.f32 v38, v34  }
0x32a: {  	v50 =	vadd.f32 v47, v44;
	v31 =	vadd.f32 v45, v31;
	v29 =	vmul.f32 v29, v32;
	_ =	sdelay $0x1  }
0x32b: {  	v34 =	vsel vm0, v49, v50;
	v31 =	vsel vm0, v31, v48;
	v51 =	vmul.f32 v29, v41  }
0x32c: {  	v53 =	vperm.xlane v34, v1;
	v32 =	vperm.xlane v31, v1  }
0x32d: {  	v52 =	vmul.f32 v51, v29  }
0x32e: {  	v54 =	vperm.xlane v30, v4;
	v34 =	vadd.f32 v53, v34;
	v31 =	vadd.f32 v32, v31  }
0x32f: {  	v58 =	vperm.xlane v30, v5;
	v35 =	vsub.f32 $1.500000000e+00, v52  }
0x330: {  	v56 =	vsub.f32 v23, v54;
	v57 =	vperm.xlane v34, v2;
	v55 =	vperm.xlane v31, v2  }
0x331: {  	v30 =	vsub.f32 v27, v54;
	v33 =	vsub.f32 v33, v58;
	v23 =	vmul.f32 v35, v29  }
0x332: {  	s11 =	simm.s32 $0x200;
	v34 =	vadd.f32 v57, v34;
	v36 =	vadd.f32 v55, v31  }
0x333: {  	v27 =	vld [tilespmem:s11+$0xC858];
	v49 =	vsub.f32 v22, v58;
	v59 =	vperm.xlane v23, v5;
	v60 =	vperm.xlane v23, v4  }
0x334: {  	v22 =	vld [tilespmem:s11+$0xC8C8];
	v32 =	vsub.f32 v26, v54;
	v63 =	vperm.xlane v34, v3;
	v23 =	vperm.xlane v36, v3  }
0x335: {  	v26 =	vsub.f32 v28, v54;
	v28 =	vld [tilespmem:s11+$0xC868];
	v61 =	vmul.f32 v59, v9;
	v62 =	vmul.f32 v60, v13  }
0x336: {  	v31 =	vld [tilespmem:s11+$0xC848];
	v48 =	vmul.f32 v59, v13;
	v36 =	vadd.f32 v23, v36;
	v43 =	vmul.f32 v60, v12  }
0x337: {  	v46 =	vadd.f32 v63, v34;
	v23 =	vld [tilespmem:s11+$0xC8B8];
	v41 =	vmul.f32 v59, v12;
	v37 =	vmul.f32 v60, v11  }
0x338: {  	v29 =	vld [tilespmem:s11+$0xC838];
	v35 =	vmul.f32 v61, v33;
	v33 =	vmul.f32 $1.562500000e-02, v36  }
0x339: {  	v42 =	vsub.f32 v21, v58;
	v21 =	vld [tilespmem:s11+$0xC8D8];
	v34 =	vmul.f32 v59, v11;
	v46 =	vmul.f32 $1.562500000e-02, v46  }
0x33a: {  	v47 =	vadd.f32 v35, v6;
	v50 =	vmul.f32 v33, v33;
	v35 =	vsub.f32 v25, v58;
	v25 =	vld [tilespmem:s11+$0xC8E8]  }
0x33b: {  	v36 =	vmul.f32 v60, v9;
	v38 =	vmul.f32 v62, v56  }
0x33c: {  	v39 =	vmul.f32 v48, v49;
	v45 =	vadd.f32 v22, v23;
	v44 =	vsub.f32 v46, v50  }
0x33d: {  	s13 =	simm.s32 $0xC00;
	v40 =	vperm.xlane v33, v4;
	v46 =	vadd.f32 v31, v29;
	[tilespmem:s7+$0x148E8] =	vst v47;
	v47 =	vadd.f32 v28, v27  }
.LBB2_12:
0x33e: {  	p1 =	sne.s32 s13, $0xFC00;
	v48 =	vmul.f32 v29, v29;
	v49 =	vmul.f32 v31, v31;
	v44 =	vadd.f32 $9.999999960e-13, v44  }
0x33f: {  	v51 =	vmul.f32 v27, v27;
	v52 =	vmul.f32 v28, v28;
	v50 =	vadd.f32 v25, v21  }
0x340: {  	v53 =	vmul.f32 v23, v23;
	v54 =	vmul.f32 $5.000000000e-01, v44;
	v44 =	vshra.s32 v44, $0x1  }
0x341: {  	v55 =	vmul.f32 v22, v22;
	v56 =	vmul.f32 v21, v21;
	v44 =	vsub.s32 $0x5F3759DF, v44  }
0x342: {  	v46 =	vadd.f32 v47, v46;
	v47 =	vmul.f32 v25, v25;
	v57 =	vmul.f32 v44, v54  }
0x343: {  	v43 =	vmul.f32 v43, v32;
	v48 =	vadd.f32 v49, v48;
	v49 =	vadd.f32 v52, v51  }
0x344: {  	v32 =	vadd.f32 v55, v53;
	v47 =	vadd.f32 v47, v56;
	v51 =	vmul.f32 v44, v57  }
0x345: {  	v41 =	vmul.f32 v41, v42;
	v45 =	vadd.f32 v50, v45;
	v48 =	vadd.f32 v49, v48  }
0x346: {  	v42 =	vadd.f32 v47, v32;
	v47 =	vperm.xlane v46, v0;
	v32 =	vsub.f32 $1.500000000e+00, v51  }
0x347: {  	v49 =	vperm.xlane v45, v0;
	v50 =	vperm.xlane v48, v0;
	v51 =	vsub.f32 v18, v40;
	v18 =	vmovc v29  }
0x348: {  	v29 =	vperm.xlane v42, v0;
	v44 =	vmul.f32 v44, v32;
	v32 =	vsub.f32 v19, v40;
	v19 =	vmovc v31  }
0x349: {  	v37 =	vmul.f32 v37, v30;
	v45 =	vadd.f32 v49, v45;
	v31 =	vadd.f32 v47, v46  }
0x34a: {  	v46 =	vadd.f32 v50, v48;
	v29 =	vadd.f32 v29, v42;
	v42 =	vmul.f32 v44, v54  }
0x34b: {  	v30 =	vsub.f32 v17, v40;
	v17 =	vmovc v27;
	v40 =	vsub.f32 v20, v40;
	v31 =	vsel vm0, v31, v45  }
0x34c: {  	v20 =	vmovc v28;
	v27 =	vsel vm0, v46, v29;
	v29 =	vperm.xlane v31, v1;
	v42 =	vmul.f32 v42, v44  }
0x34d: {  	v38 =	vadd.f32 v38, v10;
	v34 =	vmul.f32 v34, v35;
	v28 =	vperm.xlane v27, v1  }
0x34e: {  	v36 =	vmul.f32 v36, v26;
	v26 =	vmovc v40;
	v29 =	vadd.f32 v29, v31;
	v31 =	vsub.f32 $1.500000000e+00, v42  }
0x34f: {  	v27 =	vadd.f32 v28, v27;
	v28 =	vadd.f32 v39, v10;
	[tilespmem:s7+$0x14838] =	vst v38  }
0x350: {  	v35 =	vperm.xlane v29, v2;
	v38 =	vadd.f32 v43, v8;
	v31 =	vmul.f32 v31, v44  }
0x351: {  	v37 =	vadd.f32 v37, v7;
	v39 =	vperm.xlane v27, v2;
	[tilespmem:s7+$0x148B8] =	vst v28;
	v28 =	vadd.f32 v41, v8  }
0x352: {  	s14 =	sshra.s32 s13, $0x2;
	v40 =	vperm.xlane v33, v5;
	v35 =	vadd.f32 v35, v29;
	v44 =	vperm.xlane v31, v5;
	[tilespmem:s7+$0x14848] =	vst v38  }
0x353: {  	v33 =	vadd.f32 v39, v27;
	v38 =	vperm.xlane v31, v4;
	v29 =	vld [tilespmem:s14+$0xC838];
	[tilespmem:s7+$0x148C8] =	vst v28;
	v28 =	vadd.f32 v34, v7  }
0x354: {  	v24 =	vsub.f32 v24, v40;
	v34 =	vperm.xlane v35, v3;
	v31 =	vld [tilespmem:s14+$0xC848];
	v39 =	vmul.f32 v44, v9;
	[tilespmem:s7+$0x14858] =	vst v37  }
0x355: {  	v48 =	vsub.f32 v16, v40;
	v45 =	vmul.f32 v38, v13;
	v49 =	vmul.f32 v44, v13;
	v27 =	vld [tilespmem:s14+$0xC858];
	[tilespmem:s7+$0x148D8] =	vst v28  }
0x356: {  	v16 =	vmovc v23;
	v34 =	vadd.f32 v34, v35;
	v35 =	vperm.xlane v33, v3;
	v28 =	vld [tilespmem:s14+$0xC868];
	v37 =	vmul.f32 v39, v24  }
0x357: {  	v42 =	vsub.f32 v15, v40;
	v15 =	vmovc v22;
	v43 =	vmul.f32 v38, v12;
	v41 =	vmul.f32 v44, v12;
	v23 =	vld [tilespmem:s14+$0xC8B8]  }
0x358: {  	v24 =	vmovc v25;
	v39 =	vadd.f32 v35, v33;
	v33 =	vmul.f32 $1.562500000e-02, v34;
	v22 =	vld [tilespmem:s14+$0xC8C8];
	v46 =	vadd.f32 v37, v6  }
.Ltmp5:
0x359: {  	v35 =	vsub.f32 v14, v40;
	v34 =	vmul.f32 v44, v11;
	v14 =	vmovc v21;
	v37 =	vmul.f32 v38, v11;
	v21 =	vld [tilespmem:s14+$0xC8D8];
	(pc) =	sbr.rel @p1 .LBB2_12-.Ltmp5, $4  }
0x35a: {  	v47 =	vadd.f32 v36, v6;
	v39 =	vmul.f32 $1.562500000e-02, v39;
	v44 =	vmul.f32 v33, v33;
	v25 =	vld [tilespmem:s14+$0xC8E8];
	[tilespmem:s10+$0x148E8] =	vst v46  }
0x35b: {  	v36 =	vmul.f32 v38, v9;
	v40 =	vperm.xlane v33, v4  }
0x35c: {  	v38 =	vmul.f32 v45, v51;
	v46 =	vadd.f32 v31, v29;
	v44 =	vsub.f32 v39, v44;
	[tilespmem:s7+$0x14868] =	vst v47;
	s7 =	smov.u32 s10;
	s10 =	smov.u32 s11;
	s11 =	smov.u32 s14  }
0x35d: {  	s13 =	sadd.s32 $0x400, s13;
	v39 =	vmul.f32 v49, v48;
	v47 =	vadd.f32 v28, v27;
	v45 =	vadd.f32 v22, v23  }
0x35e: {  	v48 =	vmul.f32 v29, v29  }
0x35f: {  	v49 =	vmul.f32 v31, v31;
	v50 =	vmul.f32 v27, v27  }
0x360: {  	v51 =	vmul.f32 v28, v28;
	v52 =	vmul.f32 v23, v23  }
0x361: {  	v54 =	vmul.f32 v22, v22;
	v55 =	vmul.f32 v21, v21;
	v53 =	vadd.f32 v25, v21  }
0x362: {  	v46 =	vadd.f32 v47, v46;
	v59 =	vmul.f32 v25, v25;
	v48 =	vadd.f32 v49, v48  }
0x363: {  	v60 =	vadd.f32 v51, v50;
	v61 =	vadd.f32 v54, v52  }
0x364: {  	v47 =	vadd.f32 v59, v55;
	v45 =	vadd.f32 v53, v45  }
0x365: {  	v62 =	vperm.xlane v46, v0  }
0x366: {  	v48 =	vadd.f32 v60, v48;
	v47 =	vadd.f32 v47, v61;
	v63 =	vperm.xlane v45, v0  }
0x367: {  	v46 =	vadd.f32 v62, v46  }
0x368: {  	v56 =	vperm.xlane v48, v0;
	v57 =	vperm.xlane v47, v0;
	v45 =	vadd.f32 v63, v45;
	_ =	sdelay $0x1  }
0x369: {  	v48 =	vadd.f32 v56, v48;
	v47 =	vadd.f32 v57, v47;
	v45 =	vsel vm0, v46, v45  }
0x36a: {  	v46 =	vperm.xlane v45, v1  }
0x36b: {  	v47 =	vsel vm0, v48, v47  }
0x36c: {  	v48 =	vperm.xlane v47, v1;
	v45 =	vadd.f32 v46, v45;
	_ =	sdelay $0x1  }
0x36d: {  	v58 =	vadd.f32 v48, v47;
	v59 =	vperm.xlane v45, v2  }
0x36e: {  	v44 =	vadd.f32 $9.999999960e-13, v44  }
0x36f: {  	v48 =	vperm.xlane v58, v2;
	v45 =	vadd.f32 v59, v45  }
0x370: {  	v60 =	vmul.f32 $5.000000000e-01, v44;
	v44 =	vshra.s32 v44, $0x1  }
0x371: {  	v44 =	vsub.s32 $0x5F3759DF, v44;
	v46 =	vadd.f32 v48, v58;
	v61 =	vperm.xlane v45, v3  }
0x372: {  	v62 =	vmul.f32 v44, v60  }
0x373: {  	v45 =	vadd.f32 v61, v45;
	v63 =	vperm.xlane v46, v3  }
0x374: {  	v49 =	vmul.f32 v44, v62  }
0x375: {  	v46 =	vadd.f32 v63, v46;
	v45 =	vmul.f32 $1.562500000e-02, v45  }
0x376: {  	v52 =	vsub.f32 $1.500000000e+00, v49  }
0x377: {  	v46 =	vmul.f32 $1.562500000e-02, v46;
	v53 =	vmul.f32 v45, v45  }
0x378: {  	v44 =	vmul.f32 v44, v52  }
0x379: {  	v46 =	vsub.f32 v46, v53  }
0x37a: {  	v47 =	vmul.f32 v44, v60  }
0x37b: {  	v32 =	vmul.f32 v43, v32;
	v41 =	vmul.f32 v41, v42;
	v54 =	vadd.f32 $9.999999960e-13, v46  }
0x37c: {  	v18 =	vsub.f32 v18, v40;
	v19 =	vsub.f32 v19, v40;
	v55 =	vmul.f32 v47, v44  }
0x37d: {  	v30 =	vmul.f32 v37, v30;
	v46 =	vmul.f32 $5.000000000e-01, v54;
	v43 =	vshra.s32 v54, $0x1  }
0x37e: {  	v17 =	vsub.f32 v17, v40;
	v56 =	vsub.f32 $1.500000000e+00, v55;
	v57 =	vsub.s32 $0x5F3759DF, v43  }
0x37f: {  	v20 =	vsub.f32 v20, v40;
	v34 =	vmul.f32 v34, v35;
	v58 =	vmul.f32 v57, v46  }
0x380: {  	v38 =	vadd.f32 v38, v10;
	v33 =	vperm.xlane v33, v5;
	v59 =	vmul.f32 v56, v44  }
0x381: {  	v32 =	vadd.f32 v32, v8;
	v30 =	vadd.f32 v30, v7;
	v61 =	vmul.f32 v57, v58  }
0x382: {  	v24 =	vsub.f32 v24, v33;
	v62 =	vperm.xlane v59, v5;
	v35 =	vperm.xlane v59, v4  }
0x383: {  	v26 =	vmul.f32 v36, v26;
	v34 =	vadd.f32 v34, v7;
	v37 =	vsub.f32 $1.500000000e+00, v61  }
0x384: {  	v16 =	vsub.f32 v16, v33;
	v48 =	vmul.f32 v62, v9;
	v49 =	vmul.f32 v35, v13  }
0x385: {  	v15 =	vsub.f32 v15, v33;
	v50 =	vmul.f32 v62, v13;
	v37 =	vmul.f32 v57, v37  }
0x386: {  	v14 =	vsub.f32 v14, v33;
	v51 =	vmul.f32 v35, v12;
	v55 =	vmul.f32 v62, v11  }
0x387: {  	v26 =	vadd.f32 v26, v6;
	v24 =	vmul.f32 v48, v24;
	v52 =	vmul.f32 v37, v46  }
0x388: {  	[tilespmem:s7+$0x14838] =	vst v38;
	v60 =	vadd.f32 v39, v10;
	v53 =	vmul.f32 v62, v12;
	v18 =	vmul.f32 v49, v18  }
0x389: {  	[tilespmem:s7+$0x14848] =	vst v32;
	v63 =	vadd.f32 v41, v8;
	v16 =	vmul.f32 v50, v16;
	v56 =	vmul.f32 v52, v37  }
0x38a: {  	[tilespmem:s7+$0x14858] =	vst v30;
	v19 =	vmul.f32 v51, v19;
	v14 =	vmul.f32 v55, v14;
	v24 =	vadd.f32 v24, v6  }
0x38b: {  	[tilespmem:s7+$0x148D8] =	vst v34;
	v18 =	vadd.f32 v18, v10;
	v57 =	vperm.xlane v45, v4;
	v58 =	vsub.f32 $1.500000000e+00, v56  }
0x38c: {  	[tilespmem:s7+$0x148B8] =	vst v60;
	v15 =	vmul.f32 v53, v15;
	v16 =	vadd.f32 v16, v10;
	v19 =	vadd.f32 v19, v8  }
0x38d: {  	[tilespmem:s7+$0x148C8] =	vst v63;
	v54 =	vmul.f32 v35, v11;
	v30 =	vsub.f32 v31, v57;
	v31 =	vmul.f32 v58, v37  }
0x38e: {  	v14 =	vadd.f32 v14, v7;
	v35 =	vmul.f32 v35, v9;
	[tilespmem:s10+$0x148E8] =	vst v24;
	v24 =	vperm.xlane v45, v5  }
0x38f: {  	v15 =	vadd.f32 v15, v8;
	[tilespmem:s7+$0x14868] =	vst v26;
	v17 =	vmul.f32 v54, v17;
	v32 =	vperm.xlane v31, v5  }
0x390: {  	v25 =	vsub.f32 v25, v24;
	v20 =	vmul.f32 v35, v20;
	[tilespmem:s10+$0x14848] =	vst v19;
	v19 =	vsub.f32 v23, v24  }
0x391: {  	[tilespmem:s10+$0x14838] =	vst v18;
	v22 =	vsub.f32 v22, v24;
	v18 =	vperm.xlane v31, v4;
	v26 =	vmul.f32 v32, v9  }
0x392: {  	[tilespmem:s10+$0x148B8] =	vst v16;
	v16 =	vadd.f32 v17, v7;
	v20 =	vadd.f32 v20, v6  }
0x393: {  	[tilespmem:s10+$0x148C8] =	vst v15;
	v29 =	vsub.f32 v29, v57;
	v17 =	vmul.f32 v18, v13;
	v23 =	vmul.f32 v26, v25  }
0x394: {  	[tilespmem:s10+$0x14858] =	vst v16;
	v27 =	vsub.f32 v27, v57;
	v15 =	vmul.f32 v32, v13;
	v16 =	vmul.f32 v32, v12  }
0x395: {  	[tilespmem:s10+$0x148D8] =	vst v14;
	v14 =	vmul.f32 v18, v11;
	v17 =	vmul.f32 v17, v29;
	v23 =	vadd.f32 v23, v6  }
0x396: {  	v28 =	vsub.f32 v28, v57;
	v25 =	vmul.f32 v18, v12;
	v15 =	vmul.f32 v15, v19  }
0x397: {  	v19 =	vsub.f32 v21, v24;
	v14 =	vmul.f32 v14, v27;
	v17 =	vadd.f32 v17, v10;
	[tilespmem:s11+$0x148E8] =	vst v23  }
0x398: {  	v16 =	vmul.f32 v16, v22;
	v15 =	vadd.f32 v15, v10;
	v23 =	vmul.f32 v32, v11;
	[tilespmem:s10+$0x14868] =	vst v20  }
0x399: {  	v18 =	vmul.f32 v18, v9;
	v21 =	vmul.f32 v25, v30;
	v14 =	vadd.f32 v14, v7;
	[tilespmem:s11+$0x14838] =	vst v17  }
0x39a: {  	v19 =	vmul.f32 v23, v19;
	[tilespmem:s11+$0x148B8] =	vst v15;
	v15 =	vadd.f32 v16, v8  }
0x39b: {  	v17 =	vadd.f32 v21, v8;
	v16 =	vmul.f32 v18, v28;
	[tilespmem:s11+$0x14858] =	vst v14  }
0x39c: {  	[tilespmem:s11+$0x148C8] =	vst v15;
	v15 =	vadd.f32 v19, v7  }
0x39d: {  	[tilespmem:s11+$0x14848] =	vst v17;
	v14 =	vadd.f32 v16, v6  }
0x39e: {  	[tilespmem:s11+$0x148D8] =	vst v15  }
0x39f: {  	s17 =	simm.s32 $0x0;
	s21 =	rddreg [dreg:$0xa];
	[tilespmem:s11+$0x14868] =	vst v14  }
0x3a0: {  	[hbm4b:s21+s17] =	stream.linear.scatter [tilespmem:s28], [sflag:$0x5], $0x4000, $0x38;
	[tilespmem:$0x1C938] =	vst v63  }
0x3a1: {  	_ =	swait.ge [sflag:s30], $0x4000  }
0x3a2: {  	[sflag:s30] =	ssyncset.done $0x0  }
0x3a3: {  	s31 =	simm.s32 $0xC780;
	[sflag:s30] =	ssyncadd.s32 $0xFFFFC000  }
0x3a4: {  	[tilespmem:s24], [sflag:$0x4] =	stream.indirect.gather.add.f32 [spmem:s4], $0x80, s31, s22, $0xb8;
	[tilespmem:$0x1C938] =	vst v63  }
0x3a5: {  	_ =	swait.ge [sflag:s2], $0x4000  }
0x3a6: {  	[sflag:s2] =	ssyncset.done $0x0  }
0x3a7: {  	[sflag:s2] =	ssyncadd.s32 $0xFFFFC000  }
0x3a8: {  	_ =	swait.ge [sflag:s29], $0x4000  }
0x3a9: {  	[sflag:s29] =	ssyncset.done $0x0  }
0x3aa: {  	s7 =	simm.s32 $0x0;
	[sflag:s29] =	ssyncadd.s32 $0xFFFFC000  }
0x3ab: {  	v23 =	vld [tilespmem:s7+$0x10838]  }
0x3ac: {  	v26 =	vld [tilespmem:s7+$0x10848]  }
0x3ad: {  	v27 =	vld [tilespmem:s7+$0x10858]  }
0x3ae: {  	v28 =	vld [tilespmem:s7+$0x10868]  }
0x3af: {  	v22 =	vld [tilespmem:s7+$0x108B8]  }
0x3b0: {  	v21 =	vld [tilespmem:s7+$0x108C8]  }
0x3b1: {  	v25 =	vld [tilespmem:s7+$0x108D8]  }
0x3b2: {  	v33 =	vld [tilespmem:s7+$0x108E8];
	_ =	sdelay $0x1  }
0x3b3: {  	v14 =	vadd.f32 v26, v23;
	v15 =	vmul.f32 v23, v23  }
0x3b4: {  	v16 =	vadd.f32 v28, v27;
	v17 =	vmul.f32 v26, v26;
	v18 =	vmul.f32 v27, v27  }
0x3b5: {  	v19 =	vadd.f32 v21, v22;
	v20 =	vmul.f32 v28, v28;
	v24 =	vmul.f32 v22, v22  }
0x3b6: {  	v29 =	vadd.f32 v33, v25;
	v30 =	vmul.f32 v21, v21;
	v31 =	vmul.f32 v25, v25  }
0x3b7: {  	v14 =	vadd.f32 v16, v14;
	v16 =	vmul.f32 v33, v33;
	v15 =	vadd.f32 v17, v15  }
0x3b8: {  	v17 =	vadd.f32 v20, v18;
	v18 =	vadd.f32 v30, v24  }
0x3b9: {  	v19 =	vadd.f32 v29, v19;
	v16 =	vadd.f32 v16, v31  }
0x3ba: {  	v15 =	vadd.f32 v17, v15  }
0x3bb: {  	v17 =	vperm.xlane v14, v0;
	v16 =	vadd.f32 v16, v18;
	v18 =	vperm.xlane v19, v0  }
0x3bc: {  	v20 =	vperm.xlane v15, v0  }
0x3bd: {  	v14 =	vadd.f32 v17, v14;
	v24 =	vperm.xlane v16, v0;
	v17 =	vadd.f32 v18, v19;
	_ =	sdelay $0x1  }
0x3be: {  	v15 =	vadd.f32 v20, v15;
	v16 =	vadd.f32 v24, v16;
	v14 =	vsel vm0, v14, v17  }
0x3bf: {  	v17 =	vperm.xlane v14, v1  }
0x3c0: {  	v15 =	vsel vm0, v15, v16  }
0x3c1: {  	v16 =	vperm.xlane v15, v1;
	v14 =	vadd.f32 v17, v14;
	_ =	sdelay $0x1  }
0x3c2: {  	v15 =	vadd.f32 v16, v15;
	v16 =	vperm.xlane v14, v2;
	_ =	sdelay $0x1  }
0x3c3: {  	v17 =	vperm.xlane v15, v2;
	v14 =	vadd.f32 v16, v14;
	_ =	sdelay $0x1  }
0x3c4: {  	s10 =	simm.s32 $0x100;
	v24 =	vadd.f32 v17, v15;
	v15 =	vperm.xlane v14, v3  }
0x3c5: {  	v18 =	vld [tilespmem:s10+$0x10838]  }
0x3c6: {  	v19 =	vld [tilespmem:s10+$0x10848];
	v14 =	vadd.f32 v15, v14;
	v29 =	vperm.xlane v24, v3  }
0x3c7: {  	v20 =	vld [tilespmem:s10+$0x10868]  }
0x3c8: {  	v16 =	vld [tilespmem:s10+$0x108B8];
	v29 =	vadd.f32 v29, v24;
	v30 =	vmul.f32 $1.562500000e-02, v14  }
0x3c9: {  	v17 =	vld [tilespmem:s10+$0x10858]  }
0x3ca: {  	v15 =	vld [tilespmem:s10+$0x108C8];
	v29 =	vmul.f32 $1.562500000e-02, v29;
	v31 =	vmul.f32 v30, v30  }
0x3cb: {  	v14 =	vld [tilespmem:s10+$0x108D8]  }
0x3cc: {  	v61 =	vmul.f32 v18, v18;
	v62 =	vmul.f32 v19, v19;
	v24 =	vld [tilespmem:s10+$0x108E8];
	v29 =	vsub.f32 v29, v31  }
0x3cd: {  	v59 =	vadd.f32 v19, v18;
	v49 =	vmul.f32 v20, v20  }
0x3ce: {  	v35 =	vadd.f32 v62, v61;
	v63 =	vmul.f32 v17, v17;
	v29 =	vadd.f32 $9.999999960e-13, v29  }
0x3cf: {  	v50 =	vmul.f32 v16, v16;
	v60 =	vadd.f32 v15, v16;
	v52 =	vmul.f32 v15, v15  }
0x3d0: {  	v56 =	vadd.f32 v49, v63;
	v51 =	vmul.f32 $5.000000000e-01, v29;
	v29 =	vshra.s32 v29, $0x1  }
0x3d1: {  	v53 =	vmul.f32 v14, v14;
	v54 =	vmul.f32 v24, v24;
	v29 =	vsub.s32 $0x5F3759DF, v29  }
0x3d2: {  	v31 =	vadd.f32 v20, v17;
	v48 =	vadd.f32 v24, v14;
	v55 =	vmul.f32 v29, v51  }
0x3d3: {  	v57 =	vadd.f32 v52, v50;
	v58 =	vadd.f32 v54, v53  }
0x3d4: {  	v31 =	vadd.f32 v31, v59;
	v34 =	vadd.f32 v48, v60;
	v59 =	vmul.f32 v29, v55  }
0x3d5: {  	v35 =	vadd.f32 v56, v35;
	v60 =	vadd.f32 v58, v57  }
0x3d6: {  	v61 =	vperm.xlane v31, v0;
	v38 =	vperm.xlane v34, v0;
	v32 =	vsub.f32 $1.500000000e+00, v59  }
0x3d7: {  	v62 =	vperm.xlane v35, v0;
	v63 =	vperm.xlane v60, v0  }
0x3d8: {  	v31 =	vadd.f32 v61, v31;
	v44 =	vadd.f32 v38, v34;
	v29 =	vmul.f32 v29, v32  }
0x3d9: {  	v45 =	vadd.f32 v62, v35;
	v46 =	vadd.f32 v63, v60  }
0x3da: {  	v31 =	vsel vm0, v31, v44;
	v47 =	vmul.f32 v29, v51  }
0x3db: {  	v34 =	vsel vm0, v45, v46;
	v32 =	vperm.xlane v31, v1  }
0x3dc: {  	v49 =	vperm.xlane v34, v1;
	v48 =	vmul.f32 v47, v29  }
0x3dd: {  	v31 =	vadd.f32 v32, v31  }
0x3de: {  	v50 =	vperm.xlane v30, v4;
	v34 =	vadd.f32 v49, v34;
	v35 =	vsub.f32 $1.500000000e+00, v48  }
0x3df: {  	v51 =	vperm.xlane v31, v2  }
0x3e0: {  	v38 =	vsub.f32 v23, v50;
	v52 =	vperm.xlane v34, v2;
	v23 =	vmul.f32 v35, v29  }
0x3e1: {  	s11 =	simm.s32 $0x200;
	v39 =	vperm.xlane v30, v5;
	v30 =	vsub.f32 v27, v50;
	v36 =	vadd.f32 v51, v31  }
0x3e2: {  	v27 =	vld [tilespmem:s11+$0x10858];
	v32 =	vsub.f32 v26, v50;
	v34 =	vadd.f32 v52, v34;
	v53 =	vperm.xlane v23, v5  }
0x3e3: {  	v26 =	vsub.f32 v28, v50;
	v28 =	vld [tilespmem:s11+$0x10868];
	v54 =	vperm.xlane v23, v4;
	v23 =	vperm.xlane v36, v3  }
0x3e4: {  	v33 =	vsub.f32 v33, v39;
	v59 =	vsub.f32 v22, v39;
	v31 =	vld [tilespmem:s11+$0x10848];
	v58 =	vperm.xlane v34, v3  }
0x3e5: {  	v29 =	vld [tilespmem:s11+$0x10838];
	v55 =	vmul.f32 v53, v9;
	v56 =	vmul.f32 v54, v13;
	v36 =	vadd.f32 v23, v36  }
0x3e6: {  	v22 =	vld [tilespmem:s11+$0x108C8];
	v60 =	vadd.f32 v58, v34;
	v57 =	vmul.f32 v53, v13;
	v43 =	vmul.f32 v54, v12  }
0x3e7: {  	v42 =	vsub.f32 v21, v39;
	v23 =	vld [tilespmem:s11+$0x108B8];
	v35 =	vmul.f32 v55, v33;
	v33 =	vmul.f32 $1.562500000e-02, v36  }
0x3e8: {  	v21 =	vld [tilespmem:s11+$0x108D8];
	v47 =	vadd.f32 v28, v27;
	v41 =	vmul.f32 v53, v12;
	v62 =	vmul.f32 $1.562500000e-02, v60  }
0x3e9: {  	v61 =	vadd.f32 v35, v6;
	v63 =	vmul.f32 v33, v33;
	v35 =	vsub.f32 v25, v39;
	v25 =	vld [tilespmem:s11+$0x108E8]  }
0x3ea: {  	v37 =	vmul.f32 v54, v11;
	v34 =	vmul.f32 v53, v11;
	v46 =	vadd.f32 v31, v29  }
0x3eb: {  	v36 =	vmul.f32 v54, v9;
	v38 =	vmul.f32 v56, v38;
	v44 =	vsub.f32 v62, v63  }
0x3ec: {  	s13 =	simm.s32 $0xC00;
	v40 =	vperm.xlane v33, v4;
	v39 =	vmul.f32 v57, v59;
	v45 =	vadd.f32 v22, v23;
	[tilespmem:s7+$0x188E8] =	vst v61  }
.LBB2_14:
0x3ed: {  	p1 =	sne.s32 s13, $0xFC00;
	v48 =	vmul.f32 v29, v29;
	v49 =	vmul.f32 v31, v31;
	v44 =	vadd.f32 $9.999999960e-13, v44  }
0x3ee: {  	v51 =	vmul.f32 v27, v27;
	v52 =	vmul.f32 v28, v28;
	v50 =	vadd.f32 v25, v21  }
0x3ef: {  	v53 =	vmul.f32 v23, v23;
	v54 =	vmul.f32 $5.000000000e-01, v44;
	v44 =	vshra.s32 v44, $0x1  }
0x3f0: {  	v55 =	vmul.f32 v22, v22;
	v56 =	vmul.f32 v21, v21;
	v44 =	vsub.s32 $0x5F3759DF, v44  }
0x3f1: {  	v46 =	vadd.f32 v47, v46;
	v47 =	vmul.f32 v25, v25;
	v57 =	vmul.f32 v44, v54  }
0x3f2: {  	v43 =	vmul.f32 v43, v32;
	v48 =	vadd.f32 v49, v48;
	v49 =	vadd.f32 v52, v51  }
0x3f3: {  	v32 =	vadd.f32 v55, v53;
	v47 =	vadd.f32 v47, v56;
	v51 =	vmul.f32 v44, v57  }
0x3f4: {  	v41 =	vmul.f32 v41, v42;
	v45 =	vadd.f32 v50, v45;
	v48 =	vadd.f32 v49, v48  }
0x3f5: {  	v42 =	vadd.f32 v47, v32;
	v47 =	vperm.xlane v46, v0;
	v32 =	vsub.f32 $1.500000000e+00, v51  }
0x3f6: {  	v49 =	vperm.xlane v45, v0;
	v50 =	vperm.xlane v48, v0;
	v51 =	vsub.f32 v18, v40;
	v18 =	vmovc v29  }
0x3f7: {  	v29 =	vperm.xlane v42, v0;
	v44 =	vmul.f32 v44, v32;
	v32 =	vsub.f32 v19, v40;
	v19 =	vmovc v31  }
0x3f8: {  	v37 =	vmul.f32 v37, v30;
	v45 =	vadd.f32 v49, v45;
	v31 =	vadd.f32 v47, v46  }
0x3f9: {  	v46 =	vadd.f32 v50, v48;
	v29 =	vadd.f32 v29, v42;
	v42 =	vmul.f32 v44, v54  }
0x3fa: {  	v30 =	vsub.f32 v17, v40;
	v17 =	vmovc v27;
	v40 =	vsub.f32 v20, v40;
	v31 =	vsel vm0, v31, v45  }
0x3fb: {  	v20 =	vmovc v28;
	v27 =	vsel vm0, v46, v29;
	v29 =	vperm.xlane v31, v1;
	v42 =	vmul.f32 v42, v44  }
0x3fc: {  	v38 =	vadd.f32 v38, v10;
	v34 =	vmul.f32 v34, v35;
	v28 =	vperm.xlane v27, v1  }
0x3fd: {  	v36 =	vmul.f32 v36, v26;
	v26 =	vmovc v40;
	v29 =	vadd.f32 v29, v31;
	v31 =	vsub.f32 $1.500000000e+00, v42  }
0x3fe: {  	v27 =	vadd.f32 v28, v27;
	v28 =	vadd.f32 v39, v10;
	[tilespmem:s7+$0x18838] =	vst v38  }
0x3ff: {  	v35 =	vperm.xlane v29, v2;
	v38 =	vadd.f32 v43, v8;
	v31 =	vmul.f32 v31, v44  }
0x400: {  	v37 =	vadd.f32 v37, v7;
	v39 =	vperm.xlane v27, v2;
	[tilespmem:s7+$0x188B8] =	vst v28;
	v28 =	vadd.f32 v41, v8  }
0x401: {  	s14 =	sshra.s32 s13, $0x2;
	v40 =	vperm.xlane v33, v5;
	v35 =	vadd.f32 v35, v29;
	v44 =	vperm.xlane v31, v5;
	[tilespmem:s7+$0x18848] =	vst v38  }
0x402: {  	v33 =	vadd.f32 v39, v27;
	v38 =	vperm.xlane v31, v4;
	v29 =	vld [tilespmem:s14+$0x10838];
	[tilespmem:s7+$0x188C8] =	vst v28;
	v28 =	vadd.f32 v34, v7  }
0x403: {  	v24 =	vsub.f32 v24, v40;
	v34 =	vperm.xlane v35, v3;
	v31 =	vld [tilespmem:s14+$0x10848];
	v39 =	vmul.f32 v44, v9;
	[tilespmem:s7+$0x18858] =	vst v37  }
0x404: {  	v48 =	vsub.f32 v16, v40;
	v45 =	vmul.f32 v38, v13;
	v49 =	vmul.f32 v44, v13;
	v27 =	vld [tilespmem:s14+$0x10858];
	[tilespmem:s7+$0x188D8] =	vst v28  }
0x405: {  	v16 =	vmovc v23;
	v34 =	vadd.f32 v34, v35;
	v35 =	vperm.xlane v33, v3;
	v28 =	vld [tilespmem:s14+$0x10868];
	v37 =	vmul.f32 v39, v24  }
0x406: {  	v42 =	vsub.f32 v15, v40;
	v15 =	vmovc v22;
	v43 =	vmul.f32 v38, v12;
	v41 =	vmul.f32 v44, v12;
	v23 =	vld [tilespmem:s14+$0x108B8]  }
0x407: {  	v24 =	vmovc v25;
	v39 =	vadd.f32 v35, v33;
	v33 =	vmul.f32 $1.562500000e-02, v34;
	v22 =	vld [tilespmem:s14+$0x108C8];
	v46 =	vadd.f32 v37, v6  }
.Ltmp6:
0x408: {  	v35 =	vsub.f32 v14, v40;
	v34 =	vmul.f32 v44, v11;
	v14 =	vmovc v21;
	v37 =	vmul.f32 v38, v11;
	v21 =	vld [tilespmem:s14+$0x108D8];
	(pc) =	sbr.rel @p1 .LBB2_14-.Ltmp6, $4  }
0x409: {  	v47 =	vadd.f32 v36, v6;
	v39 =	vmul.f32 $1.562500000e-02, v39;
	v44 =	vmul.f32 v33, v33;
	v25 =	vld [tilespmem:s14+$0x108E8];
	[tilespmem:s10+$0x188E8] =	vst v46  }
0x40a: {  	v36 =	vmul.f32 v38, v9;
	v40 =	vperm.xlane v33, v4  }
0x40b: {  	v38 =	vmul.f32 v45, v51;
	v46 =	vadd.f32 v31, v29;
	v44 =	vsub.f32 v39, v44;
	[tilespmem:s7+$0x18868] =	vst v47;
	s7 =	smov.u32 s10;
	s10 =	smov.u32 s11;
	s11 =	smov.u32 s14  }
0x40c: {  	s13 =	sadd.s32 $0x400, s13;
	v39 =	vmul.f32 v49, v48;
	v47 =	vadd.f32 v28, v27;
	v45 =	vadd.f32 v22, v23  }
0x40d: {  	v48 =	vmul.f32 v29, v29  }
0x40e: {  	v49 =	vmul.f32 v31, v31;
	v50 =	vmul.f32 v27, v27  }
0x40f: {  	v51 =	vmul.f32 v28, v28;
	v52 =	vmul.f32 v23, v23  }
0x410: {  	v54 =	vmul.f32 v22, v22;
	v55 =	vmul.f32 v21, v21;
	v53 =	vadd.f32 v25, v21  }
0x411: {  	v46 =	vadd.f32 v47, v46;
	v62 =	vmul.f32 v25, v25;
	v48 =	vadd.f32 v49, v48  }
0x412: {  	v63 =	vadd.f32 v51, v50;
	v56 =	vadd.f32 v54, v52  }
0x413: {  	v47 =	vadd.f32 v62, v55;
	v45 =	vadd.f32 v53, v45  }
0x414: {  	v57 =	vperm.xlane v46, v0  }
0x415: {  	v48 =	vadd.f32 v63, v48;
	v47 =	vadd.f32 v47, v56;
	v58 =	vperm.xlane v45, v0  }
0x416: {  	v46 =	vadd.f32 v57, v46  }
0x417: {  	v59 =	vperm.xlane v48, v0;
	v60 =	vperm.xlane v47, v0;
	v45 =	vadd.f32 v58, v45;
	_ =	sdelay $0x1  }
0x418: {  	v48 =	vadd.f32 v59, v48;
	v47 =	vadd.f32 v60, v47;
	v45 =	vsel vm0, v46, v45  }
0x419: {  	v46 =	vperm.xlane v45, v1  }
0x41a: {  	v47 =	vsel vm0, v48, v47  }
0x41b: {  	v48 =	vperm.xlane v47, v1;
	v45 =	vadd.f32 v46, v45  }
0x41c: {  	v44 =	vadd.f32 $9.999999960e-13, v44  }
0x41d: {  	v61 =	vadd.f32 v48, v47;
	v62 =	vperm.xlane v45, v2  }
0x41e: {  	v63 =	vmul.f32 $5.000000000e-01, v44;
	v44 =	vshra.s32 v44, $0x1  }
0x41f: {  	v44 =	vsub.s32 $0x5F3759DF, v44;
	v48 =	vperm.xlane v61, v2;
	v45 =	vadd.f32 v62, v45  }
0x420: {  	v53 =	vmul.f32 v44, v63  }
0x421: {  	v46 =	vadd.f32 v48, v61;
	v52 =	vperm.xlane v45, v3  }
0x422: {  	v49 =	vmul.f32 v44, v53  }
0x423: {  	v45 =	vadd.f32 v52, v45;
	v54 =	vperm.xlane v46, v3  }
0x424: {  	v55 =	vsub.f32 $1.500000000e+00, v49  }
0x425: {  	v46 =	vadd.f32 v54, v46;
	v45 =	vmul.f32 $1.562500000e-02, v45  }
0x426: {  	v44 =	vmul.f32 v44, v55  }
0x427: {  	v46 =	vmul.f32 $1.562500000e-02, v46;
	v56 =	vmul.f32 v45, v45;
	_ =	sdelay $0x1  }
0x428: {  	v47 =	vmul.f32 v44, v63;
	v46 =	vsub.f32 v46, v56  }
0x429: {  	v32 =	vmul.f32 v43, v32  }
0x42a: {  	v41 =	vmul.f32 v41, v42;
	v58 =	vmul.f32 v47, v44;
	v57 =	vadd.f32 $9.999999960e-13, v46  }
0x42b: {  	v18 =	vsub.f32 v18, v40;
	v19 =	vsub.f32 v19, v40;
	v30 =	vmul.f32 v37, v30  }
0x42c: {  	v59 =	vsub.f32 $1.500000000e+00, v58;
	v46 =	vmul.f32 $5.000000000e-01, v57;
	v43 =	vshra.s32 v57, $0x1  }
0x42d: {  	v17 =	vsub.f32 v17, v40;
	v34 =	vmul.f32 v34, v35;
	v60 =	vsub.s32 $0x5F3759DF, v43  }
0x42e: {  	v20 =	vsub.f32 v20, v40;
	v62 =	vmul.f32 v59, v44;
	v61 =	vmul.f32 v60, v46  }
0x42f: {  	v38 =	vadd.f32 v38, v10;
	v26 =	vmul.f32 v36, v26;
	v33 =	vperm.xlane v33, v5  }
0x430: {  	v32 =	vadd.f32 v32, v8;
	v49 =	vperm.xlane v62, v5;
	v48 =	vmul.f32 v60, v61  }
0x431: {  	v50 =	vadd.f32 v41, v8;
	v30 =	vadd.f32 v30, v7;
	v35 =	vperm.xlane v62, v4  }
0x432: {  	v24 =	vsub.f32 v24, v33;
	v51 =	vmul.f32 v49, v9;
	v37 =	vsub.f32 $1.500000000e+00, v48  }
0x433: {  	v34 =	vadd.f32 v34, v7;
	v52 =	vmul.f32 v35, v13;
	v53 =	vmul.f32 v49, v13  }
0x434: {  	v16 =	vsub.f32 v16, v33;
	v54 =	vmul.f32 v35, v12;
	v37 =	vmul.f32 v60, v37  }
0x435: {  	v15 =	vsub.f32 v15, v33;
	v58 =	vmul.f32 v49, v11;
	v41 =	vperm.xlane v45, v5  }
0x436: {  	v14 =	vsub.f32 v14, v33;
	v24 =	vmul.f32 v51, v24;
	v55 =	vmul.f32 v37, v46  }
0x437: {  	v26 =	vadd.f32 v26, v6;
	v56 =	vmul.f32 v49, v12;
	v18 =	vmul.f32 v52, v18  }
0x438: {  	[tilespmem:s7+$0x18838] =	vst v38;
	v63 =	vadd.f32 v39, v10;
	v16 =	vmul.f32 v53, v16;
	v59 =	vmul.f32 v55, v37  }
0x439: {  	[tilespmem:s7+$0x18848] =	vst v32;
	v19 =	vmul.f32 v54, v19;
	v47 =	vsub.f32 v23, v41;
	v51 =	vsub.f32 v22, v41  }
0x43a: {  	[tilespmem:s7+$0x188C8] =	vst v50;
	v14 =	vmul.f32 v58, v14;
	v24 =	vadd.f32 v24, v6;
	v61 =	vsub.f32 $1.500000000e+00, v59  }
0x43b: {  	[tilespmem:s7+$0x18858] =	vst v30;
	v15 =	vmul.f32 v56, v15;
	v18 =	vadd.f32 v18, v10;
	v57 =	vmul.f32 v35, v11  }
0x43c: {  	[tilespmem:s7+$0x188D8] =	vst v34;
	v16 =	vadd.f32 v16, v10;
	v35 =	vmul.f32 v35, v9;
	v39 =	vmul.f32 v61, v37  }
0x43d: {  	[tilespmem:s7+$0x188B8] =	vst v63;
	v19 =	vadd.f32 v19, v8;
	v14 =	vadd.f32 v14, v7  }
0x43e: {  	[tilespmem:s10+$0x188E8] =	vst v24;
	v15 =	vadd.f32 v15, v8;
	v20 =	vmul.f32 v35, v20;
	v32 =	vperm.xlane v39, v5  }
0x43f: {  	[tilespmem:s7+$0x18868] =	vst v26;
	v43 =	vsub.f32 v25, v41;
	v17 =	vmul.f32 v57, v17;
	v60 =	vperm.xlane v45, v4  }
0x440: {  	[tilespmem:s10+$0x18838] =	vst v18;
	v20 =	vadd.f32 v20, v6;
	v42 =	vperm.xlane v39, v4;
	v44 =	vmul.f32 v32, v9  }
0x441: {  	[tilespmem:s10+$0x188B8] =	vst v16;
	v45 =	vadd.f32 v17, v7;
	v62 =	vsub.f32 v29, v60  }
0x442: {  	[tilespmem:s10+$0x18848] =	vst v19;
	v63 =	vsub.f32 v31, v60;
	v46 =	vmul.f32 v42, v13;
	v48 =	vmul.f32 v44, v43  }
0x443: {  	[tilespmem:s10+$0x188C8] =	vst v15;
	v38 =	vsub.f32 v27, v60;
	v40 =	vsub.f32 v28, v60;
	v49 =	vmul.f32 v32, v13  }
0x444: {  	[tilespmem:s10+$0x188D8] =	vst v14;
	v50 =	vmul.f32 v42, v12;
	v17 =	vmul.f32 v46, v62;
	v53 =	vadd.f32 v48, v6  }
0x445: {  	[tilespmem:s10+$0x18858] =	vst v45;
	v55 =	vsub.f32 v21, v41;
	v52 =	vmul.f32 v32, v12;
	v13 =	vmul.f32 v49, v47  }
0x446: {  	v54 =	vmul.f32 v42, v11;
	v15 =	vmul.f32 v50, v63;
	v56 =	vadd.f32 v17, v10;
	[tilespmem:s11+$0x188E8] =	vst v53  }
0x447: {  	v57 =	vmul.f32 v32, v11;
	v12 =	vmul.f32 v52, v51;
	v58 =	vadd.f32 v13, v10;
	[tilespmem:s10+$0x18868] =	vst v20  }
0x448: {  	v59 =	vmul.f32 v42, v9;
	v60 =	vmul.f32 v54, v38;
	v61 =	vadd.f32 v15, v8;
	[tilespmem:s11+$0x18838] =	vst v56  }
0x449: {  	v11 =	vmul.f32 v57, v55;
	v62 =	vadd.f32 v12, v8;
	[tilespmem:s11+$0x188B8] =	vst v58  }
0x44a: {  	v9 =	vmul.f32 v59, v40;
	v63 =	vadd.f32 v60, v7;
	[tilespmem:s11+$0x18848] =	vst v61  }
0x44b: {  	v7 =	vadd.f32 v11, v7;
	[tilespmem:s11+$0x188C8] =	vst v62  }
0x44c: {  	v6 =	vadd.f32 v9, v6;
	[tilespmem:s11+$0x18858] =	vst v63  }
0x44d: {  	[tilespmem:s11+$0x188D8] =	vst v7  }
0x44e: {  	s31 =	rddreg [dreg:$0xb];
	s3 =	sadd.s32 $0x1, s3;
	[tilespmem:s11+$0x18868] =	vst v6  }
0x44f: {  	[hbm4b:s31+s6] =	stream.linear.scatter [tilespmem:s1], [sflag:$0x6], $0x4000, $0x38;
	[tilespmem:$0x1C938] =	vst v63  }
0x450: {  	p1 =	sne.s32 s3, s16;
	_ =	swait.ge [sflag:s19], $0x4000  }
.Ltmp7:
0x451: {  	[sflag:s19] =	ssyncset.done $0x0;
	(pc) =	sbr.rel @p1 .LBB2_1-.Ltmp7, $4  }
0x452: {  	[sflag:s19] =	ssyncadd.s32 $0xFFFFC000  }
0x453: {  	_ =	swait.ge [sflag:s29], $0x4000  }
0x454: {  	[sflag:s29] =	ssyncset.done $0x0  }
0x455: {  	[sflag:s29] =	ssyncadd.s32 $0xFFFFC000  }
0x456: {  	_ =	sfence.sel $0x180000  }
0x457: {  	[bflag:$0x0] =	sbarrier.arrive $0xFFFF  }
0x458: {  	_ =	strace $0x90000047  }
0x459: {  	[bflag:$0x2] =	sbarrier.arrive $0xFFFF  }
0x45a: {  	s0 =	rddreg [dreg:$0x5]  }
0x45b: {  	s0 =	sadd.s32 @!p0 $0x100000, s0  }
0x45c: {  	[sflag:s0] =	ssyncadd.tile.s32 @!p0 $0x1;
	_ =	shalt  }
.Lfunc_end2:
_tile_overlayer_lowered:
.L_overlay_start_2:
0x45d: {  	(tag) =	ssettag $0x2  }
0x45e: {  	s0 =	rddreg [dreg:$0x0];
	s2 =	stileid.u32  }
0x45f: {  	s1 =	rddreg [dreg:$0x1];
	p0 =	sne.s32 s2, $0x0  }
0x460: {  	s3 =	rddreg [dreg:$0x2];
	[bflag:$0x3] =	sbarrier.arrive $0xFFFF;
	s2 =	simm.s32 @!p0 $0x1C07  }
0x461: {  	[timem:s3], [sflag:s2] =	dma.local @!p0 [hbm:s0], s1  }
0x462: {  	s0 =	simm.s32 @!p0 $0x7  }
0x463: {  	_ =	swait.ge @!p0 [sflag:s0], s1  }
0x464: {  	s1 =	ssub.s32 @!p0 $0x0, s1;
	[sflag:s0] =	ssyncset.done @!p0 $0x0  }
0x465: {  	[sflag:s0] =	ssyncadd.s32 @!p0 s1  }
0x466: {  	[bflag:$0x3] =	sbarrier.arrive $0xFFFF  }
0x467: {  	_ =	shalt  }

// kernel: sparse-core-data-format-call.cloned.1.call-start
scs
called_computation_lowered:
.L_overlay_start_0:
0x0: {  	s2 =	sld [smem:$0x3FD9]  }
0x1: {  	s3 =	sld [smem:$0x3FFE];
	_ =	sdelay $0x1  }
0x2: {  	s1 =	srdreg.scid  }
0x3: {  	s0 =	sand.u32 $0x1, s1  }
0x4: {  	s18 =	sshll.u32 s0, $0xA;
	s2 =	sadd.s32 s3, s2  }
0x5: {  	s2 =	sadd.s32 s2, s18  }
0x6: {  	[smem:$0x3FC2] =	sst s2  }
0x7: {  	_ = 	snop  }
0x8: {  	s2 =	sld [smem:$0x3FD0];
	(tm) =	ssettm $0x1  }
0x9: {  	s19 =	sld [smem:$0x3FFB];
	_ =	sdelay $0x3  }
0xa: {  	_ =	strace s19  }
0xb: {  	s3 =	sld [smem:$0x3FFC];
	_ =	sdelay $0x3  }
0xc: {  	_ =	strace s3  }
0xd: {  	s3 =	sld [smem:$0x3FFD];
	_ =	sdelay $0x3  }
0xe: {  	_ =	strace s3  }
0xf: {  	_ =	strace $0x8FFFFFFF  }
0x10: {  	s20 =	sld [smem:$0x3FDB];
	_ =	sdelay $0x1  }
0x11: {  	s4 =	simm.s32 $_scs_section_size  }
0x12: {  	s5 =	simm.s32 $_size__tile_overlayer_lowered;
	s6 =	simm.s32 $_tile_overlayer_lowered  }
0x13: {  	s23 =	simm.s32 $0x1BFF;
	s22 =	sshll.u32 s6, $0x1;
	s3 =	sadd.s32 s4, s20  }
0x14: {  	s7 =	simm.s32 $0x0;
	s21 =	sshll.u32 s5, $0x1;
	s5 =	sadd.s32 s22, s3  }
0x15: {  	[timem:s7], [sflag:s23] =	dma.local [hbm:s5], s21  }
0x16: {  	_ =	swait.ge [sflag:s23], s21  }
0x17: {  	s4 =	ssub.s32 $0x0, s21;
	[sflag:s23] =	ssyncset.done $0x0  }
0x18: {  	[sflag:s23] =	ssyncadd.s32 s4;
	_ =	sdelay $0x1  }
0x19: {  	s24 =	simm.s32 $0x1B8B  }
0x1a: {  	_ =	swait.ge [sflag:s24], $0x1  }
0x1b: {  	[sflag:s24] =	ssyncset.done $0x0  }
0x1c: {  	s26 =	simm.s32 $0x1B8E;
	s25 =	sld [smem:$0x3FFE];
	[sflag:s24] =	ssyncadd.s32 $0xFFFFFFFF  }
0x1d: {  	s27 =	simm.s32 $execute0_lowered;
	[smem:$0x3FD2] =	sst s26  }
0x1e: {  	s5 =	sshll.u32 s27, $0x1;
	_ =	strace $0x80000049;
	[dreg:$0x1] =	wrdreg $0xFFFFFFFF  }
0x1f: {  	s28 =	simm.s32 $_size_execute0_lowered;
	s3 =	sadd.s32 s3, s5;
	[dreg:$0x0] =	wrdreg $0x0  }
0x20: {  	s5 =	sshll.u32 s28, $0x1;
	[dreg:$0x2] =	wrdreg s3  }
0x21: {  	[dreg:$0x3] =	wrdreg s5  }
0x22: {  	[dreg:$0x4] =	wrdreg $0xC0  }
0x23: {  	_ =	task [dreg:s7], $0x5FFFF  }
0x24: {  	[dreg:$0x1] =	wrdreg $0xFFFFFFFF  }
0x25: {  	[dreg:$0x0] =	wrdreg $0x60  }
0x26: {  	[dreg:$0x2] =	wrdreg s25  }
0x27: {  	[dreg:$0x3] =	wrdreg s2  }
0x28: {  	[dreg:$0x4] =	wrdreg $0x9  }
0x29: {  	_ =	task.clear_ibuf [dreg:s7], $0x5FFFF;
	_ =	strace $0x90000049  }
0x2a: {  	s29 =	simm.s32 $0x9;
	_ =	strace $0x8000004B  }
0x2b: {  	_ =	swait.ge [sflag:s29], $0x1  }
0x2c: {  	[sflag:s29] =	ssyncadd.s32 $0xFFFFFFFF  }
0x2d: {  	_ =	strace $0x9000004B  }
0x2e: {  	_ =	sfence  }
0x2f: {  	s30 =	sld [smem:$0x0];
	_ =	sdelay $0x2  }
0x30: {  	s31 =	sshll.u32 s1, $0xD;
	s1 =	sshrl.u32 s1, $0x2  }
0x31: {  	s3 =	sand.u32 $0x4000, s31;
	s1 =	sadd.s32 s1, s30  }
0x32: {  	s0 =	sor.u32 s3, s0;
	s1 =	sshll.u32 s1, $0x11  }
0x33: {  	s0 =	sor.u32 s1, s0  }
0x34: {  	s0 =	sadd.s32 $0x8F2B, s0  }
0x35: {  	[sflag:s0] =	ssyncadd.remote.s32 $0x1  }
0x36: {  	_ =	sfence.sel $0xFFFF  }
0x37: {  	[dreg:$0x0] =	wrdreg $0xFFFFFFFF;
	(pc) =	sbr.abs _section_cstart, $3  }
0x38: {  	[dreg:$0x1] =	wrdreg $0xFFFFFFFF  }
0x39: {  	_ =	task.clear_ibuf [dreg:s7], $0x2FFFF;
	_ =	strace $0x9FFFFFFF  }
0x3a: {  	(tm) =	ssettm $0x7FFFFFFF  }
0x3b: {  	_ =	shalt  }
tec
execute0_lowered:
.L_overlay_start_1:
0x0: {  	(tag) =	ssettag $0x1  }
0x1: {  	s0 =	srdreg.scid  }
0x2: {  	s1 =	sshll.u32 s0, $0x4  }
0x3: {  	s0 =	stileid.u32;
	s1 =	sand.u32 $0x10, s1  }
0x4: {  	s1 =	sor.u32 s0, s1  }
0x5: {  	s6 =	rddreg [dreg:$0x0];
	s4 =	simm.s32 $0x1;
	s2 =	sshll.u32 s1, $0x7  }
0x6: {  	s7 =	simm.s32 $0x2;
	s12 =	simm.s32 $0x0;
	s1 =	ssub.s32 $0x1000, s2  }
0x7: {  	s8 =	simm.s32 $0x8000;
	s13 =	simm.s32 $0x0;
	s3 =	sand.u32 $0xF80, s1  }
0x8: {  	s9 =	simm.s32 $0x0;
	s5 =	sshrl.u32 s1, $0xC;
	p0 =	sne.s32 s3, $0x0  }
.Ltmp0:
0x9: {  	s1 =	rddreg [dreg:$0x2];
	s4 =	simm.s32 @!p0 $0x0;
	(pc) =	sbr.rel .LBB1_1-.Ltmp0, $4  }
0xa: {  	s11 =	simm.s32 $0x0;
	s3 =	rddreg [dreg:$0x1];
	s5 =	sadd.s32 s4, s5  }
0xb: {  	_ =	strace $0x8000004A;
	s4 =	simm.s32 $0x1;
	s5 =	smul.u32 $0xC8, s5  }
0xc: {  	s6 =	sadd.s32 $0x32E00, s6;
	s10 =	smov.u32 s2;
	[sflag:s4] =	ssyncpa.u1 $0x0  }
0xd: {  	p0 =	por $0x0, $0x0;
	[sflag:s7] =	ssyncpa.u1 $0x0;
	s7 =	sor.u32 $0x1, s5  }
.LBB1_4:
0xe: {  	s16 =	sshll.u32 s13, $0x3;
	s17 =	sand.u32 $0x78, s13  }
0xf: {  	s30 =	sand.u32 $0x7E00, s13;
	s12 =	sshll.u32 s12, $0xF;
	s16 =	sand.u32 $0xC00, s16  }
0x10: {  	[tilespmem:s15+$0x810 ss:$0x81] =	vst.msk $0xffff, v2;
	s31 =	sand.u32 $0x7, s13;
	s16 =	sor.u32 s17, s16;
	s17 =	sadd.s32 s3, s30  }
0x11: {  	[tilespmem:s15+$0x1020 ss:$0x81] =	vst.msk $0xffff, v0;
	s13 =	sshll.u32 s31, $0x12;
	s12 =	sadd.s32 s12, s17;
	s16 =	sshrl.u32 s16, $0x3  }
0x12: {  	[tilespmem:s15+$0x0 ss:$0x81] =	vst.msk $0xffff, v1;
	s13 =	sor.u32 $0x400, s13;
	s12 =	sadd.s32 s16, s12  }
0x13: {  	[hbm4b:s12+s13] =	stream.strided.scatter [tilespmem:s14], [sflag:$0x2], $0x2000, s8, s13, $0x20;
	[tilespmem:$0x8080] =	vst v63  }
.LBB1_5:
0x14: {  	s14 =	sadd.s32 $0x1, s9  }
0x15: {  	s12 =	sadd.s32 $0x1000, s10;
	s16 =	smov.u32 s10;
	p2 =	sgt.s32 s14, $0xC7  }
0x16: {  	s16 =	smov.u32 @p2 s12  }
0x17: {  	s14 =	simm.s32 @p2 $0x0;
	p2 =	sgt.s32 s16, $0xFFF  }
0x18: {  	s16 =	smov.u32 @p2 s2;
	p2 =	sne.s32 s11, s7  }
.Ltmp1:
0x19: {  	p1 =	slt.u32 s11, $0x2;
	(pc) =	sbr.rel @!p2 .LBB1_6-.Ltmp1, $4  }
0x1a: {  	s15 =	simm.s32 @!p1 $0x2  }
0x1b: {  	s13 =	smov.u32 s10;
	p0 =	por !p0, !p0;
	_ =	swait.ge @!p1 [sflag:s15], $0x2000  }
0x1c: {  	s12 =	smov.u32 s9;
	[sflag:s15] =	ssyncset.done @!p1 $0x0;
	s9 =	smov.u32 s14  }
0x1d: {  	s11 =	sadd.s32 $0x1, s11;
	[sflag:s15] =	ssyncadd.s32 @!p1 $0xFFFFE000;
	s10 =	smov.u32 s16  }
.LBB1_1:
0x1e: {  	p1 =	sge.u32 s11, s5  }
0x1f: {  	s14 =	sand.u32 @!p1 $0x1FFFFFF, s9  }
0x20: {  	s15 =	smulhi.u32 @!p1 $0x147AE15, s14;
	_ =	sdelay $0x1  }
0x21: {  	s15 =	smul.u32 @!p1 $0xC8, s15  }
0x22: {  	s16 =	sxor.u32 @!p1 $0xFFFFFFFF, s11;
	s17 =	smul.u32 @!p1 $0xC80, s10  }
0x23: {  	s31 =	sadd.s32 $0xFFFFFFFF, s11;
	s16 =	sshll.u32 @!p1 s16, $0xD;
	s14 =	ssub.s32 @!p1 s14, s15  }
0x24: {  	s15 =	sand.u32 @!p1 $0x2000, s16;
	s16 =	sadd.s32 @!p1 s6, s17;
	s14 =	sshll.u32 @!p1 s14, $0x4  }
0x25: {  	s17 =	simm.s32 @!p1 $0x6400;
	s14 =	sadd.s32 @!p1 s14, s16;
	s16 =	simm.s32 @!p1 $0x40  }
0x26: {  	[tilespmem:s15], [sflag:$0x1] =	stream.strided.gather @!p1 [hbm4b:s14+s16], $0x2000, s17, s16, $0x38;
	[tilespmem:$0x8080] =	vst v63  }
0x27: {  	p1 =	sge.u32 s31, s5  }
.Ltmp2:
0x28: {  	_ = 	snop;
	(pc) =	sbr.rel @p1 .LBB1_5-.Ltmp2, $1  }
0x29: {  	_ =	sdelay $0x3  }
0x2a: {  	s14 =	simm.s32 $0x1  }
0x2b: {  	_ =	swait.ge [sflag:s4], $0x2000;
	s14 =	simm.s32 @!p0 $0x0  }
0x2c: {  	[sflag:s4] =	ssyncset.done $0x0;
	s15 =	sshll.u32 s14, $0xD  }
0x2d: {  	[sflag:s4] =	ssyncadd.s32 $0xFFFFE000;
	s18 =	sor.u32 $0x20, s15  }
0x2e: {  	s14 =	smul.u32 $0x8100, s14;
	v3 =	vld [tilespmem:s18+$0x10]  }
0x2f: {  	s30 =	sand.u32 $0x1, s11;
	v2 =	vld [tilespmem:s18+$0xFFFFFFF0]  }
0x30: {  	s15 =	smul.u32 $0x8100, s30;
	s14 =	sshrl.u32 s14, $0x2;
	v0 =	vld [tilespmem:s18+$0x0]  }
0x31: {  	v1 =	vld [tilespmem:s18+$0xFFFFFFE0];
	s16 =	sor.u32 $0x4000, s14  }
0x32: {  	s31 =	sshrl.u32 s15, $0x2;
	s15 =	sadd.s32 $0x0, s16  }
0x33: {  	s17 =	simm.s32 $0x4;
	s18 =	sadd.s32 $0x40, s18;
	s14 =	sor.u32 $0x4000, s31;
	[tilespmem:s15+$0x1830 ss:$0x81] =	vst.msk $0xffff, v3  }
.LBB1_3:
0x34: {  	v3 =	vld [tilespmem:s18+$0x10];
	p1 =	sne.s32 s17, $0x1FC;
	[tilespmem:s15+$0x810 ss:$0x81] =	vst.msk $0xffff, v2;
	s19 =	smov.u32 s17;
	s17 =	sadd.s32 $0x4, s17  }
.Ltmp3:
0x35: {  	v2 =	vld [tilespmem:s18+$0xFFFFFFF0];
	[tilespmem:s15+$0x1020 ss:$0x81] =	vst.msk $0xffff, v0;
	(pc) =	sbr.rel @p1 .LBB1_3-.Ltmp3, $4  }
0x36: {  	v0 =	vld [tilespmem:s18+$0x0];
	[tilespmem:s15+$0x0 ss:$0x81] =	vst.msk $0xffff, v1  }
0x37: {  	s15 =	sshra.s32 s19, $0x2;
	v1 =	vld [tilespmem:s18+$0xFFFFFFE0]  }
0x38: {  	s15 =	sadd.s32 s15, s16  }
0x39: {  	s18 =	sadd.s32 $0x40, s18;
	[tilespmem:s15+$0x1830 ss:$0x81] =	vst.msk $0xffff, v3  }
.Ltmp4:
0x3a: {  	_ = 	snop;
	(pc) =	sbr.rel .LBB1_4-.Ltmp4, $1  }
0x3b: {  	_ =	sdelay $0x3  }
.LBB1_6:
0x3c: {  	_ =	sfence.sel $0x180000  }
0x3d: {  	s2 =	simm.s32 $0x1;
	[bflag:$0x0] =	sbarrier.arrive $0xFFFF  }
0x3e: {  	s31 =	simm.s32 $0x2;
	[sflag:s2] =	ssyncpa.u1 $0x1  }
0x3f: {  	[sflag:s31] =	ssyncpa.u1 $0x1  }
0x40: {  	p0 =	sne.s32 s0, $0x0;
	_ =	strace $0x9000004A  }
0x41: {  	s0 =	sadd.s32 @!p0 $0x100000, s1;
	[bflag:$0x2] =	sbarrier.arrive $0xFFFF  }
0x42: {  	[sflag:s0] =	ssyncadd.tile.s32 @!p0 $0x1;
	_ =	shalt  }
.Lfunc_end1:
_tile_overlayer_lowered:
.L_overlay_start_2:
0x43: {  	(tag) =	ssettag $0x2  }
0x44: {  	s0 =	rddreg [dreg:$0x0];
	s2 =	stileid.u32  }
0x45: {  	s1 =	rddreg [dreg:$0x1];
	p0 =	sne.s32 s2, $0x0  }
0x46: {  	s3 =	rddreg [dreg:$0x2];
	[bflag:$0x3] =	sbarrier.arrive $0xFFFF;
	s2 =	simm.s32 @!p0 $0x1C01  }
0x47: {  	[timem:s3], [sflag:s2] =	dma.local @!p0 [hbm:s0], s1  }
0x48: {  	s0 =	simm.s32 @!p0 $0x1  }
0x49: {  	_ =	swait.ge @!p0 [sflag:s0], s1  }
0x4a: {  	s1 =	ssub.s32 @!p0 $0x0, s1;
	[sflag:s0] =	ssyncset.done @!p0 $0x0  }
0x4b: {  	[sflag:s0] =	ssyncadd.s32 @!p0 s1  }
0x4c: {  	[bflag:$0x3] =	sbarrier.arrive $0xFFFF  }
0x4d: {  	_ =	shalt  }

</sc_bundles>
